<compile_context>
chip_gen: v7x
topology: tpu7x:2x2x1
jax: 0.10.2.dev20260603
libtpu: 0.0.44.dev20260713+nightly
codegen_flags: <defaults>
</compile_context>

<pallas_src>
import functools

import jax
import jax.numpy as jnp
from jax import lax
from jax.experimental import pallas as pl
from jax.experimental.pallas import tpu as pltpu
from jax.experimental.pallas import tpu_sc as plsc

B = 16384
H = 200
D = 128
OUT = 1000

NC = 2
NS = 16
NW = NC * NS
HC = H // 2
ACC = 32
IDXB = 32
NSLOT = 2
NCHUNK = 1
CB = B // NCHUNK
BQ = 1024


def _emb_sum(x, table, dep, row0, nrows):
  b_per_w = nrows // NW
  nblk = b_per_w // IDXB
  mesh = plsc.VectorSubcoreMesh(
      core_axis_name="c", subcore_axis_name="s", num_cores=NC, num_subcores=NS)

  @functools.partial(
      pl.kernel,
      mesh=mesh,
      out_type=jax.ShapeDtypeStruct((nrows, D), jnp.float32),
      scratch_types=[
          pltpu.VMEM((2, IDXB, 2, HC), jnp.int32),
          pltpu.VMEM((NSLOT, 2, HC, D), jnp.float32),
          pltpu.VMEM((ACC, D), jnp.float32),
          pltpu.SemaphoreType.DMA,
          pltpu.SemaphoreType.DMA,
          pltpu.SemaphoreType.DMA,
      ],
  )
  def emb_kernel(x_hbm, table_hbm, dep_hbm, out_hbm, idxblk_v, rows_v, acc_v,
                 sem0, sem1, isem):
    del dep_hbm
    wid = lax.axis_index("s") * NC + lax.axis_index("c")
    base = wid * b_per_w
    xbase = row0 + base
    sems = (sem0, sem1)

    def idx_copy(blk, slot):
      return pltpu.make_async_copy(
          x_hbm.at[pl.ds(xbase + blk * IDXB, IDXB)], idxblk_v.at[slot], isem)

    def fire(e, s):
      blk_slot = lax.rem(e // IDXB, 2)
      r = lax.rem(e, IDXB)
      for j in range(2):
        pltpu.async_copy(
            table_hbm.at[idxblk_v.at[blk_slot].at[r].at[j]],
            rows_v.at[s].at[j], sems[s])

    def drain(s):
      for j in range(2):
        pltpu.make_async_copy(
            table_hbm.at[idxblk_v.at[0].at[0].at[j]],
            rows_v.at[s].at[j], sems[s]).wait()

    def reduce_into(s, row):
      def red(h, accs):
        return tuple(
            accs[j]
            + rows_v[s, 0, h, pl.ds(16 * j, 16)]
            + rows_v[s, 1, h, pl.ds(16 * j, 16)]
            for j in range(D // 16))

      accs = lax.fori_loop(
          0, HC, red,
          tuple(jnp.zeros((16,), jnp.float32) for _ in range(D // 16)),
          unroll=4)
      for j in range(D // 16):
        acc_v[row, pl.ds(16 * j, 16)] = accs[j]

    idx_copy(0, 0).start()
    idx_copy(0, 0).wait()
    idx_copy(1, 1).start()
    for s in range(NSLOT):
      fire(s, s)

    def grp_body(gg, carry):
      e0 = NSLOT * gg
      for s in range(NSLOT):
        e = e0 + s
        drain(s)
        reduce_into(s, lax.rem(e, ACC))

        nxt = e + NSLOT
        rn = lax.rem(nxt, IDXB)

        @pl.when(nxt < b_per_w)
        def _():
          @pl.when(rn == 0)
          def _():
            idx_copy(0, 0).wait()

          fire(nxt, s)

          @pl.when(jnp.logical_and(rn == NSLOT, nxt < (nblk - 1) * IDXB))
          def _():
            nxtblk = nxt // IDXB + 1
            idx_copy(nxtblk, lax.rem(nxtblk, 2)).start()

      @pl.when(lax.rem(e0 + NSLOT - 1, ACC) == ACC - 1)
      def _():
        off = pl.multiple_of(base + e0 + NSLOT - ACC, ACC)
        pltpu.sync_copy(acc_v, out_hbm.at[pl.ds(off, ACC)])

      return carry

    lax.fori_loop(0, b_per_w // NSLOT, grp_body, 0)

  return emb_kernel(x, table, dep)


def _head_math(emb_ref, bias_ref, w_ref, b_ref, out_ref):
  e = emb_ref[...]
  nrm = jnp.sum(e * e, axis=1, keepdims=True)
  q = jnp.maximum(e * lax.rsqrt(nrm) + bias_ref[...], 0.0)
  out_ref[...] = lax.dot_general(
      q, w_ref[...], (((1,), (1,)), ((), ())),
      preferred_element_type=jnp.float32) + b_ref[...]


def _head_first(emb_ref, bias_ref, w_ref, b_ref, out_ref):
  _head_math(emb_ref, bias_ref, w_ref, b_ref, out_ref)


def _head_next(emb_ref, bias_ref, w_ref, b_ref, prev_ref, out_ref):
  del prev_ref
  _head_math(emb_ref, bias_ref, w_ref, b_ref, out_ref)


def _head_chunk(emb_c, bias2, w, b2, prev, blk_off):
  common_specs = [
      pl.BlockSpec((BQ, D), lambda i: (i, 0)),
      pl.BlockSpec((1, D), lambda i: (0, 0)),
      pl.BlockSpec((OUT, D), lambda i: (0, 0)),
      pl.BlockSpec((1, OUT), lambda i: (0, 0)),
  ]
  out_spec = pl.BlockSpec((BQ, OUT), lambda i, o=blk_off: (i + o, 0))
  if prev is None:
    return pl.pallas_call(
        _head_first,
        grid=(CB // BQ,),
        in_specs=common_specs,
        out_specs=out_spec,
        out_shape=jax.ShapeDtypeStruct((B, OUT), jnp.float32),
    )(emb_c, bias2, w, b2)
  return pl.pallas_call(
      _head_next,
      grid=(CB // BQ,),
      in_specs=common_specs + [pl.BlockSpec((8, 128), lambda i: (0, 0))],
      out_specs=out_spec,
      out_shape=jax.ShapeDtypeStruct((B, OUT), jnp.float32),
      input_output_aliases={4: 0},
  )(emb_c, bias2, w, b2, prev)


def kernel(x, y, triplet_flag, debug, emb_table, bias, W, b):
  xi = x.astype(jnp.int32).reshape(B, 2, HC)
  bias2 = bias.reshape(1, D)
  b2 = b.reshape(1, OUT)
  embs = []
  dep = bias2
  for k in range(NCHUNK):
    e_k = _emb_sum(xi, emb_table, dep, k * CB, CB)
    embs.append(e_k)
    dep = e_k
  emb = jnp.concatenate(embs, axis=0)
  return pl.pallas_call(
      _head_first,
      grid=(B // BQ,),
      in_specs=[
          pl.BlockSpec((BQ, D), lambda i: (i, 0)),
          pl.BlockSpec((1, D), lambda i: (0, 0)),
          pl.BlockSpec((OUT, D), lambda i: (0, 0)),
          pl.BlockSpec((1, OUT), lambda i: (0, 0)),
      ],
      out_specs=pl.BlockSpec((BQ, OUT), lambda i: (i, 0)),
      out_shape=jax.ShapeDtypeStruct((B, OUT), jnp.float32),
  )(emb, bias2, W, b2)

# --- scband reference (transcript-rebuilt; emitter-appended) ---
"""Pipeline reference for scband-net-48498770706963 (READ-ONLY COPY).

The authoritative reference and input builder live on the scoring server;
editing this copy changes nothing except your own understanding.
"""

import jax, jax.numpy as jnp
import numpy as np
import math

INPUT_SIZE = 1000000
OUTPUT_SIZE = 1000
EMB_DIM = 128
BATCH = 16384
HIST = 200


def setup_inputs(seed: int = 0) -> dict:
    key = jax.random.key(seed)
    k1, k2, k3, k4, k5 = jax.random.split(key, 5)
    x = jax.random.randint(k1, (BATCH, HIST), 0, INPUT_SIZE)
    y = jax.random.randint(k2, (BATCH,), 0, OUTPUT_SIZE)
    # nn.Embedding(input_size+1, 128, padding_idx=input_size): padding row zeroed
    emb_table = jax.random.normal(k3, (INPUT_SIZE + 1, EMB_DIM), dtype=jnp.float32)
    emb_table = emb_table.at[INPUT_SIZE].set(0.0)
    stdv = 1.0 / math.sqrt(INPUT_SIZE)
    bias = jax.random.uniform(k4, (EMB_DIM,), minval=-stdv, maxval=stdv, dtype=jnp.float32)
    # LSHSampledLayer params: weight uniform(-0.05, 0.05), bias zeros
    W = jax.random.uniform(k5, (OUTPUT_SIZE, EMB_DIM), minval=-0.05, maxval=0.05, dtype=jnp.float32)
    b = jnp.zeros((OUTPUT_SIZE,), dtype=jnp.float32)
    return {"x": x, "y": y, "triplet_flag": False, "debug": False,
            "emb_table": emb_table, "bias": bias, "W": W, "b": b}


def reference(x, y, triplet_flag, debug, emb_table, bias, W, b):
    # emb = sum over history of embedding lookups (SparseCore gather + segment-sum)
    emb = jnp.take(emb_table, x, axis=0).sum(axis=1)  # [B, 128]
    # L2 normalize
    emb = emb / jnp.linalg.norm(emb, axis=1, keepdims=True)
    # query = relu(emb + bias)
    query = jax.nn.relu(emb + bias)
    # eval-mode LSHSampledLayer.forward: full dense logits
    logits = jnp.matmul(query, W.T) + b  # [B, OUTPUT_SIZE]
    return logits

if __name__ == "__main__":
    import jax
    _d = setup_inputs()
    print(jax.jit(kernel)(*tuple(_d.values())))

</pallas_src>

<mosaic_0001>
#map = affine_map<(d0, d1) -> (0, 0, 0)>
#map1 = affine_map<(d0, d1) -> (0, 0)>
module attributes {stable_mosaic.version = 14 : i64} {
  func.func @emb_kernel(%arg0: i32, %arg1: i32, %arg2: memref<16384x2x100xi32, #tpu.memory_space<hbm>>, %arg3: memref<1000001x128xf32, #tpu.memory_space<hbm>>, %arg4: memref<1x128xf32, #tpu.memory_space<hbm>>, %arg5: memref<16384x128xf32, #tpu.memory_space<hbm>>, %arg6: memref<2x32x2x100xi32, #tpu.memory_space<vmem>>, %arg7: memref<2x2x100x128xf32, #tpu.memory_space<vmem>>, %arg8: memref<32x128xf32, #tpu.memory_space<vmem>>, %arg9: memref<!tpu.dma_semaphore, #tpu.memory_space<semaphore_mem>>, %arg10: memref<!tpu.dma_semaphore, #tpu.memory_space<semaphore_mem>>, %arg11: memref<!tpu.dma_semaphore, #tpu.memory_space<semaphore_mem>>) attributes {dimension_semantics = [#tpu.dimension_semantics<core_parallel>, #tpu.dimension_semantics<subcore_parallel>], iteration_bounds = array<i64: 2, 16>, scalar_prefetch = 0 : i64, scratch_operands = 6 : i64, tpu.core_type = #tpu.core_type<sc_vector_subcore>, window_params = [{transform_indices = #map}, {transform_indices = #map1}, {transform_indices = #map1}, {transform_indices = #map1}]} {
    %mul3A = arith.constant 2 : i32
    %mul3A_0 = arith.muli %arg1, %mul3A : i32
    %add3A = arith.addi %mul3A_0, %arg0 : i32
    %mul3A_1 = arith.constant 512 : i32
    %mul3A_2 = arith.muli %add3A, %mul3A_1 : i32
    %add3A_3 = arith.constant 0 : i32
    %add3A_4 = arith.addi %add3A_3, %mul3A_2 : i32
    %add3A_5 = arith.constant 0 : i32
    %add3A_6 = arith.addi %add3A_4, %add3A_5 : i32
    %dma_start3A = arith.constant 0 : i32
    %dma_start3A_7 = arith.constant 0 : i32
    %dma_start3A_8 = arith.constant 0 : i32
    %dma_start3A_9 = arith.constant 0 : i32
    %dma_start3A_10 = tpu.memref_slice %arg6[%dma_start3A, %dma_start3A_7, %dma_start3A_8, %dma_start3A_9] : memref<2x32x2x100xi32, #tpu.memory_space<vmem>> -> memref<1x32x2x100xi32, #tpu.memory_space<vmem>>
    %dma_start3A_11 = tpu.memref_squeeze %dma_start3A_10 : memref<1x32x2x100xi32, #tpu.memory_space<vmem>> -> memref<32x2x100xi32, #tpu.memory_space<vmem>>
    %dma_start3A_12 = arith.constant 0 : i32
    %dma_start3A_13 = arith.constant 0 : i32
    %dma_start3A_14 = tpu.memref_slice %arg2[%add3A_6, %dma_start3A_12, %dma_start3A_13] : memref<16384x2x100xi32, #tpu.memory_space<hbm>> -> memref<32x2x100xi32, #tpu.memory_space<hbm>>
    %dma_start3A_15 = arith.constant 0 : i32
    %dma_start3A_16 = arith.constant 0 : i32
    %dma_start3A_17 = arith.constant 0 : i32
    %dma_start3A_18 = tpu.memref_slice %arg6[%dma_start3A, %dma_start3A_15, %dma_start3A_16, %dma_start3A_17] : memref<2x32x2x100xi32, #tpu.memory_space<vmem>> -> memref<1x32x2x100xi32, #tpu.memory_space<vmem>>
    %dma_start3A_19 = tpu.memref_squeeze %dma_start3A_18 : memref<1x32x2x100xi32, #tpu.memory_space<vmem>> -> memref<32x2x100xi32, #tpu.memory_space<vmem>>
    %dma_start3A_20 = arith.constant 0 : i32
    %dma_start3A_21 = arith.constant 0 : i32
    %dma_start3A_22 = tpu.memref_slice %arg2[%add3A_6, %dma_start3A_20, %dma_start3A_21] : memref<16384x2x100xi32, #tpu.memory_space<hbm>> -> memref<32x2x100xi32, #tpu.memory_space<hbm>>
    tpu.enqueue_dma source(%dma_start3A_22 : memref<32x2x100xi32, #tpu.memory_space<hbm>>) target(%dma_start3A_19 : memref<32x2x100xi32, #tpu.memory_space<vmem>>) target_semaphore(%arg11 : memref<!tpu.dma_semaphore, #tpu.memory_space<semaphore_mem>>)
    %add3A_23 = arith.constant 0 : i32
    %add3A_24 = arith.addi %add3A_4, %add3A_23 : i32
    %dma_wait3A = arith.constant 0 : i32
    %dma_wait3A_25 = arith.constant 0 : i32
    %dma_wait3A_26 = arith.constant 0 : i32
    %dma_wait3A_27 = arith.constant 0 : i32
    %dma_wait3A_28 = tpu.memref_slice %arg6[%dma_wait3A, %dma_wait3A_25, %dma_wait3A_26, %dma_wait3A_27] : memref<2x32x2x100xi32, #tpu.memory_space<vmem>> -> memref<1x32x2x100xi32, #tpu.memory_space<vmem>>
    %dma_wait3A_29 = tpu.memref_squeeze %dma_wait3A_28 : memref<1x32x2x100xi32, #tpu.memory_space<vmem>> -> memref<32x2x100xi32, #tpu.memory_space<vmem>>
    %dma_wait3A_30 = arith.constant 0 : i32
    %dma_wait3A_31 = arith.constant 0 : i32
    %dma_wait3A_32 = tpu.memref_slice %arg2[%add3A_24, %dma_wait3A_30, %dma_wait3A_31] : memref<16384x2x100xi32, #tpu.memory_space<hbm>> -> memref<32x2x100xi32, #tpu.memory_space<hbm>>
    %dma_wait3A_33 = arith.constant 0 : i32
    %dma_wait3A_34 = arith.constant 0 : i32
    %dma_wait3A_35 = arith.constant 0 : i32
    %dma_wait3A_36 = tpu.memref_slice %arg6[%dma_wait3A, %dma_wait3A_33, %dma_wait3A_34, %dma_wait3A_35] : memref<2x32x2x100xi32, #tpu.memory_space<vmem>> -> memref<1x32x2x100xi32, #tpu.memory_space<vmem>>
    %dma_wait3A_37 = tpu.memref_squeeze %dma_wait3A_36 : memref<1x32x2x100xi32, #tpu.memory_space<vmem>> -> memref<32x2x100xi32, #tpu.memory_space<vmem>>
    %dma_wait3A_38 = arith.constant 0 : i32
    %dma_wait3A_39 = arith.constant 0 : i32
    %dma_wait3A_40 = tpu.memref_slice %arg2[%add3A_24, %dma_wait3A_38, %dma_wait3A_39] : memref<16384x2x100xi32, #tpu.memory_space<hbm>> -> memref<32x2x100xi32, #tpu.memory_space<hbm>>
    tpu.wait_dma2 semaphore(%arg11 : memref<!tpu.dma_semaphore, #tpu.memory_space<semaphore_mem>>) src(%dma_wait3A_40 : memref<32x2x100xi32, #tpu.memory_space<hbm>>) dst(%dma_wait3A_37 : memref<32x2x100xi32, #tpu.memory_space<vmem>>)
    %add3A_41 = arith.constant 32 : i32
    %add3A_42 = arith.addi %add3A_4, %add3A_41 : i32
    %dma_start3A_43 = arith.constant 1 : i32
    %dma_start3A_44 = arith.constant 0 : i32
    %dma_start3A_45 = arith.constant 0 : i32
    %dma_start3A_46 = arith.constant 0 : i32
    %dma_start3A_47 = tpu.memref_slice %arg6[%dma_start3A_43, %dma_start3A_44, %dma_start3A_45, %dma_start3A_46] : memref<2x32x2x100xi32, #tpu.memory_space<vmem>> -> memref<1x32x2x100xi32, #tpu.memory_space<vmem>>
    %dma_start3A_48 = tpu.memref_squeeze %dma_start3A_47 : memref<1x32x2x100xi32, #tpu.memory_space<vmem>> -> memref<32x2x100xi32, #tpu.memory_space<vmem>>
    %dma_start3A_49 = arith.constant 0 : i32
    %dma_start3A_50 = arith.constant 0 : i32
    %dma_start3A_51 = tpu.memref_slice %arg2[%add3A_42, %dma_start3A_49, %dma_start3A_50] : memref<16384x2x100xi32, #tpu.memory_space<hbm>> -> memref<32x2x100xi32, #tpu.memory_space<hbm>>
    %dma_start3A_52 = arith.constant 0 : i32
    %dma_start3A_53 = arith.constant 0 : i32
    %dma_start3A_54 = arith.constant 0 : i32
    %dma_start3A_55 = tpu.memref_slice %arg6[%dma_start3A_43, %dma_start3A_52, %dma_start3A_53, %dma_start3A_54] : memref<2x32x2x100xi32, #tpu.memory_space<vmem>> -> memref<1x32x2x100xi32, #tpu.memory_space<vmem>>
    %dma_start3A_56 = tpu.memref_squeeze %dma_start3A_55 : memref<1x32x2x100xi32, #tpu.memory_space<vmem>> -> memref<32x2x100xi32, #tpu.memory_space<vmem>>
    %dma_start3A_57 = arith.constant 0 : i32
    %dma_start3A_58 = arith.constant 0 : i32
    %dma_start3A_59 = tpu.memref_slice %arg2[%add3A_42, %dma_start3A_57, %dma_start3A_58] : memref<16384x2x100xi32, #tpu.memory_space<hbm>> -> memref<32x2x100xi32, #tpu.memory_space<hbm>>
    tpu.enqueue_dma source(%dma_start3A_59 : memref<32x2x100xi32, #tpu.memory_space<hbm>>) target(%dma_start3A_56 : memref<32x2x100xi32, #tpu.memory_space<vmem>>) target_semaphore(%arg11 : memref<!tpu.dma_semaphore, #tpu.memory_space<semaphore_mem>>)
    %rem3A = arith.constant 0 : i32
    %rem3A_60 = arith.constant 2 : i32
    %rem3A_61 = arith.remsi %rem3A, %rem3A_60 : i32
    %rem3A_62 = arith.constant 0 : i32
    %rem3A_63 = arith.constant 32 : i32
    %rem3A_64 = arith.remsi %rem3A_62, %rem3A_63 : i32
    %dma_start3A_65 = arith.constant 0 : i32
    %dma_start3A_66 = arith.constant 0 : i32
    %dma_start3A_67 = arith.constant 0 : i32
    %dma_start3A_68 = arith.constant 0 : i32
    %dma_start3A_69 = arith.constant 0 : i32
    %dma_start3A_70 = arith.constant 0 : i32
    %dma_start3A_71 = tpu.memref_slice %arg7[%dma_start3A_66, %dma_start3A_68, %dma_start3A_69, %dma_start3A_70] : memref<2x2x100x128xf32, #tpu.memory_space<vmem>> -> memref<1x2x100x128xf32, #tpu.memory_space<vmem>>
    %dma_start3A_72 = tpu.memref_squeeze %dma_start3A_71 : memref<1x2x100x128xf32, #tpu.memory_space<vmem>> -> memref<2x100x128xf32, #tpu.memory_space<vmem>>
    %dma_start3A_73 = arith.constant 0 : i32
    %dma_start3A_74 = arith.constant 0 : i32
    %dma_start3A_75 = tpu.memref_slice %dma_start3A_72[%dma_start3A_67, %dma_start3A_73, %dma_start3A_74] : memref<2x100x128xf32, #tpu.memory_space<vmem>> -> memref<1x100x128xf32, #tpu.memory_space<vmem>>
    %dma_start3A_76 = tpu.memref_squeeze %dma_start3A_75 : memref<1x100x128xf32, #tpu.memory_space<vmem>> -> memref<100x128xf32, #tpu.memory_space<vmem>>
    %dma_start3A_77 = arith.constant 0 : i32
    %dma_start3A_78 = arith.constant 0 : i32
    %dma_start3A_79 = arith.constant 0 : i32
    %dma_start3A_80 = tpu.memref_slice %arg6[%rem3A_61, %dma_start3A_77, %dma_start3A_78, %dma_start3A_79] : memref<2x32x2x100xi32, #tpu.memory_space<vmem>> -> memref<1x32x2x100xi32, #tpu.memory_space<vmem>>
    %dma_start3A_81 = tpu.memref_squeeze %dma_start3A_80 : memref<1x32x2x100xi32, #tpu.memory_space<vmem>> -> memref<32x2x100xi32, #tpu.memory_space<vmem>>
    %dma_start3A_82 = arith.constant 0 : i32
    %dma_start3A_83 = arith.constant 0 : i32
    %dma_start3A_84 = tpu.memref_slice %dma_start3A_81[%rem3A_64, %dma_start3A_82, %dma_start3A_83] : memref<32x2x100xi32, #tpu.memory_space<vmem>> -> memref<1x2x100xi32, #tpu.memory_space<vmem>>
    %dma_start3A_85 = tpu.memref_squeeze %dma_start3A_84 : memref<1x2x100xi32, #tpu.memory_space<vmem>> -> memref<2x100xi32, #tpu.memory_space<vmem>>
    %dma_start3A_86 = arith.constant 0 : i32
    %dma_start3A_87 = tpu.memref_slice %dma_start3A_85[%dma_start3A_65, %dma_start3A_86] : memref<2x100xi32, #tpu.memory_space<vmem>> -> memref<1x100xi32, #tpu.memory_space<vmem>>
    %dma_start3A_88 = tpu.memref_squeeze %dma_start3A_87 : memref<1x100xi32, #tpu.memory_space<vmem>> -> memref<100xi32, #tpu.memory_space<vmem>>
    %dma_start3A_89 = arith.constant 0 : i32
    %dma_start3A_90 = arith.constant 0 : i32
    %dma_start3A_91 = tpu.memref_slice %arg3[%dma_start3A_89, %dma_start3A_90] : memref<1000001x128xf32, #tpu.memory_space<hbm>> -> memref<1000001x128xf32, #tpu.memory_space<hbm>>
    tpu.enqueue_indirect_dma source(%dma_start3A_91 : memref<1000001x128xf32, #tpu.memory_space<hbm>>) target(%dma_start3A_76 : memref<100x128xf32, #tpu.memory_space<vmem>>) offsets(%dma_start3A_88 : memref<100xi32, #tpu.memory_space<vmem>>) semaphore(%arg9 : memref<!tpu.dma_semaphore, #tpu.memory_space<semaphore_mem>>)
    %dma_start3A_92 = arith.constant 1 : i32
    %dma_start3A_93 = arith.constant 0 : i32
    %dma_start3A_94 = arith.constant 1 : i32
    %dma_start3A_95 = arith.constant 0 : i32
    %dma_start3A_96 = arith.constant 0 : i32
    %dma_start3A_97 = arith.constant 0 : i32
    %dma_start3A_98 = tpu.memref_slice %arg7[%dma_start3A_93, %dma_start3A_95, %dma_start3A_96, %dma_start3A_97] : memref<2x2x100x128xf32, #tpu.memory_space<vmem>> -> memref<1x2x100x128xf32, #tpu.memory_space<vmem>>
    %dma_start3A_99 = tpu.memref_squeeze %dma_start3A_98 : memref<1x2x100x128xf32, #tpu.memory_space<vmem>> -> memref<2x100x128xf32, #tpu.memory_space<vmem>>
    %dma_start3A_100 = arith.constant 0 : i32
    %dma_start3A_101 = arith.constant 0 : i32
    %dma_start3A_102 = tpu.memref_slice %dma_start3A_99[%dma_start3A_94, %dma_start3A_100, %dma_start3A_101] : memref<2x100x128xf32, #tpu.memory_space<vmem>> -> memref<1x100x128xf32, #tpu.memory_space<vmem>>
    %dma_start3A_103 = tpu.memref_squeeze %dma_start3A_102 : memref<1x100x128xf32, #tpu.memory_space<vmem>> -> memref<100x128xf32, #tpu.memory_space<vmem>>
    %dma_start3A_104 = arith.constant 0 : i32
    %dma_start3A_105 = arith.constant 0 : i32
    %dma_start3A_106 = arith.constant 0 : i32
    %dma_start3A_107 = tpu.memref_slice %arg6[%rem3A_61, %dma_start3A_104, %dma_start3A_105, %dma_start3A_106] : memref<2x32x2x100xi32, #tpu.memory_space<vmem>> -> memref<1x32x2x100xi32, #tpu.memory_space<vmem>>
    %dma_start3A_108 = tpu.memref_squeeze %dma_start3A_107 : memref<1x32x2x100xi32, #tpu.memory_space<vmem>> -> memref<32x2x100xi32, #tpu.memory_space<vmem>>
    %dma_start3A_109 = arith.constant 0 : i32
    %dma_start3A_110 = arith.constant 0 : i32
    %dma_start3A_111 = tpu.memref_slice %dma_start3A_108[%rem3A_64, %dma_start3A_109, %dma_start3A_110] : memref<32x2x100xi32, #tpu.memory_space<vmem>> -> memref<1x2x100xi32, #tpu.memory_space<vmem>>
    %dma_start3A_112 = tpu.memref_squeeze %dma_start3A_111 : memref<1x2x100xi32, #tpu.memory_space<vmem>> -> memref<2x100xi32, #tpu.memory_space<vmem>>
    %dma_start3A_113 = arith.constant 0 : i32
    %dma_start3A_114 = tpu.memref_slice %dma_start3A_112[%dma_start3A_92, %dma_start3A_113] : memref<2x100xi32, #tpu.memory_space<vmem>> -> memref<1x100xi32, #tpu.memory_space<vmem>>
    %dma_start3A_115 = tpu.memref_squeeze %dma_start3A_114 : memref<1x100xi32, #tpu.memory_space<vmem>> -> memref<100xi32, #tpu.memory_space<vmem>>
    %dma_start3A_116 = arith.constant 0 : i32
    %dma_start3A_117 = arith.constant 0 : i32
    %dma_start3A_118 = tpu.memref_slice %arg3[%dma_start3A_116, %dma_start3A_117] : memref<1000001x128xf32, #tpu.memory_space<hbm>> -> memref<1000001x128xf32, #tpu.memory_space<hbm>>
    tpu.enqueue_indirect_dma source(%dma_start3A_118 : memref<1000001x128xf32, #tpu.memory_space<hbm>>) target(%dma_start3A_103 : memref<100x128xf32, #tpu.memory_space<vmem>>) offsets(%dma_start3A_115 : memref<100xi32, #tpu.memory_space<vmem>>) semaphore(%arg9 : memref<!tpu.dma_semaphore, #tpu.memory_space<semaphore_mem>>)
    %rem3A_119 = arith.constant 0 : i32
    %rem3A_120 = arith.constant 2 : i32
    %rem3A_121 = arith.remsi %rem3A_119, %rem3A_120 : i32
    %rem3A_122 = arith.constant 1 : i32
    %rem3A_123 = arith.constant 32 : i32
    %rem3A_124 = arith.remsi %rem3A_122, %rem3A_123 : i32
    %dma_start3A_125 = arith.constant 0 : i32
    %dma_start3A_126 = arith.constant 1 : i32
    %dma_start3A_127 = arith.constant 0 : i32
    %dma_start3A_128 = arith.constant 0 : i32
    %dma_start3A_129 = arith.constant 0 : i32
    %dma_start3A_130 = arith.constant 0 : i32
    %dma_start3A_131 = tpu.memref_slice %arg7[%dma_start3A_126, %dma_start3A_128, %dma_start3A_129, %dma_start3A_130] : memref<2x2x100x128xf32, #tpu.memory_space<vmem>> -> memref<1x2x100x128xf32, #tpu.memory_space<vmem>>
    %dma_start3A_132 = tpu.memref_squeeze %dma_start3A_131 : memref<1x2x100x128xf32, #tpu.memory_space<vmem>> -> memref<2x100x128xf32, #tpu.memory_space<vmem>>
    %dma_start3A_133 = arith.constant 0 : i32
    %dma_start3A_134 = arith.constant 0 : i32
    %dma_start3A_135 = tpu.memref_slice %dma_start3A_132[%dma_start3A_127, %dma_start3A_133, %dma_start3A_134] : memref<2x100x128xf32, #tpu.memory_space<vmem>> -> memref<1x100x128xf32, #tpu.memory_space<vmem>>
    %dma_start3A_136 = tpu.memref_squeeze %dma_start3A_135 : memref<1x100x128xf32, #tpu.memory_space<vmem>> -> memref<100x128xf32, #tpu.memory_space<vmem>>
    %dma_start3A_137 = arith.constant 0 : i32
    %dma_start3A_138 = arith.constant 0 : i32
    %dma_start3A_139 = arith.constant 0 : i32
    %dma_start3A_140 = tpu.memref_slice %arg6[%rem3A_121, %dma_start3A_137, %dma_start3A_138, %dma_start3A_139] : memref<2x32x2x100xi32, #tpu.memory_space<vmem>> -> memref<1x32x2x100xi32, #tpu.memory_space<vmem>>
    %dma_start3A_141 = tpu.memref_squeeze %dma_start3A_140 : memref<1x32x2x100xi32, #tpu.memory_space<vmem>> -> memref<32x2x100xi32, #tpu.memory_space<vmem>>
    %dma_start3A_142 = arith.constant 0 : i32
    %dma_start3A_143 = arith.constant 0 : i32
    %dma_start3A_144 = tpu.memref_slice %dma_start3A_141[%rem3A_124, %dma_start3A_142, %dma_start3A_143] : memref<32x2x100xi32, #tpu.memory_space<vmem>> -> memref<1x2x100xi32, #tpu.memory_space<vmem>>
    %dma_start3A_145 = tpu.memref_squeeze %dma_start3A_144 : memref<1x2x100xi32, #tpu.memory_space<vmem>> -> memref<2x100xi32, #tpu.memory_space<vmem>>
    %dma_start3A_146 = arith.constant 0 : i32
    %dma_start3A_147 = tpu.memref_slice %dma_start3A_145[%dma_start3A_125, %dma_start3A_146] : memref<2x100xi32, #tpu.memory_space<vmem>> -> memref<1x100xi32, #tpu.memory_space<vmem>>
    %dma_start3A_148 = tpu.memref_squeeze %dma_start3A_147 : memref<1x100xi32, #tpu.memory_space<vmem>> -> memref<100xi32, #tpu.memory_space<vmem>>
    %dma_start3A_149 = arith.constant 0 : i32
    %dma_start3A_150 = arith.constant 0 : i32
    %dma_start3A_151 = tpu.memref_slice %arg3[%dma_start3A_149, %dma_start3A_150] : memref<1000001x128xf32, #tpu.memory_space<hbm>> -> memref<1000001x128xf32, #tpu.memory_space<hbm>>
    tpu.enqueue_indirect_dma source(%dma_start3A_151 : memref<1000001x128xf32, #tpu.memory_space<hbm>>) target(%dma_start3A_136 : memref<100x128xf32, #tpu.memory_space<vmem>>) offsets(%dma_start3A_148 : memref<100xi32, #tpu.memory_space<vmem>>) semaphore(%arg10 : memref<!tpu.dma_semaphore, #tpu.memory_space<semaphore_mem>>)
    %dma_start3A_152 = arith.constant 1 : i32
    %dma_start3A_153 = arith.constant 1 : i32
    %dma_start3A_154 = arith.constant 1 : i32
    %dma_start3A_155 = arith.constant 0 : i32
    %dma_start3A_156 = arith.constant 0 : i32
    %dma_start3A_157 = arith.constant 0 : i32
    %dma_start3A_158 = tpu.memref_slice %arg7[%dma_start3A_153, %dma_start3A_155, %dma_start3A_156, %dma_start3A_157] : memref<2x2x100x128xf32, #tpu.memory_space<vmem>> -> memref<1x2x100x128xf32, #tpu.memory_space<vmem>>
    %dma_start3A_159 = tpu.memref_squeeze %dma_start3A_158 : memref<1x2x100x128xf32, #tpu.memory_space<vmem>> -> memref<2x100x128xf32, #tpu.memory_space<vmem>>
    %dma_start3A_160 = arith.constant 0 : i32
    %dma_start3A_161 = arith.constant 0 : i32
    %dma_start3A_162 = tpu.memref_slice %dma_start3A_159[%dma_start3A_154, %dma_start3A_160, %dma_start3A_161] : memref<2x100x128xf32, #tpu.memory_space<vmem>> -> memref<1x100x128xf32, #tpu.memory_space<vmem>>
    %dma_start3A_163 = tpu.memref_squeeze %dma_start3A_162 : memref<1x100x128xf32, #tpu.memory_space<vmem>> -> memref<100x128xf32, #tpu.memory_space<vmem>>
    %dma_start3A_164 = arith.constant 0 : i32
    %dma_start3A_165 = arith.constant 0 : i32
    %dma_start3A_166 = arith.constant 0 : i32
    %dma_start3A_167 = tpu.memref_slice %arg6[%rem3A_121, %dma_start3A_164, %dma_start3A_165, %dma_start3A_166] : memref<2x32x2x100xi32, #tpu.memory_space<vmem>> -> memref<1x32x2x100xi32, #tpu.memory_space<vmem>>
    %dma_start3A_168 = tpu.memref_squeeze %dma_start3A_167 : memref<1x32x2x100xi32, #tpu.memory_space<vmem>> -> memref<32x2x100xi32, #tpu.memory_space<vmem>>
    %dma_start3A_169 = arith.constant 0 : i32
    %dma_start3A_170 = arith.constant 0 : i32
    %dma_start3A_171 = tpu.memref_slice %dma_start3A_168[%rem3A_124, %dma_start3A_169, %dma_start3A_170] : memref<32x2x100xi32, #tpu.memory_space<vmem>> -> memref<1x2x100xi32, #tpu.memory_space<vmem>>
    %dma_start3A_172 = tpu.memref_squeeze %dma_start3A_171 : memref<1x2x100xi32, #tpu.memory_space<vmem>> -> memref<2x100xi32, #tpu.memory_space<vmem>>
    %dma_start3A_173 = arith.constant 0 : i32
    %dma_start3A_174 = tpu.memref_slice %dma_start3A_172[%dma_start3A_152, %dma_start3A_173] : memref<2x100xi32, #tpu.memory_space<vmem>> -> memref<1x100xi32, #tpu.memory_space<vmem>>
    %dma_start3A_175 = tpu.memref_squeeze %dma_start3A_174 : memref<1x100xi32, #tpu.memory_space<vmem>> -> memref<100xi32, #tpu.memory_space<vmem>>
    %dma_start3A_176 = arith.constant 0 : i32
    %dma_start3A_177 = arith.constant 0 : i32
    %dma_start3A_178 = tpu.memref_slice %arg3[%dma_start3A_176, %dma_start3A_177] : memref<1000001x128xf32, #tpu.memory_space<hbm>> -> memref<1000001x128xf32, #tpu.memory_space<hbm>>
    tpu.enqueue_indirect_dma source(%dma_start3A_178 : memref<1000001x128xf32, #tpu.memory_space<hbm>>) target(%dma_start3A_163 : memref<100x128xf32, #tpu.memory_space<vmem>>) offsets(%dma_start3A_175 : memref<100xi32, #tpu.memory_space<vmem>>) semaphore(%arg10 : memref<!tpu.dma_semaphore, #tpu.memory_space<semaphore_mem>>)
    %scan3A = arith.constant 0 : i32
    %scan3A_179 = arith.constant 0 : i32
    %scan3A_180 = arith.constant 256 : i32
    %scan3A_181 = arith.addi %scan3A_179, %scan3A_180 : i32
    %scan3A_182 = arith.constant 1 : i32
    scf.for %scan3A_184 = %scan3A_179 to %scan3A_181 step %scan3A_182  : i32 {
      %mul3A_185 = arith.constant 2 : i32
      %mul3A_186 = arith.muli %mul3A_185, %scan3A_184 : i32
      %add3A_187 = arith.constant 0 : i32
      %add3A_188 = arith.addi %mul3A_186, %add3A_187 : i32
      %dma_wait3A_189 = arith.constant 0 : i32
      %dma_wait3A_190 = arith.constant 0 : i32
      %dma_wait3A_191 = arith.constant 0 : i32
      %dma_wait3A_192 = arith.constant 0 : i32
      %dma_wait3A_193 = arith.constant 0 : i32
      %dma_wait3A_194 = arith.constant 0 : i32
      %dma_wait3A_195 = arith.constant 0 : i32
      %dma_wait3A_196 = arith.constant 0 : i32
      %dma_wait3A_197 = tpu.memref_slice %arg7[%dma_wait3A_192, %dma_wait3A_194, %dma_wait3A_195, %dma_wait3A_196] : memref<2x2x100x128xf32, #tpu.memory_space<vmem>> -> memref<1x2x100x128xf32, #tpu.memory_space<vmem>>
      %dma_wait3A_198 = tpu.memref_squeeze %dma_wait3A_197 : memref<1x2x100x128xf32, #tpu.memory_space<vmem>> -> memref<2x100x128xf32, #tpu.memory_space<vmem>>
      %dma_wait3A_199 = arith.constant 0 : i32
      %dma_wait3A_200 = arith.constant 0 : i32
      %dma_wait3A_201 = tpu.memref_slice %dma_wait3A_198[%dma_wait3A_193, %dma_wait3A_199, %dma_wait3A_200] : memref<2x100x128xf32, #tpu.memory_space<vmem>> -> memref<1x100x128xf32, #tpu.memory_space<vmem>>
      %dma_wait3A_202 = tpu.memref_squeeze %dma_wait3A_201 : memref<1x100x128xf32, #tpu.memory_space<vmem>> -> memref<100x128xf32, #tpu.memory_space<vmem>>
      %dma_wait3A_203 = arith.constant 0 : i32
      %dma_wait3A_204 = arith.constant 0 : i32
      %dma_wait3A_205 = arith.constant 0 : i32
      %dma_wait3A_206 = tpu.memref_slice %arg6[%dma_wait3A_189, %dma_wait3A_203, %dma_wait3A_204, %dma_wait3A_205] : memref<2x32x2x100xi32, #tpu.memory_space<vmem>> -> memref<1x32x2x100xi32, #tpu.memory_space<vmem>>
      %dma_wait3A_207 = tpu.memref_squeeze %dma_wait3A_206 : memref<1x32x2x100xi32, #tpu.memory_space<vmem>> -> memref<32x2x100xi32, #tpu.memory_space<vmem>>
      %dma_wait3A_208 = arith.constant 0 : i32
      %dma_wait3A_209 = arith.constant 0 : i32
      %dma_wait3A_210 = tpu.memref_slice %dma_wait3A_207[%dma_wait3A_190, %dma_wait3A_208, %dma_wait3A_209] : memref<32x2x100xi32, #tpu.memory_space<vmem>> -> memref<1x2x100xi32, #tpu.memory_space<vmem>>
      %dma_wait3A_211 = tpu.memref_squeeze %dma_wait3A_210 : memref<1x2x100xi32, #tpu.memory_space<vmem>> -> memref<2x100xi32, #tpu.memory_space<vmem>>
      %dma_wait3A_212 = arith.constant 0 : i32
      %dma_wait3A_213 = tpu.memref_slice %dma_wait3A_211[%dma_wait3A_191, %dma_wait3A_212] : memref<2x100xi32, #tpu.memory_space<vmem>> -> memref<1x100xi32, #tpu.memory_space<vmem>>
      %dma_wait3A_214 = tpu.memref_squeeze %dma_wait3A_213 : memref<1x100xi32, #tpu.memory_space<vmem>> -> memref<100xi32, #tpu.memory_space<vmem>>
      %dma_wait3A_215 = arith.constant 0 : i32
      %dma_wait3A_216 = arith.constant 0 : i32
      %dma_wait3A_217 = tpu.memref_slice %arg3[%dma_wait3A_215, %dma_wait3A_216] : memref<1000001x128xf32, #tpu.memory_space<hbm>> -> memref<1000001x128xf32, #tpu.memory_space<hbm>>
      tpu.wait_indirect_dma semaphore(%arg9 : memref<!tpu.dma_semaphore, #tpu.memory_space<semaphore_mem>>) src(%dma_wait3A_217 : memref<1000001x128xf32, #tpu.memory_space<hbm>>) dst(%dma_wait3A_202 : memref<100x128xf32, #tpu.memory_space<vmem>>)
      %dma_wait3A_218 = arith.constant 0 : i32
      %dma_wait3A_219 = arith.constant 0 : i32
      %dma_wait3A_220 = arith.constant 1 : i32
      %dma_wait3A_221 = arith.constant 0 : i32
      %dma_wait3A_222 = arith.constant 1 : i32
      %dma_wait3A_223 = arith.constant 0 : i32
      %dma_wait3A_224 = arith.constant 0 : i32
      %dma_wait3A_225 = arith.constant 0 : i32
      %dma_wait3A_226 = tpu.memref_slice %arg7[%dma_wait3A_221, %dma_wait3A_223, %dma_wait3A_224, %dma_wait3A_225] : memref<2x2x100x128xf32, #tpu.memory_space<vmem>> -> memref<1x2x100x128xf32, #tpu.memory_space<vmem>>
      %dma_wait3A_227 = tpu.memref_squeeze %dma_wait3A_226 : memref<1x2x100x128xf32, #tpu.memory_space<vmem>> -> memref<2x100x128xf32, #tpu.memory_space<vmem>>
      %dma_wait3A_228 = arith.constant 0 : i32
      %dma_wait3A_229 = arith.constant 0 : i32
      %dma_wait3A_230 = tpu.memref_slice %dma_wait3A_227[%dma_wait3A_222, %dma_wait3A_228, %dma_wait3A_229] : memref<2x100x128xf32, #tpu.memory_space<vmem>> -> memref<1x100x128xf32, #tpu.memory_space<vmem>>
      %dma_wait3A_231 = tpu.memref_squeeze %dma_wait3A_230 : memref<1x100x128xf32, #tpu.memory_space<vmem>> -> memref<100x128xf32, #tpu.memory_space<vmem>>
      %dma_wait3A_232 = arith.constant 0 : i32
      %dma_wait3A_233 = arith.constant 0 : i32
      %dma_wait3A_234 = arith.constant 0 : i32
      %dma_wait3A_235 = tpu.memref_slice %arg6[%dma_wait3A_218, %dma_wait3A_232, %dma_wait3A_233, %dma_wait3A_234] : memref<2x32x2x100xi32, #tpu.memory_space<vmem>> -> memref<1x32x2x100xi32, #tpu.memory_space<vmem>>
      %dma_wait3A_236 = tpu.memref_squeeze %dma_wait3A_235 : memref<1x32x2x100xi32, #tpu.memory_space<vmem>> -> memref<32x2x100xi32, #tpu.memory_space<vmem>>
      %dma_wait3A_237 = arith.constant 0 : i32
      %dma_wait3A_238 = arith.constant 0 : i32
      %dma_wait3A_239 = tpu.memref_slice %dma_wait3A_236[%dma_wait3A_219, %dma_wait3A_237, %dma_wait3A_238] : memref<32x2x100xi32, #tpu.memory_space<vmem>> -> memref<1x2x100xi32, #tpu.memory_space<vmem>>
      %dma_wait3A_240 = tpu.memref_squeeze %dma_wait3A_239 : memref<1x2x100xi32, #tpu.memory_space<vmem>> -> memref<2x100xi32, #tpu.memory_space<vmem>>
      %dma_wait3A_241 = arith.constant 0 : i32
      %dma_wait3A_242 = tpu.memref_slice %dma_wait3A_240[%dma_wait3A_220, %dma_wait3A_241] : memref<2x100xi32, #tpu.memory_space<vmem>> -> memref<1x100xi32, #tpu.memory_space<vmem>>
      %dma_wait3A_243 = tpu.memref_squeeze %dma_wait3A_242 : memref<1x100xi32, #tpu.memory_space<vmem>> -> memref<100xi32, #tpu.memory_space<vmem>>
      %dma_wait3A_244 = arith.constant 0 : i32
      %dma_wait3A_245 = arith.constant 0 : i32
      %dma_wait3A_246 = tpu.memref_slice %arg3[%dma_wait3A_244, %dma_wait3A_245] : memref<1000001x128xf32, #tpu.memory_space<hbm>> -> memref<1000001x128xf32, #tpu.memory_space<hbm>>
      tpu.wait_indirect_dma semaphore(%arg9 : memref<!tpu.dma_semaphore, #tpu.memory_space<semaphore_mem>>) src(%dma_wait3A_246 : memref<1000001x128xf32, #tpu.memory_space<hbm>>) dst(%dma_wait3A_231 : memref<100x128xf32, #tpu.memory_space<vmem>>)
      %rem3A_247 = arith.constant 32 : i32
      %rem3A_248 = arith.remsi %add3A_188, %rem3A_247 : i32
      %broadcast_in_dim3A = arith.constant 0.000000e+00 : f32
      %broadcast_in_dim3A_249 = vector.broadcast %broadcast_in_dim3A : f32 to vector<16xf32>
      %broadcast_in_dim3A_250 = arith.constant 0.000000e+00 : f32
      %broadcast_in_dim3A_251 = vector.broadcast %broadcast_in_dim3A_250 : f32 to vector<16xf32>
      %broadcast_in_dim3A_252 = arith.constant 0.000000e+00 : f32
      %broadcast_in_dim3A_253 = vector.broadcast %broadcast_in_dim3A_252 : f32 to vector<16xf32>
      %broadcast_in_dim3A_254 = arith.constant 0.000000e+00 : f32
      %broadcast_in_dim3A_255 = vector.broadcast %broadcast_in_dim3A_254 : f32 to vector<16xf32>
      %broadcast_in_dim3A_256 = arith.constant 0.000000e+00 : f32
      %broadcast_in_dim3A_257 = vector.broadcast %broadcast_in_dim3A_256 : f32 to vector<16xf32>
      %broadcast_in_dim3A_258 = arith.constant 0.000000e+00 : f32
      %broadcast_in_dim3A_259 = vector.broadcast %broadcast_in_dim3A_258 : f32 to vector<16xf32>
      %broadcast_in_dim3A_260 = arith.constant 0.000000e+00 : f32
      %broadcast_in_dim3A_261 = vector.broadcast %broadcast_in_dim3A_260 : f32 to vector<16xf32>
      %broadcast_in_dim3A_262 = arith.constant 0.000000e+00 : f32
      %broadcast_in_dim3A_263 = vector.broadcast %broadcast_in_dim3A_262 : f32 to vector<16xf32>
      %scan3A_264 = arith.constant 0 : i32
      %scan3A_265 = arith.constant 100 : i32
      %scan3A_266 = arith.addi %scan3A_264, %scan3A_265 : i32
      %scan3A_267 = arith.constant 4 : i32
      %scan3A_268:8 = scf.for %scan3A_457 = %scan3A_264 to %scan3A_266 step %scan3A_267 iter_args(%scan3A_458 = %broadcast_in_dim3A_249, %scan3A_459 = %broadcast_in_dim3A_251, %scan3A_460 = %broadcast_in_dim3A_253, %scan3A_461 = %broadcast_in_dim3A_255, %scan3A_462 = %broadcast_in_dim3A_257, %scan3A_463 = %broadcast_in_dim3A_259, %scan3A_464 = %broadcast_in_dim3A_261, %scan3A_465 = %broadcast_in_dim3A_263) -> (vector<16xf32>, vector<16xf32>, vector<16xf32>, vector<16xf32>, vector<16xf32>, vector<16xf32>, vector<16xf32>, vector<16xf32>)  : i32 {
        %get3A = arith.constant 0 : i32
        %get3A_466 = arith.constant 0 : i32
        %get3A_467 = arith.index_cast %get3A : i32 to index
        %get3A_468 = arith.index_cast %get3A_466 : i32 to index
        %get3A_469 = arith.index_cast %scan3A_457 : i32 to index
        %get3A_470 = arith.constant 0 : index
        %get3A_471 = tpu.vector_load %arg7[%get3A_467, %get3A_468, %get3A_469, %get3A_470] {strides = array<i32>} : memref<2x2x100x128xf32, #tpu.memory_space<vmem>>, vector<1x1x1x16xf32>,
        %get3A_472 = vector.shape_cast %get3A_471 : vector<1x1x1x16xf32> to vector<16xf32>
        %add3A_473 = arith.addf %scan3A_458, %get3A_472 : vector<16xf32>
        %get3A_474 = arith.constant 0 : i32
        %get3A_475 = arith.constant 1 : i32
        %get3A_476 = arith.index_cast %get3A_474 : i32 to index
        %get3A_477 = arith.index_cast %get3A_475 : i32 to index
        %get3A_478 = arith.index_cast %scan3A_457 : i32 to index
        %get3A_479 = arith.constant 0 : index
        %get3A_480 = tpu.vector_load %arg7[%get3A_476, %get3A_477, %get3A_478, %get3A_479] {strides = array<i32>} : memref<2x2x100x128xf32, #tpu.memory_space<vmem>>, vector<1x1x1x16xf32>,
        %get3A_481 = vector.shape_cast %get3A_480 : vector<1x1x1x16xf32> to vector<16xf32>
        %add3A_482 = arith.addf %add3A_473, %get3A_481 : vector<16xf32>
        %get3A_483 = arith.constant 0 : i32
        %get3A_484 = arith.constant 0 : i32
        %get3A_485 = arith.index_cast %get3A_483 : i32 to index
        %get3A_486 = arith.index_cast %get3A_484 : i32 to index
        %get3A_487 = arith.index_cast %scan3A_457 : i32 to index
        %get3A_488 = arith.constant 16 : index
        %get3A_489 = tpu.vector_load %arg7[%get3A_485, %get3A_486, %get3A_487, %get3A_488] {strides = array<i32>} : memref<2x2x100x128xf32, #tpu.memory_space<vmem>>, vector<1x1x1x16xf32>,
        %get3A_490 = vector.shape_cast %get3A_489 : vector<1x1x1x16xf32> to vector<16xf32>
        %add3A_491 = arith.addf %scan3A_459, %get3A_490 : vector<16xf32>
        %get3A_492 = arith.constant 0 : i32
        %get3A_493 = arith.constant 1 : i32
        %get3A_494 = arith.index_cast %get3A_492 : i32 to index
        %get3A_495 = arith.index_cast %get3A_493 : i32 to index
        %get3A_496 = arith.index_cast %scan3A_457 : i32 to index
        %get3A_497 = arith.constant 16 : index
        %get3A_498 = tpu.vector_load %arg7[%get3A_494, %get3A_495, %get3A_496, %get3A_497] {strides = array<i32>} : memref<2x2x100x128xf32, #tpu.memory_space<vmem>>, vector<1x1x1x16xf32>,
        %get3A_499 = vector.shape_cast %get3A_498 : vector<1x1x1x16xf32> to vector<16xf32>
        %add3A_500 = arith.addf %add3A_491, %get3A_499 : vector<16xf32>
        %get3A_501 = arith.constant 0 : i32
        %get3A_502 = arith.constant 0 : i32
        %get3A_503 = arith.index_cast %get3A_501 : i32 to index
        %get3A_504 = arith.index_cast %get3A_502 : i32 to index
        %get3A_505 = arith.index_cast %scan3A_457 : i32 to index
        %get3A_506 = arith.constant 32 : index
        %get3A_507 = tpu.vector_load %arg7[%get3A_503, %get3A_504, %get3A_505, %get3A_506] {strides = array<i32>} : memref<2x2x100x128xf32, #tpu.memory_space<vmem>>, vector<1x1x1x16xf32>,
        %get3A_508 = vector.shape_cast %get3A_507 : vector<1x1x1x16xf32> to vector<16xf32>
        %add3A_509 = arith.addf %scan3A_460, %get3A_508 : vector<16xf32>
        %get3A_510 = arith.constant 0 : i32
        %get3A_511 = arith.constant 1 : i32
        %get3A_512 = arith.index_cast %get3A_510 : i32 to index
        %get3A_513 = arith.index_cast %get3A_511 : i32 to index
        %get3A_514 = arith.index_cast %scan3A_457 : i32 to index
        %get3A_515 = arith.constant 32 : index
        %get3A_516 = tpu.vector_load %arg7[%get3A_512, %get3A_513, %get3A_514, %get3A_515] {strides = array<i32>} : memref<2x2x100x128xf32, #tpu.memory_space<vmem>>, vector<1x1x1x16xf32>,
        %get3A_517 = vector.shape_cast %get3A_516 : vector<1x1x1x16xf32> to vector<16xf32>
        %add3A_518 = arith.addf %add3A_509, %get3A_517 : vector<16xf32>
        %get3A_519 = arith.constant 0 : i32
        %get3A_520 = arith.constant 0 : i32
        %get3A_521 = arith.index_cast %get3A_519 : i32 to index
        %get3A_522 = arith.index_cast %get3A_520 : i32 to index
        %get3A_523 = arith.index_cast %scan3A_457 : i32 to index
        %get3A_524 = arith.constant 48 : index
        %get3A_525 = tpu.vector_load %arg7[%get3A_521, %get3A_522, %get3A_523, %get3A_524] {strides = array<i32>} : memref<2x2x100x128xf32, #tpu.memory_space<vmem>>, vector<1x1x1x16xf32>,
        %get3A_526 = vector.shape_cast %get3A_525 : vector<1x1x1x16xf32> to vector<16xf32>
        %add3A_527 = arith.addf %scan3A_461, %get3A_526 : vector<16xf32>
        %get3A_528 = arith.constant 0 : i32
        %get3A_529 = arith.constant 1 : i32
        %get3A_530 = arith.index_cast %get3A_528 : i32 to index
        %get3A_531 = arith.index_cast %get3A_529 : i32 to index
        %get3A_532 = arith.index_cast %scan3A_457 : i32 to index
        %get3A_533 = arith.constant 48 : index
        %get3A_534 = tpu.vector_load %arg7[%get3A_530, %get3A_531, %get3A_532, %get3A_533] {strides = array<i32>} : memref<2x2x100x128xf32, #tpu.memory_space<vmem>>, vector<1x1x1x16xf32>,
        %get3A_535 = vector.shape_cast %get3A_534 : vector<1x1x1x16xf32> to vector<16xf32>
        %add3A_536 = arith.addf %add3A_527, %get3A_535 : vector<16xf32>
        %get3A_537 = arith.constant 0 : i32
        %get3A_538 = arith.constant 0 : i32
        %get3A_539 = arith.index_cast %get3A_537 : i32 to index
        %get3A_540 = arith.index_cast %get3A_538 : i32 to index
        %get3A_541 = arith.index_cast %scan3A_457 : i32 to index
        %get3A_542 = arith.constant 64 : index
        %get3A_543 = tpu.vector_load %arg7[%get3A_539, %get3A_540, %get3A_541, %get3A_542] {strides = array<i32>} : memref<2x2x100x128xf32, #tpu.memory_space<vmem>>, vector<1x1x1x16xf32>,
        %get3A_544 = vector.shape_cast %get3A_543 : vector<1x1x1x16xf32> to vector<16xf32>
        %add3A_545 = arith.addf %scan3A_462, %get3A_544 : vector<16xf32>
        %get3A_546 = arith.constant 0 : i32
        %get3A_547 = arith.constant 1 : i32
        %get3A_548 = arith.index_cast %get3A_546 : i32 to index
        %get3A_549 = arith.index_cast %get3A_547 : i32 to index
        %get3A_550 = arith.index_cast %scan3A_457 : i32 to index
        %get3A_551 = arith.constant 64 : index
        %get3A_552 = tpu.vector_load %arg7[%get3A_548, %get3A_549, %get3A_550, %get3A_551] {strides = array<i32>} : memref<2x2x100x128xf32, #tpu.memory_space<vmem>>, vector<1x1x1x16xf32>,
        %get3A_553 = vector.shape_cast %get3A_552 : vector<1x1x1x16xf32> to vector<16xf32>
        %add3A_554 = arith.addf %add3A_545, %get3A_553 : vector<16xf32>
        %get3A_555 = arith.constant 0 : i32
        %get3A_556 = arith.constant 0 : i32
        %get3A_557 = arith.index_cast %get3A_555 : i32 to index
        %get3A_558 = arith.index_cast %get3A_556 : i32 to index
        %get3A_559 = arith.index_cast %scan3A_457 : i32 to index
        %get3A_560 = arith.constant 80 : index
        %get3A_561 = tpu.vector_load %arg7[%get3A_557, %get3A_558, %get3A_559, %get3A_560] {strides = array<i32>} : memref<2x2x100x128xf32, #tpu.memory_space<vmem>>, vector<1x1x1x16xf32>,
        %get3A_562 = vector.shape_cast %get3A_561 : vector<1x1x1x16xf32> to vector<16xf32>
        %add3A_563 = arith.addf %scan3A_463, %get3A_562 : vector<16xf32>
        %get3A_564 = arith.constant 0 : i32
        %get3A_565 = arith.constant 1 : i32
        %get3A_566 = arith.index_cast %get3A_564 : i32 to index
        %get3A_567 = arith.index_cast %get3A_565 : i32 to index
        %get3A_568 = arith.index_cast %scan3A_457 : i32 to index
        %get3A_569 = arith.constant 80 : index
        %get3A_570 = tpu.vector_load %arg7[%get3A_566, %get3A_567, %get3A_568, %get3A_569] {strides = array<i32>} : memref<2x2x100x128xf32, #tpu.memory_space<vmem>>, vector<1x1x1x16xf32>,
        %get3A_571 = vector.shape_cast %get3A_570 : vector<1x1x1x16xf32> to vector<16xf32>
        %add3A_572 = arith.addf %add3A_563, %get3A_571 : vector<16xf32>
        %get3A_573 = arith.constant 0 : i32
        %get3A_574 = arith.constant 0 : i32
        %get3A_575 = arith.index_cast %get3A_573 : i32 to index
        %get3A_576 = arith.index_cast %get3A_574 : i32 to index
        %get3A_577 = arith.index_cast %scan3A_457 : i32 to index
        %get3A_578 = arith.constant 96 : index
        %get3A_579 = tpu.vector_load %arg7[%get3A_575, %get3A_576, %get3A_577, %get3A_578] {strides = array<i32>} : memref<2x2x100x128xf32, #tpu.memory_space<vmem>>, vector<1x1x1x16xf32>,
        %get3A_580 = vector.shape_cast %get3A_579 : vector<1x1x1x16xf32> to vector<16xf32>
        %add3A_581 = arith.addf %scan3A_464, %get3A_580 : vector<16xf32>
        %get3A_582 = arith.constant 0 : i32
        %get3A_583 = arith.constant 1 : i32
        %get3A_584 = arith.index_cast %get3A_582 : i32 to index
        %get3A_585 = arith.index_cast %get3A_583 : i32 to index
        %get3A_586 = arith.index_cast %scan3A_457 : i32 to index
        %get3A_587 = arith.constant 96 : index
        %get3A_588 = tpu.vector_load %arg7[%get3A_584, %get3A_585, %get3A_586, %get3A_587] {strides = array<i32>} : memref<2x2x100x128xf32, #tpu.memory_space<vmem>>, vector<1x1x1x16xf32>,
        %get3A_589 = vector.shape_cast %get3A_588 : vector<1x1x1x16xf32> to vector<16xf32>
        %add3A_590 = arith.addf %add3A_581, %get3A_589 : vector<16xf32>
        %get3A_591 = arith.constant 0 : i32
        %get3A_592 = arith.constant 0 : i32
        %get3A_593 = arith.index_cast %get3A_591 : i32 to index
        %get3A_594 = arith.index_cast %get3A_592 : i32 to index
        %get3A_595 = arith.index_cast %scan3A_457 : i32 to index
        %get3A_596 = arith.constant 112 : index
        %get3A_597 = tpu.vector_load %arg7[%get3A_593, %get3A_594, %get3A_595, %get3A_596] {strides = array<i32>} : memref<2x2x100x128xf32, #tpu.memory_space<vmem>>, vector<1x1x1x16xf32>,
        %get3A_598 = vector.shape_cast %get3A_597 : vector<1x1x1x16xf32> to vector<16xf32>
        %add3A_599 = arith.addf %scan3A_465, %get3A_598 : vector<16xf32>
        %get3A_600 = arith.constant 0 : i32
        %get3A_601 = arith.constant 1 : i32
        %get3A_602 = arith.index_cast %get3A_600 : i32 to index
        %get3A_603 = arith.index_cast %get3A_601 : i32 to index
        %get3A_604 = arith.index_cast %scan3A_457 : i32 to index
        %get3A_605 = arith.constant 112 : index
        %get3A_606 = tpu.vector_load %arg7[%get3A_602, %get3A_603, %get3A_604, %get3A_605] {strides = array<i32>} : memref<2x2x100x128xf32, #tpu.memory_space<vmem>>, vector<1x1x1x16xf32>,
        %get3A_607 = vector.shape_cast %get3A_606 : vector<1x1x1x16xf32> to vector<16xf32>
        %add3A_608 = arith.addf %add3A_599, %get3A_607 : vector<16xf32>
        %scan3A_609 = arith.constant 1 : i32
        %scan3A_610 = arith.addi %scan3A_457, %scan3A_609 : i32
        %get3A_611 = arith.constant 0 : i32
        %get3A_612 = arith.constant 0 : i32
        %get3A_613 = arith.index_cast %get3A_611 : i32 to index
        %get3A_614 = arith.index_cast %get3A_612 : i32 to index
        %get3A_615 = arith.index_cast %scan3A_610 : i32 to index
        %get3A_616 = arith.constant 0 : index
        %get3A_617 = tpu.vector_load %arg7[%get3A_613, %get3A_614, %get3A_615, %get3A_616] {strides = array<i32>} : memref<2x2x100x128xf32, #tpu.memory_space<vmem>>, vector<1x1x1x16xf32>,
        %get3A_618 = vector.shape_cast %get3A_617 : vector<1x1x1x16xf32> to vector<16xf32>
        %add3A_619 = arith.addf %add3A_482, %get3A_618 : vector<16xf32>
        %get3A_620 = arith.constant 0 : i32
        %get3A_621 = arith.constant 1 : i32
        %get3A_622 = arith.index_cast %get3A_620 : i32 to index
        %get3A_623 = arith.index_cast %get3A_621 : i32 to index
        %get3A_624 = arith.index_cast %scan3A_610 : i32 to index
        %get3A_625 = arith.constant 0 : index
        %get3A_626 = tpu.vector_load %arg7[%get3A_622, %get3A_623, %get3A_624, %get3A_625] {strides = array<i32>} : memref<2x2x100x128xf32, #tpu.memory_space<vmem>>, vector<1x1x1x16xf32>,
        %get3A_627 = vector.shape_cast %get3A_626 : vector<1x1x1x16xf32> to vector<16xf32>
        %add3A_628 = arith.addf %add3A_619, %get3A_627 : vector<16xf32>
        %get3A_629 = arith.constant 0 : i32
        %get3A_630 = arith.constant 0 : i32
        %get3A_631 = arith.index_cast %get3A_629 : i32 to index
        %get3A_632 = arith.index_cast %get3A_630 : i32 to index
        %get3A_633 = arith.index_cast %scan3A_610 : i32 to index
        %get3A_634 = arith.constant 16 : index
        %get3A_635 = tpu.vector_load %arg7[%get3A_631, %get3A_632, %get3A_633, %get3A_634] {strides = array<i32>} : memref<2x2x100x128xf32, #tpu.memory_space<vmem>>, vector<1x1x1x16xf32>,
        %get3A_636 = vector.shape_cast %get3A_635 : vector<1x1x1x16xf32> to vector<16xf32>
        %add3A_637 = arith.addf %add3A_500, %get3A_636 : vector<16xf32>
        %get3A_638 = arith.constant 0 : i32
        %get3A_639 = arith.constant 1 : i32
        %get3A_640 = arith.index_cast %get3A_638 : i32 to index
        %get3A_641 = arith.index_cast %get3A_639 : i32 to index
        %get3A_642 = arith.index_cast %scan3A_610 : i32 to index
        %get3A_643 = arith.constant 16 : index
        %get3A_644 = tpu.vector_load %arg7[%get3A_640, %get3A_641, %get3A_642, %get3A_643] {strides = array<i32>} : memref<2x2x100x128xf32, #tpu.memory_space<vmem>>, vector<1x1x1x16xf32>,
        %get3A_645 = vector.shape_cast %get3A_644 : vector<1x1x1x16xf32> to vector<16xf32>
        %add3A_646 = arith.addf %add3A_637, %get3A_645 : vector<16xf32>
        %get3A_647 = arith.constant 0 : i32
        %get3A_648 = arith.constant 0 : i32
        %get3A_649 = arith.index_cast %get3A_647 : i32 to index
        %get3A_650 = arith.index_cast %get3A_648 : i32 to index
        %get3A_651 = arith.index_cast %scan3A_610 : i32 to index
        %get3A_652 = arith.constant 32 : index
        %get3A_653 = tpu.vector_load %arg7[%get3A_649, %get3A_650, %get3A_651, %get3A_652] {strides = array<i32>} : memref<2x2x100x128xf32, #tpu.memory_space<vmem>>, vector<1x1x1x16xf32>,
        %get3A_654 = vector.shape_cast %get3A_653 : vector<1x1x1x16xf32> to vector<16xf32>
        %add3A_655 = arith.addf %add3A_518, %get3A_654 : vector<16xf32>
        %get3A_656 = arith.constant 0 : i32
        %get3A_657 = arith.constant 1 : i32
        %get3A_658 = arith.index_cast %get3A_656 : i32 to index
        %get3A_659 = arith.index_cast %get3A_657 : i32 to index
        %get3A_660 = arith.index_cast %scan3A_610 : i32 to index
        %get3A_661 = arith.constant 32 : index
        %get3A_662 = tpu.vector_load %arg7[%get3A_658, %get3A_659, %get3A_660, %get3A_661] {strides = array<i32>} : memref<2x2x100x128xf32, #tpu.memory_space<vmem>>, vector<1x1x1x16xf32>,
        %get3A_663 = vector.shape_cast %get3A_662 : vector<1x1x1x16xf32> to vector<16xf32>
        %add3A_664 = arith.addf %add3A_655, %get3A_663 : vector<16xf32>
        %get3A_665 = arith.constant 0 : i32
        %get3A_666 = arith.constant 0 : i32
        %get3A_667 = arith.index_cast %get3A_665 : i32 to index
        %get3A_668 = arith.index_cast %get3A_666 : i32 to index
        %get3A_669 = arith.index_cast %scan3A_610 : i32 to index
        %get3A_670 = arith.constant 48 : index
        %get3A_671 = tpu.vector_load %arg7[%get3A_667, %get3A_668, %get3A_669, %get3A_670] {strides = array<i32>} : memref<2x2x100x128xf32, #tpu.memory_space<vmem>>, vector<1x1x1x16xf32>,
        %get3A_672 = vector.shape_cast %get3A_671 : vector<1x1x1x16xf32> to vector<16xf32>
        %add3A_673 = arith.addf %add3A_536, %get3A_672 : vector<16xf32>
        %get3A_674 = arith.constant 0 : i32
        %get3A_675 = arith.constant 1 : i32
        %get3A_676 = arith.index_cast %get3A_674 : i32 to index
        %get3A_677 = arith.index_cast %get3A_675 : i32 to index
        %get3A_678 = arith.index_cast %scan3A_610 : i32 to index
        %get3A_679 = arith.constant 48 : index
        %get3A_680 = tpu.vector_load %arg7[%get3A_676, %get3A_677, %get3A_678, %get3A_679] {strides = array<i32>} : memref<2x2x100x128xf32, #tpu.memory_space<vmem>>, vector<1x1x1x16xf32>,
        %get3A_681 = vector.shape_cast %get3A_680 : vector<1x1x1x16xf32> to vector<16xf32>
        %add3A_682 = arith.addf %add3A_673, %get3A_681 : vector<16xf32>
        %get3A_683 = arith.constant 0 : i32
        %get3A_684 = arith.constant 0 : i32
        %get3A_685 = arith.index_cast %get3A_683 : i32 to index
        %get3A_686 = arith.index_cast %get3A_684 : i32 to index
        %get3A_687 = arith.index_cast %scan3A_610 : i32 to index
        %get3A_688 = arith.constant 64 : index
        %get3A_689 = tpu.vector_load %arg7[%get3A_685, %get3A_686, %get3A_687, %get3A_688] {strides = array<i32>} : memref<2x2x100x128xf32, #tpu.memory_space<vmem>>, vector<1x1x1x16xf32>,
        %get3A_690 = vector.shape_cast %get3A_689 : vector<1x1x1x16xf32> to vector<16xf32>
        %add3A_691 = arith.addf %add3A_554, %get3A_690 : vector<16xf32>
        %get3A_692 = arith.constant 0 : i32
        %get3A_693 = arith.constant 1 : i32
        %get3A_694 = arith.index_cast %get3A_692 : i32 to index
        %get3A_695 = arith.index_cast %get3A_693 : i32 to index
        %get3A_696 = arith.index_cast %scan3A_610 : i32 to index
        %get3A_697 = arith.constant 64 : index
        %get3A_698 = tpu.vector_load %arg7[%get3A_694, %get3A_695, %get3A_696, %get3A_697] {strides = array<i32>} : memref<2x2x100x128xf32, #tpu.memory_space<vmem>>, vector<1x1x1x16xf32>,
        %get3A_699 = vector.shape_cast %get3A_698 : vector<1x1x1x16xf32> to vector<16xf32>
        %add3A_700 = arith.addf %add3A_691, %get3A_699 : vector<16xf32>
        %get3A_701 = arith.constant 0 : i32
        %get3A_702 = arith.constant 0 : i32
        %get3A_703 = arith.index_cast %get3A_701 : i32 to index
        %get3A_704 = arith.index_cast %get3A_702 : i32 to index
        %get3A_705 = arith.index_cast %scan3A_610 : i32 to index
        %get3A_706 = arith.constant 80 : index
        %get3A_707 = tpu.vector_load %arg7[%get3A_703, %get3A_704, %get3A_705, %get3A_706] {strides = array<i32>} : memref<2x2x100x128xf32, #tpu.memory_space<vmem>>, vector<1x1x1x16xf32>,
        %get3A_708 = vector.shape_cast %get3A_707 : vector<1x1x1x16xf32> to vector<16xf32>
        %add3A_709 = arith.addf %add3A_572, %get3A_708 : vector<16xf32>
        %get3A_710 = arith.constant 0 : i32
        %get3A_711 = arith.constant 1 : i32
        %get3A_712 = arith.index_cast %get3A_710 : i32 to index
        %get3A_713 = arith.index_cast %get3A_711 : i32 to index
        %get3A_714 = arith.index_cast %scan3A_610 : i32 to index
        %get3A_715 = arith.constant 80 : index
        %get3A_716 = tpu.vector_load %arg7[%get3A_712, %get3A_713, %get3A_714, %get3A_715] {strides = array<i32>} : memref<2x2x100x128xf32, #tpu.memory_space<vmem>>, vector<1x1x1x16xf32>,
        %get3A_717 = vector.shape_cast %get3A_716 : vector<1x1x1x16xf32> to vector<16xf32>
        %add3A_718 = arith.addf %add3A_709, %get3A_717 : vector<16xf32>
        %get3A_719 = arith.constant 0 : i32
        %get3A_720 = arith.constant 0 : i32
        %get3A_721 = arith.index_cast %get3A_719 : i32 to index
        %get3A_722 = arith.index_cast %get3A_720 : i32 to index
        %get3A_723 = arith.index_cast %scan3A_610 : i32 to index
        %get3A_724 = arith.constant 96 : index
        %get3A_725 = tpu.vector_load %arg7[%get3A_721, %get3A_722, %get3A_723, %get3A_724] {strides = array<i32>} : memref<2x2x100x128xf32, #tpu.memory_space<vmem>>, vector<1x1x1x16xf32>,
        %get3A_726 = vector.shape_cast %get3A_725 : vector<1x1x1x16xf32> to vector<16xf32>
        %add3A_727 = arith.addf %add3A_590, %get3A_726 : vector<16xf32>
        %get3A_728 = arith.constant 0 : i32
        %get3A_729 = arith.constant 1 : i32
        %get3A_730 = arith.index_cast %get3A_728 : i32 to index
        %get3A_731 = arith.index_cast %get3A_729 : i32 to index
        %get3A_732 = arith.index_cast %scan3A_610 : i32 to index
        %get3A_733 = arith.constant 96 : index
        %get3A_734 = tpu.vector_load %arg7[%get3A_730, %get3A_731, %get3A_732, %get3A_733] {strides = array<i32>} : memref<2x2x100x128xf32, #tpu.memory_space<vmem>>, vector<1x1x1x16xf32>,
        %get3A_735 = vector.shape_cast %get3A_734 : vector<1x1x1x16xf32> to vector<16xf32>
        %add3A_736 = arith.addf %add3A_727, %get3A_735 : vector<16xf32>
        %get3A_737 = arith.constant 0 : i32
        %get3A_738 = arith.constant 0 : i32
        %get3A_739 = arith.index_cast %get3A_737 : i32 to index
        %get3A_740 = arith.index_cast %get3A_738 : i32 to index
        %get3A_741 = arith.index_cast %scan3A_610 : i32 to index
        %get3A_742 = arith.constant 112 : index
        %get3A_743 = tpu.vector_load %arg7[%get3A_739, %get3A_740, %get3A_741, %get3A_742] {strides = array<i32>} : memref<2x2x100x128xf32, #tpu.memory_space<vmem>>, vector<1x1x1x16xf32>,
        %get3A_744 = vector.shape_cast %get3A_743 : vector<1x1x1x16xf32> to vector<16xf32>
        %add3A_745 = arith.addf %add3A_608, %get3A_744 : vector<16xf32>
        %get3A_746 = arith.constant 0 : i32
        %get3A_747 = arith.constant 1 : i32
        %get3A_748 = arith.index_cast %get3A_746 : i32 to index
        %get3A_749 = arith.index_cast %get3A_747 : i32 to index
        %get3A_750 = arith.index_cast %scan3A_610 : i32 to index
        %get3A_751 = arith.constant 112 : index
        %get3A_752 = tpu.vector_load %arg7[%get3A_748, %get3A_749, %get3A_750, %get3A_751] {strides = array<i32>} : memref<2x2x100x128xf32, #tpu.memory_space<vmem>>, vector<1x1x1x16xf32>,
        %get3A_753 = vector.shape_cast %get3A_752 : vector<1x1x1x16xf32> to vector<16xf32>
        %add3A_754 = arith.addf %add3A_745, %get3A_753 : vector<16xf32>
        %scan3A_755 = arith.constant 2 : i32
        %scan3A_756 = arith.addi %scan3A_457, %scan3A_755 : i32
        %get3A_757 = arith.constant 0 : i32
        %get3A_758 = arith.constant 0 : i32
        %get3A_759 = arith.index_cast %get3A_757 : i32 to index
        %get3A_760 = arith.index_cast %get3A_758 : i32 to index
        %get3A_761 = arith.index_cast %scan3A_756 : i32 to index
        %get3A_762 = arith.constant 0 : index
        %get3A_763 = tpu.vector_load %arg7[%get3A_759, %get3A_760, %get3A_761, %get3A_762] {strides = array<i32>} : memref<2x2x100x128xf32, #tpu.memory_space<vmem>>, vector<1x1x1x16xf32>,
        %get3A_764 = vector.shape_cast %get3A_763 : vector<1x1x1x16xf32> to vector<16xf32>
        %add3A_765 = arith.addf %add3A_628, %get3A_764 : vector<16xf32>
        %get3A_766 = arith.constant 0 : i32
        %get3A_767 = arith.constant 1 : i32
        %get3A_768 = arith.index_cast %get3A_766 : i32 to index
        %get3A_769 = arith.index_cast %get3A_767 : i32 to index
        %get3A_770 = arith.index_cast %scan3A_756 : i32 to index
        %get3A_771 = arith.constant 0 : index
        %get3A_772 = tpu.vector_load %arg7[%get3A_768, %get3A_769, %get3A_770, %get3A_771] {strides = array<i32>} : memref<2x2x100x128xf32, #tpu.memory_space<vmem>>, vector<1x1x1x16xf32>,
        %get3A_773 = vector.shape_cast %get3A_772 : vector<1x1x1x16xf32> to vector<16xf32>
        %add3A_774 = arith.addf %add3A_765, %get3A_773 : vector<16xf32>
        %get3A_775 = arith.constant 0 : i32
        %get3A_776 = arith.constant 0 : i32
        %get3A_777 = arith.index_cast %get3A_775 : i32 to index
        %get3A_778 = arith.index_cast %get3A_776 : i32 to index
        %get3A_779 = arith.index_cast %scan3A_756 : i32 to index
        %get3A_780 = arith.constant 16 : index
        %get3A_781 = tpu.vector_load %arg7[%get3A_777, %get3A_778, %get3A_779, %get3A_780] {strides = array<i32>} : memref<2x2x100x128xf32, #tpu.memory_space<vmem>>, vector<1x1x1x16xf32>,
        %get3A_782 = vector.shape_cast %get3A_781 : vector<1x1x1x16xf32> to vector<16xf32>
        %add3A_783 = arith.addf %add3A_646, %get3A_782 : vector<16xf32>
        %get3A_784 = arith.constant 0 : i32
        %get3A_785 = arith.constant 1 : i32
        %get3A_786 = arith.index_cast %get3A_784 : i32 to index
        %get3A_787 = arith.index_cast %get3A_785 : i32 to index
        %get3A_788 = arith.index_cast %scan3A_756 : i32 to index
        %get3A_789 = arith.constant 16 : index
        %get3A_790 = tpu.vector_load %arg7[%get3A_786, %get3A_787, %get3A_788, %get3A_789] {strides = array<i32>} : memref<2x2x100x128xf32, #tpu.memory_space<vmem>>, vector<1x1x1x16xf32>,
        %get3A_791 = vector.shape_cast %get3A_790 : vector<1x1x1x16xf32> to vector<16xf32>
        %add3A_792 = arith.addf %add3A_783, %get3A_791 : vector<16xf32>
        %get3A_793 = arith.constant 0 : i32
        %get3A_794 = arith.constant 0 : i32
        %get3A_795 = arith.index_cast %get3A_793 : i32 to index
        %get3A_796 = arith.index_cast %get3A_794 : i32 to index
        %get3A_797 = arith.index_cast %scan3A_756 : i32 to index
        %get3A_798 = arith.constant 32 : index
        %get3A_799 = tpu.vector_load %arg7[%get3A_795, %get3A_796, %get3A_797, %get3A_798] {strides = array<i32>} : memref<2x2x100x128xf32, #tpu.memory_space<vmem>>, vector<1x1x1x16xf32>,
        %get3A_800 = vector.shape_cast %get3A_799 : vector<1x1x1x16xf32> to vector<16xf32>
        %add3A_801 = arith.addf %add3A_664, %get3A_800 : vector<16xf32>
        %get3A_802 = arith.constant 0 : i32
        %get3A_803 = arith.constant 1 : i32
        %get3A_804 = arith.index_cast %get3A_802 : i32 to index
        %get3A_805 = arith.index_cast %get3A_803 : i32 to index
        %get3A_806 = arith.index_cast %scan3A_756 : i32 to index
        %get3A_807 = arith.constant 32 : index
        %get3A_808 = tpu.vector_load %arg7[%get3A_804, %get3A_805, %get3A_806, %get3A_807] {strides = array<i32>} : memref<2x2x100x128xf32, #tpu.memory_space<vmem>>, vector<1x1x1x16xf32>,
        %get3A_809 = vector.shape_cast %get3A_808 : vector<1x1x1x16xf32> to vector<16xf32>
        %add3A_810 = arith.addf %add3A_801, %get3A_809 : vector<16xf32>
        %get3A_811 = arith.constant 0 : i32
        %get3A_812 = arith.constant 0 : i32
        %get3A_813 = arith.index_cast %get3A_811 : i32 to index
        %get3A_814 = arith.index_cast %get3A_812 : i32 to index
        %get3A_815 = arith.index_cast %scan3A_756 : i32 to index
        %get3A_816 = arith.constant 48 : index
        %get3A_817 = tpu.vector_load %arg7[%get3A_813, %get3A_814, %get3A_815, %get3A_816] {strides = array<i32>} : memref<2x2x100x128xf32, #tpu.memory_space<vmem>>, vector<1x1x1x16xf32>,
        %get3A_818 = vector.shape_cast %get3A_817 : vector<1x1x1x16xf32> to vector<16xf32>
        %add3A_819 = arith.addf %add3A_682, %get3A_818 : vector<16xf32>
        %get3A_820 = arith.constant 0 : i32
        %get3A_821 = arith.constant 1 : i32
        %get3A_822 = arith.index_cast %get3A_820 : i32 to index
        %get3A_823 = arith.index_cast %get3A_821 : i32 to index
        %get3A_824 = arith.index_cast %scan3A_756 : i32 to index
        %get3A_825 = arith.constant 48 : index
        %get3A_826 = tpu.vector_load %arg7[%get3A_822, %get3A_823, %get3A_824, %get3A_825] {strides = array<i32>} : memref<2x2x100x128xf32, #tpu.memory_space<vmem>>, vector<1x1x1x16xf32>,
        %get3A_827 = vector.shape_cast %get3A_826 : vector<1x1x1x16xf32> to vector<16xf32>
        %add3A_828 = arith.addf %add3A_819, %get3A_827 : vector<16xf32>
        %get3A_829 = arith.constant 0 : i32
        %get3A_830 = arith.constant 0 : i32
        %get3A_831 = arith.index_cast %get3A_829 : i32 to index
        %get3A_832 = arith.index_cast %get3A_830 : i32 to index
        %get3A_833 = arith.index_cast %scan3A_756 : i32 to index
        %get3A_834 = arith.constant 64 : index
        %get3A_835 = tpu.vector_load %arg7[%get3A_831, %get3A_832, %get3A_833, %get3A_834] {strides = array<i32>} : memref<2x2x100x128xf32, #tpu.memory_space<vmem>>, vector<1x1x1x16xf32>,
        %get3A_836 = vector.shape_cast %get3A_835 : vector<1x1x1x16xf32> to vector<16xf32>
        %add3A_837 = arith.addf %add3A_700, %get3A_836 : vector<16xf32>
        %get3A_838 = arith.constant 0 : i32
        %get3A_839 = arith.constant 1 : i32
        %get3A_840 = arith.index_cast %get3A_838 : i32 to index
        %get3A_841 = arith.index_cast %get3A_839 : i32 to index
        %get3A_842 = arith.index_cast %scan3A_756 : i32 to index
        %get3A_843 = arith.constant 64 : index
        %get3A_844 = tpu.vector_load %arg7[%get3A_840, %get3A_841, %get3A_842, %get3A_843] {strides = array<i32>} : memref<2x2x100x128xf32, #tpu.memory_space<vmem>>, vector<1x1x1x16xf32>,
        %get3A_845 = vector.shape_cast %get3A_844 : vector<1x1x1x16xf32> to vector<16xf32>
        %add3A_846 = arith.addf %add3A_837, %get3A_845 : vector<16xf32>
        %get3A_847 = arith.constant 0 : i32
        %get3A_848 = arith.constant 0 : i32
        %get3A_849 = arith.index_cast %get3A_847 : i32 to index
        %get3A_850 = arith.index_cast %get3A_848 : i32 to index
        %get3A_851 = arith.index_cast %scan3A_756 : i32 to index
        %get3A_852 = arith.constant 80 : index
        %get3A_853 = tpu.vector_load %arg7[%get3A_849, %get3A_850, %get3A_851, %get3A_852] {strides = array<i32>} : memref<2x2x100x128xf32, #tpu.memory_space<vmem>>, vector<1x1x1x16xf32>,
        %get3A_854 = vector.shape_cast %get3A_853 : vector<1x1x1x16xf32> to vector<16xf32>
        %add3A_855 = arith.addf %add3A_718, %get3A_854 : vector<16xf32>
        %get3A_856 = arith.constant 0 : i32
        %get3A_857 = arith.constant 1 : i32
        %get3A_858 = arith.index_cast %get3A_856 : i32 to index
        %get3A_859 = arith.index_cast %get3A_857 : i32 to index
        %get3A_860 = arith.index_cast %scan3A_756 : i32 to index
        %get3A_861 = arith.constant 80 : index
        %get3A_862 = tpu.vector_load %arg7[%get3A_858, %get3A_859, %get3A_860, %get3A_861] {strides = array<i32>} : memref<2x2x100x128xf32, #tpu.memory_space<vmem>>, vector<1x1x1x16xf32>,
        %get3A_863 = vector.shape_cast %get3A_862 : vector<1x1x1x16xf32> to vector<16xf32>
        %add3A_864 = arith.addf %add3A_855, %get3A_863 : vector<16xf32>
        %get3A_865 = arith.constant 0 : i32
        %get3A_866 = arith.constant 0 : i32
        %get3A_867 = arith.index_cast %get3A_865 : i32 to index
        %get3A_868 = arith.index_cast %get3A_866 : i32 to index
        %get3A_869 = arith.index_cast %scan3A_756 : i32 to index
        %get3A_870 = arith.constant 96 : index
        %get3A_871 = tpu.vector_load %arg7[%get3A_867, %get3A_868, %get3A_869, %get3A_870] {strides = array<i32>} : memref<2x2x100x128xf32, #tpu.memory_space<vmem>>, vector<1x1x1x16xf32>,
        %get3A_872 = vector.shape_cast %get3A_871 : vector<1x1x1x16xf32> to vector<16xf32>
        %add3A_873 = arith.addf %add3A_736, %get3A_872 : vector<16xf32>
        %get3A_874 = arith.constant 0 : i32
        %get3A_875 = arith.constant 1 : i32
        %get3A_876 = arith.index_cast %get3A_874 : i32 to index
        %get3A_877 = arith.index_cast %get3A_875 : i32 to index
        %get3A_878 = arith.index_cast %scan3A_756 : i32 to index
        %get3A_879 = arith.constant 96 : index
        %get3A_880 = tpu.vector_load %arg7[%get3A_876, %get3A_877, %get3A_878, %get3A_879] {strides = array<i32>} : memref<2x2x100x128xf32, #tpu.memory_space<vmem>>, vector<1x1x1x16xf32>,
        %get3A_881 = vector.shape_cast %get3A_880 : vector<1x1x1x16xf32> to vector<16xf32>
        %add3A_882 = arith.addf %add3A_873, %get3A_881 : vector<16xf32>
        %get3A_883 = arith.constant 0 : i32
        %get3A_884 = arith.constant 0 : i32
        %get3A_885 = arith.index_cast %get3A_883 : i32 to index
        %get3A_886 = arith.index_cast %get3A_884 : i32 to index
        %get3A_887 = arith.index_cast %scan3A_756 : i32 to index
        %get3A_888 = arith.constant 112 : index
        %get3A_889 = tpu.vector_load %arg7[%get3A_885, %get3A_886, %get3A_887, %get3A_888] {strides = array<i32>} : memref<2x2x100x128xf32, #tpu.memory_space<vmem>>, vector<1x1x1x16xf32>,
        %get3A_890 = vector.shape_cast %get3A_889 : vector<1x1x1x16xf32> to vector<16xf32>
        %add3A_891 = arith.addf %add3A_754, %get3A_890 : vector<16xf32>
        %get3A_892 = arith.constant 0 : i32
        %get3A_893 = arith.constant 1 : i32
        %get3A_894 = arith.index_cast %get3A_892 : i32 to index
        %get3A_895 = arith.index_cast %get3A_893 : i32 to index
        %get3A_896 = arith.index_cast %scan3A_756 : i32 to index
        %get3A_897 = arith.constant 112 : index
        %get3A_898 = tpu.vector_load %arg7[%get3A_894, %get3A_895, %get3A_896, %get3A_897] {strides = array<i32>} : memref<2x2x100x128xf32, #tpu.memory_space<vmem>>, vector<1x1x1x16xf32>,
        %get3A_899 = vector.shape_cast %get3A_898 : vector<1x1x1x16xf32> to vector<16xf32>
        %add3A_900 = arith.addf %add3A_891, %get3A_899 : vector<16xf32>
        %scan3A_901 = arith.constant 3 : i32
        %scan3A_902 = arith.addi %scan3A_457, %scan3A_901 : i32
        %get3A_903 = arith.constant 0 : i32
        %get3A_904 = arith.constant 0 : i32
        %get3A_905 = arith.index_cast %get3A_903 : i32 to index
        %get3A_906 = arith.index_cast %get3A_904 : i32 to index
        %get3A_907 = arith.index_cast %scan3A_902 : i32 to index
        %get3A_908 = arith.constant 0 : index
        %get3A_909 = tpu.vector_load %arg7[%get3A_905, %get3A_906, %get3A_907, %get3A_908] {strides = array<i32>} : memref<2x2x100x128xf32, #tpu.memory_space<vmem>>, vector<1x1x1x16xf32>,
        %get3A_910 = vector.shape_cast %get3A_909 : vector<1x1x1x16xf32> to vector<16xf32>
        %add3A_911 = arith.addf %add3A_774, %get3A_910 : vector<16xf32>
        %get3A_912 = arith.constant 0 : i32
        %get3A_913 = arith.constant 1 : i32
        %get3A_914 = arith.index_cast %get3A_912 : i32 to index
        %get3A_915 = arith.index_cast %get3A_913 : i32 to index
        %get3A_916 = arith.index_cast %scan3A_902 : i32 to index
        %get3A_917 = arith.constant 0 : index
        %get3A_918 = tpu.vector_load %arg7[%get3A_914, %get3A_915, %get3A_916, %get3A_917] {strides = array<i32>} : memref<2x2x100x128xf32, #tpu.memory_space<vmem>>, vector<1x1x1x16xf32>,
        %get3A_919 = vector.shape_cast %get3A_918 : vector<1x1x1x16xf32> to vector<16xf32>
        %add3A_920 = arith.addf %add3A_911, %get3A_919 : vector<16xf32>
        %get3A_921 = arith.constant 0 : i32
        %get3A_922 = arith.constant 0 : i32
        %get3A_923 = arith.index_cast %get3A_921 : i32 to index
        %get3A_924 = arith.index_cast %get3A_922 : i32 to index
        %get3A_925 = arith.index_cast %scan3A_902 : i32 to index
        %get3A_926 = arith.constant 16 : index
        %get3A_927 = tpu.vector_load %arg7[%get3A_923, %get3A_924, %get3A_925, %get3A_926] {strides = array<i32>} : memref<2x2x100x128xf32, #tpu.memory_space<vmem>>, vector<1x1x1x16xf32>,
        %get3A_928 = vector.shape_cast %get3A_927 : vector<1x1x1x16xf32> to vector<16xf32>
        %add3A_929 = arith.addf %add3A_792, %get3A_928 : vector<16xf32>
        %get3A_930 = arith.constant 0 : i32
        %get3A_931 = arith.constant 1 : i32
        %get3A_932 = arith.index_cast %get3A_930 : i32 to index
        %get3A_933 = arith.index_cast %get3A_931 : i32 to index
        %get3A_934 = arith.index_cast %scan3A_902 : i32 to index
        %get3A_935 = arith.constant 16 : index
        %get3A_936 = tpu.vector_load %arg7[%get3A_932, %get3A_933, %get3A_934, %get3A_935] {strides = array<i32>} : memref<2x2x100x128xf32, #tpu.memory_space<vmem>>, vector<1x1x1x16xf32>,
        %get3A_937 = vector.shape_cast %get3A_936 : vector<1x1x1x16xf32> to vector<16xf32>
        %add3A_938 = arith.addf %add3A_929, %get3A_937 : vector<16xf32>
        %get3A_939 = arith.constant 0 : i32
        %get3A_940 = arith.constant 0 : i32
        %get3A_941 = arith.index_cast %get3A_939 : i32 to index
        %get3A_942 = arith.index_cast %get3A_940 : i32 to index
        %get3A_943 = arith.index_cast %scan3A_902 : i32 to index
        %get3A_944 = arith.constant 32 : index
        %get3A_945 = tpu.vector_load %arg7[%get3A_941, %get3A_942, %get3A_943, %get3A_944] {strides = array<i32>} : memref<2x2x100x128xf32, #tpu.memory_space<vmem>>, vector<1x1x1x16xf32>,
        %get3A_946 = vector.shape_cast %get3A_945 : vector<1x1x1x16xf32> to vector<16xf32>
        %add3A_947 = arith.addf %add3A_810, %get3A_946 : vector<16xf32>
        %get3A_948 = arith.constant 0 : i32
        %get3A_949 = arith.constant 1 : i32
        %get3A_950 = arith.index_cast %get3A_948 : i32 to index
        %get3A_951 = arith.index_cast %get3A_949 : i32 to index
        %get3A_952 = arith.index_cast %scan3A_902 : i32 to index
        %get3A_953 = arith.constant 32 : index
        %get3A_954 = tpu.vector_load %arg7[%get3A_950, %get3A_951, %get3A_952, %get3A_953] {strides = array<i32>} : memref<2x2x100x128xf32, #tpu.memory_space<vmem>>, vector<1x1x1x16xf32>,
        %get3A_955 = vector.shape_cast %get3A_954 : vector<1x1x1x16xf32> to vector<16xf32>
        %add3A_956 = arith.addf %add3A_947, %get3A_955 : vector<16xf32>
        %get3A_957 = arith.constant 0 : i32
        %get3A_958 = arith.constant 0 : i32
        %get3A_959 = arith.index_cast %get3A_957 : i32 to index
        %get3A_960 = arith.index_cast %get3A_958 : i32 to index
        %get3A_961 = arith.index_cast %scan3A_902 : i32 to index
        %get3A_962 = arith.constant 48 : index
        %get3A_963 = tpu.vector_load %arg7[%get3A_959, %get3A_960, %get3A_961, %get3A_962] {strides = array<i32>} : memref<2x2x100x128xf32, #tpu.memory_space<vmem>>, vector<1x1x1x16xf32>,
        %get3A_964 = vector.shape_cast %get3A_963 : vector<1x1x1x16xf32> to vector<16xf32>
        %add3A_965 = arith.addf %add3A_828, %get3A_964 : vector<16xf32>
        %get3A_966 = arith.constant 0 : i32
        %get3A_967 = arith.constant 1 : i32
        %get3A_968 = arith.index_cast %get3A_966 : i32 to index
        %get3A_969 = arith.index_cast %get3A_967 : i32 to index
        %get3A_970 = arith.index_cast %scan3A_902 : i32 to index
        %get3A_971 = arith.constant 48 : index
        %get3A_972 = tpu.vector_load %arg7[%get3A_968, %get3A_969, %get3A_970, %get3A_971] {strides = array<i32>} : memref<2x2x100x128xf32, #tpu.memory_space<vmem>>, vector<1x1x1x16xf32>,
        %get3A_973 = vector.shape_cast %get3A_972 : vector<1x1x1x16xf32> to vector<16xf32>
        %add3A_974 = arith.addf %add3A_965, %get3A_973 : vector<16xf32>
        %get3A_975 = arith.constant 0 : i32
        %get3A_976 = arith.constant 0 : i32
        %get3A_977 = arith.index_cast %get3A_975 : i32 to index
        %get3A_978 = arith.index_cast %get3A_976 : i32 to index
        %get3A_979 = arith.index_cast %scan3A_902 : i32 to index
        %get3A_980 = arith.constant 64 : index
        %get3A_981 = tpu.vector_load %arg7[%get3A_977, %get3A_978, %get3A_979, %get3A_980] {strides = array<i32>} : memref<2x2x100x128xf32, #tpu.memory_space<vmem>>, vector<1x1x1x16xf32>,
        %get3A_982 = vector.shape_cast %get3A_981 : vector<1x1x1x16xf32> to vector<16xf32>
        %add3A_983 = arith.addf %add3A_846, %get3A_982 : vector<16xf32>
        %get3A_984 = arith.constant 0 : i32
        %get3A_985 = arith.constant 1 : i32
        %get3A_986 = arith.index_cast %get3A_984 : i32 to index
        %get3A_987 = arith.index_cast %get3A_985 : i32 to index
        %get3A_988 = arith.index_cast %scan3A_902 : i32 to index
        %get3A_989 = arith.constant 64 : index
        %get3A_990 = tpu.vector_load %arg7[%get3A_986, %get3A_987, %get3A_988, %get3A_989] {strides = array<i32>} : memref<2x2x100x128xf32, #tpu.memory_space<vmem>>, vector<1x1x1x16xf32>,
        %get3A_991 = vector.shape_cast %get3A_990 : vector<1x1x1x16xf32> to vector<16xf32>
        %add3A_992 = arith.addf %add3A_983, %get3A_991 : vector<16xf32>
        %get3A_993 = arith.constant 0 : i32
        %get3A_994 = arith.constant 0 : i32
        %get3A_995 = arith.index_cast %get3A_993 : i32 to index
        %get3A_996 = arith.index_cast %get3A_994 : i32 to index
        %get3A_997 = arith.index_cast %scan3A_902 : i32 to index
        %get3A_998 = arith.constant 80 : index
        %get3A_999 = tpu.vector_load %arg7[%get3A_995, %get3A_996, %get3A_997, %get3A_998] {strides = array<i32>} : memref<2x2x100x128xf32, #tpu.memory_space<vmem>>, vector<1x1x1x16xf32>,
        %get3A_1000 = vector.shape_cast %get3A_999 : vector<1x1x1x16xf32> to vector<16xf32>
        %add3A_1001 = arith.addf %add3A_864, %get3A_1000 : vector<16xf32>
        %get3A_1002 = arith.constant 0 : i32
        %get3A_1003 = arith.constant 1 : i32
        %get3A_1004 = arith.index_cast %get3A_1002 : i32 to index
        %get3A_1005 = arith.index_cast %get3A_1003 : i32 to index
        %get3A_1006 = arith.index_cast %scan3A_902 : i32 to index
        %get3A_1007 = arith.constant 80 : index
        %get3A_1008 = tpu.vector_load %arg7[%get3A_1004, %get3A_1005, %get3A_1006, %get3A_1007] {strides = array<i32>} : memref<2x2x100x128xf32, #tpu.memory_space<vmem>>, vector<1x1x1x16xf32>,
        %get3A_1009 = vector.shape_cast %get3A_1008 : vector<1x1x1x16xf32> to vector<16xf32>
        %add3A_1010 = arith.addf %add3A_1001, %get3A_1009 : vector<16xf32>
        %get3A_1011 = arith.constant 0 : i32
        %get3A_1012 = arith.constant 0 : i32
        %get3A_1013 = arith.index_cast %get3A_1011 : i32 to index
        %get3A_1014 = arith.index_cast %get3A_1012 : i32 to index
        %get3A_1015 = arith.index_cast %scan3A_902 : i32 to index
        %get3A_1016 = arith.constant 96 : index
        %get3A_1017 = tpu.vector_load %arg7[%get3A_1013, %get3A_1014, %get3A_1015, %get3A_1016] {strides = array<i32>} : memref<2x2x100x128xf32, #tpu.memory_space<vmem>>, vector<1x1x1x16xf32>,
        %get3A_1018 = vector.shape_cast %get3A_1017 : vector<1x1x1x16xf32> to vector<16xf32>
        %add3A_1019 = arith.addf %add3A_882, %get3A_1018 : vector<16xf32>
        %get3A_1020 = arith.constant 0 : i32
        %get3A_1021 = arith.constant 1 : i32
        %get3A_1022 = arith.index_cast %get3A_1020 : i32 to index
        %get3A_1023 = arith.index_cast %get3A_1021 : i32 to index
        %get3A_1024 = arith.index_cast %scan3A_902 : i32 to index
        %get3A_1025 = arith.constant 96 : index
        %get3A_1026 = tpu.vector_load %arg7[%get3A_1022, %get3A_1023, %get3A_1024, %get3A_1025] {strides = array<i32>} : memref<2x2x100x128xf32, #tpu.memory_space<vmem>>, vector<1x1x1x16xf32>,
        %get3A_1027 = vector.shape_cast %get3A_1026 : vector<1x1x1x16xf32> to vector<16xf32>
        %add3A_1028 = arith.addf %add3A_1019, %get3A_1027 : vector<16xf32>
        %get3A_1029 = arith.constant 0 : i32
        %get3A_1030 = arith.constant 0 : i32
        %get3A_1031 = arith.index_cast %get3A_1029 : i32 to index
        %get3A_1032 = arith.index_cast %get3A_1030 : i32 to index
        %get3A_1033 = arith.index_cast %scan3A_902 : i32 to index
        %get3A_1034 = arith.constant 112 : index
        %get3A_1035 = tpu.vector_load %arg7[%get3A_1031, %get3A_1032, %get3A_1033, %get3A_1034] {strides = array<i32>} : memref<2x2x100x128xf32, #tpu.memory_space<vmem>>, vector<1x1x1x16xf32>,
        %get3A_1036 = vector.shape_cast %get3A_1035 : vector<1x1x1x16xf32> to vector<16xf32>
        %add3A_1037 = arith.addf %add3A_900, %get3A_1036 : vector<16xf32>
        %get3A_1038 = arith.constant 0 : i32
        %get3A_1039 = arith.constant 1 : i32
        %get3A_1040 = arith.index_cast %get3A_1038 : i32 to index
        %get3A_1041 = arith.index_cast %get3A_1039 : i32 to index
        %get3A_1042 = arith.index_cast %scan3A_902 : i32 to index
        %get3A_1043 = arith.constant 112 : index
        %get3A_1044 = tpu.vector_load %arg7[%get3A_1040, %get3A_1041, %get3A_1042, %get3A_1043] {strides = array<i32>} : memref<2x2x100x128xf32, #tpu.memory_space<vmem>>, vector<1x1x1x16xf32>,
        %get3A_1045 = vector.shape_cast %get3A_1044 : vector<1x1x1x16xf32> to vector<16xf32>
        %add3A_1046 = arith.addf %add3A_1037, %get3A_1045 : vector<16xf32>
        scf.yield %add3A_920, %add3A_938, %add3A_956, %add3A_974, %add3A_992, %add3A_1010, %add3A_1028, %add3A_1046 : vector<16xf32>, vector<16xf32>, vector<16xf32>, vector<16xf32>, vector<16xf32>, vector<16xf32>, vector<16xf32>, vector<16xf32>
      }
      %scan3A_269 = arith.constant 100 : i32
      %swap3A = arith.index_cast %rem3A_248 : i32 to index
      %swap3A_270 = arith.constant 0 : index
      %swap3A_271 = tpu.vector_load %arg8[%swap3A, %swap3A_270] {strides = array<i32>} : memref<32x128xf32, #tpu.memory_space<vmem>>, vector<1x16xf32>,
      %swap3A_272 = vector.shape_cast %swap3A_271 : vector<1x16xf32> to vector<16xf32>
      %swap3A_273 = vector.shape_cast %scan3A_268#0 : vector<16xf32> to vector<1x16xf32>
      tpu.vector_store %arg8[%swap3A, %swap3A_270], %swap3A_273 {strides = array<i32>} : memref<32x128xf32, #tpu.memory_space<vmem>>, vector<1x16xf32>,
      %swap3A_274 = arith.index_cast %rem3A_248 : i32 to index
      %swap3A_275 = arith.constant 16 : index
      %swap3A_276 = tpu.vector_load %arg8[%swap3A_274, %swap3A_275] {strides = array<i32>} : memref<32x128xf32, #tpu.memory_space<vmem>>, vector<1x16xf32>,
      %swap3A_277 = vector.shape_cast %swap3A_276 : vector<1x16xf32> to vector<16xf32>
      %swap3A_278 = vector.shape_cast %scan3A_268#1 : vector<16xf32> to vector<1x16xf32>
      tpu.vector_store %arg8[%swap3A_274, %swap3A_275], %swap3A_278 {strides = array<i32>} : memref<32x128xf32, #tpu.memory_space<vmem>>, vector<1x16xf32>,
      %swap3A_279 = arith.index_cast %rem3A_248 : i32 to index
      %swap3A_280 = arith.constant 32 : index
      %swap3A_281 = tpu.vector_load %arg8[%swap3A_279, %swap3A_280] {strides = array<i32>} : memref<32x128xf32, #tpu.memory_space<vmem>>, vector<1x16xf32>,
      %swap3A_282 = vector.shape_cast %swap3A_281 : vector<1x16xf32> to vector<16xf32>
      %swap3A_283 = vector.shape_cast %scan3A_268#2 : vector<16xf32> to vector<1x16xf32>
      tpu.vector_store %arg8[%swap3A_279, %swap3A_280], %swap3A_283 {strides = array<i32>} : memref<32x128xf32, #tpu.memory_space<vmem>>, vector<1x16xf32>,
      %swap3A_284 = arith.index_cast %rem3A_248 : i32 to index
      %swap3A_285 = arith.constant 48 : index
      %swap3A_286 = tpu.vector_load %arg8[%swap3A_284, %swap3A_285] {strides = array<i32>} : memref<32x128xf32, #tpu.memory_space<vmem>>, vector<1x16xf32>,
      %swap3A_287 = vector.shape_cast %swap3A_286 : vector<1x16xf32> to vector<16xf32>
      %swap3A_288 = vector.shape_cast %scan3A_268#3 : vector<16xf32> to vector<1x16xf32>
      tpu.vector_store %arg8[%swap3A_284, %swap3A_285], %swap3A_288 {strides = array<i32>} : memref<32x128xf32, #tpu.memory_space<vmem>>, vector<1x16xf32>,
      %swap3A_289 = arith.index_cast %rem3A_248 : i32 to index
      %swap3A_290 = arith.constant 64 : index
      %swap3A_291 = tpu.vector_load %arg8[%swap3A_289, %swap3A_290] {strides = array<i32>} : memref<32x128xf32, #tpu.memory_space<vmem>>, vector<1x16xf32>,
      %swap3A_292 = vector.shape_cast %swap3A_291 : vector<1x16xf32> to vector<16xf32>
      %swap3A_293 = vector.shape_cast %scan3A_268#4 : vector<16xf32> to vector<1x16xf32>
      tpu.vector_store %arg8[%swap3A_289, %swap3A_290], %swap3A_293 {strides = array<i32>} : memref<32x128xf32, #tpu.memory_space<vmem>>, vector<1x16xf32>,
      %swap3A_294 = arith.index_cast %rem3A_248 : i32 to index
      %swap3A_295 = arith.constant 80 : index
      %swap3A_296 = tpu.vector_load %arg8[%swap3A_294, %swap3A_295] {strides = array<i32>} : memref<32x128xf32, #tpu.memory_space<vmem>>, vector<1x16xf32>,
      %swap3A_297 = vector.shape_cast %swap3A_296 : vector<1x16xf32> to vector<16xf32>
      %swap3A_298 = vector.shape_cast %scan3A_268#5 : vector<16xf32> to vector<1x16xf32>
      tpu.vector_store %arg8[%swap3A_294, %swap3A_295], %swap3A_298 {strides = array<i32>} : memref<32x128xf32, #tpu.memory_space<vmem>>, vector<1x16xf32>,
      %swap3A_299 = arith.index_cast %rem3A_248 : i32 to index
      %swap3A_300 = arith.constant 96 : index
      %swap3A_301 = tpu.vector_load %arg8[%swap3A_299, %swap3A_300] {strides = array<i32>} : memref<32x128xf32, #tpu.memory_space<vmem>>, vector<1x16xf32>,
      %swap3A_302 = vector.shape_cast %swap3A_301 : vector<1x16xf32> to vector<16xf32>
      %swap3A_303 = vector.shape_cast %scan3A_268#6 : vector<16xf32> to vector<1x16xf32>
      tpu.vector_store %arg8[%swap3A_299, %swap3A_300], %swap3A_303 {strides = array<i32>} : memref<32x128xf32, #tpu.memory_space<vmem>>, vector<1x16xf32>,
      %swap3A_304 = arith.index_cast %rem3A_248 : i32 to index
      %swap3A_305 = arith.constant 112 : index
      %swap3A_306 = tpu.vector_load %arg8[%swap3A_304, %swap3A_305] {strides = array<i32>} : memref<32x128xf32, #tpu.memory_space<vmem>>, vector<1x16xf32>,
      %swap3A_307 = vector.shape_cast %swap3A_306 : vector<1x16xf32> to vector<16xf32>
      %swap3A_308 = vector.shape_cast %scan3A_268#7 : vector<16xf32> to vector<1x16xf32>
      tpu.vector_store %arg8[%swap3A_304, %swap3A_305], %swap3A_308 {strides = array<i32>} : memref<32x128xf32, #tpu.memory_space<vmem>>, vector<1x16xf32>,
      %add3A_309 = arith.constant 2 : i32
      %add3A_310 = arith.addi %add3A_188, %add3A_309 : i32
      %rem3A_311 = arith.constant 32 : i32
      %rem3A_312 = arith.remsi %add3A_310, %rem3A_311 : i32
      %lt3A = arith.constant 512 : i32
      %lt3A_313 = arith.cmpi slt, %add3A_310, %lt3A : i32
      %convert_element_type3A = arith.extui %lt3A_313 : i1 to i32
      %cond3A = arith.constant 0 : i32
      %cond3A_314 = arith.cmpi ne, %convert_element_type3A, %cond3A : i32
      scf.if %cond3A_314 {
        %eq3A_457 = arith.constant 0 : i32
        %eq3A_458 = arith.cmpi eq, %rem3A_312, %eq3A_457 : i32
        %convert_element_type3A_459 = arith.extui %eq3A_458 : i1 to i32
        %cond3A_460 = arith.constant 0 : i32
        %cond3A_461 = arith.cmpi ne, %convert_element_type3A_459, %cond3A_460 : i32
        scf.if %cond3A_461 {
          %add3A_546 = arith.constant 0 : i32
          %add3A_547 = arith.addi %add3A_4, %add3A_546 : i32
          %dma_wait3A_548 = arith.constant 0 : i32
          %dma_wait3A_549 = arith.constant 0 : i32
          %dma_wait3A_550 = arith.constant 0 : i32
          %dma_wait3A_551 = arith.constant 0 : i32
          %dma_wait3A_552 = tpu.memref_slice %arg6[%dma_wait3A_548, %dma_wait3A_549, %dma_wait3A_550, %dma_wait3A_551] : memref<2x32x2x100xi32, #tpu.memory_space<vmem>> -> memref<1x32x2x100xi32, #tpu.memory_space<vmem>>
          %dma_wait3A_553 = tpu.memref_squeeze %dma_wait3A_552 : memref<1x32x2x100xi32, #tpu.memory_space<vmem>> -> memref<32x2x100xi32, #tpu.memory_space<vmem>>
          %dma_wait3A_554 = arith.constant 0 : i32
          %dma_wait3A_555 = arith.constant 0 : i32
          %dma_wait3A_556 = tpu.memref_slice %arg2[%add3A_547, %dma_wait3A_554, %dma_wait3A_555] : memref<16384x2x100xi32, #tpu.memory_space<hbm>> -> memref<32x2x100xi32, #tpu.memory_space<hbm>>
          %dma_wait3A_557 = arith.constant 0 : i32
          %dma_wait3A_558 = arith.constant 0 : i32
          %dma_wait3A_559 = arith.constant 0 : i32
          %dma_wait3A_560 = tpu.memref_slice %arg6[%dma_wait3A_548, %dma_wait3A_557, %dma_wait3A_558, %dma_wait3A_559] : memref<2x32x2x100xi32, #tpu.memory_space<vmem>> -> memref<1x32x2x100xi32, #tpu.memory_space<vmem>>
          %dma_wait3A_561 = tpu.memref_squeeze %dma_wait3A_560 : memref<1x32x2x100xi32, #tpu.memory_space<vmem>> -> memref<32x2x100xi32, #tpu.memory_space<vmem>>
          %dma_wait3A_562 = arith.constant 0 : i32
          %dma_wait3A_563 = arith.constant 0 : i32
          %dma_wait3A_564 = tpu.memref_slice %arg2[%add3A_547, %dma_wait3A_562, %dma_wait3A_563] : memref<16384x2x100xi32, #tpu.memory_space<hbm>> -> memref<32x2x100xi32, #tpu.memory_space<hbm>>
          tpu.wait_dma2 semaphore(%arg11 : memref<!tpu.dma_semaphore, #tpu.memory_space<semaphore_mem>>) src(%dma_wait3A_564 : memref<32x2x100xi32, #tpu.memory_space<hbm>>) dst(%dma_wait3A_561 : memref<32x2x100xi32, #tpu.memory_space<vmem>>)
        } else {
        }
        %jit3A = arith.constant 32 : i32
        %div3A = arith.divsi %add3A_310, %jit3A : i32
        %sign3A = arith.constant 0 : i32
        %sign3A_462 = arith.cmpi sgt, %add3A_310, %sign3A : i32
        %sign3A_463 = arith.extui %sign3A_462 : i1 to i32
        %sign3A_464 = arith.constant 0 : i32
        %sign3A_465 = arith.cmpi slt, %add3A_310, %sign3A_464 : i32
        %sign3A_466 = arith.extui %sign3A_465 : i1 to i32
        %sign3A_467 = arith.subi %sign3A_463, %sign3A_466 : i32
        %sign3A_468 = arith.constant 0 : i32
        %sign3A_469 = arith.cmpi sgt, %jit3A, %sign3A_468 : i32
        %sign3A_470 = arith.extui %sign3A_469 : i1 to i32
        %sign3A_471 = arith.constant 0 : i32
        %sign3A_472 = arith.cmpi slt, %jit3A, %sign3A_471 : i32
        %sign3A_473 = arith.extui %sign3A_472 : i1 to i32
        %sign3A_474 = arith.subi %sign3A_470, %sign3A_473 : i32
        %ne3A = arith.cmpi ne, %sign3A_467, %sign3A_474 : i32
        %rem3A_475 = arith.remsi %add3A_310, %jit3A : i32
        %ne3A_476 = arith.constant 0 : i32
        %ne3A_477 = arith.cmpi ne, %rem3A_475, %ne3A_476 : i32
        %and3A = arith.andi %ne3A, %ne3A_477 : i1
        %sub3A_478 = arith.constant 1 : i32
        %sub3A_479 = arith.subi %div3A, %sub3A_478 : i32
        %select_n3A = arith.select %and3A, %sub3A_479, %div3A : i32
        %rem3A_480 = arith.constant 2 : i32
        %rem3A_481 = arith.remsi %select_n3A, %rem3A_480 : i32
        %rem3A_482 = arith.constant 32 : i32
        %rem3A_483 = arith.remsi %add3A_310, %rem3A_482 : i32
        %dma_start3A_484 = arith.constant 0 : i32
        %dma_start3A_485 = arith.constant 0 : i32
        %dma_start3A_486 = arith.constant 0 : i32
        %dma_start3A_487 = arith.constant 0 : i32
        %dma_start3A_488 = arith.constant 0 : i32
        %dma_start3A_489 = arith.constant 0 : i32
        %dma_start3A_490 = tpu.memref_slice %arg7[%dma_start3A_485, %dma_start3A_487, %dma_start3A_488, %dma_start3A_489] : memref<2x2x100x128xf32, #tpu.memory_space<vmem>> -> memref<1x2x100x128xf32, #tpu.memory_space<vmem>>
        %dma_start3A_491 = tpu.memref_squeeze %dma_start3A_490 : memref<1x2x100x128xf32, #tpu.memory_space<vmem>> -> memref<2x100x128xf32, #tpu.memory_space<vmem>>
        %dma_start3A_492 = arith.constant 0 : i32
        %dma_start3A_493 = arith.constant 0 : i32
        %dma_start3A_494 = tpu.memref_slice %dma_start3A_491[%dma_start3A_486, %dma_start3A_492, %dma_start3A_493] : memref<2x100x128xf32, #tpu.memory_space<vmem>> -> memref<1x100x128xf32, #tpu.memory_space<vmem>>
        %dma_start3A_495 = tpu.memref_squeeze %dma_start3A_494 : memref<1x100x128xf32, #tpu.memory_space<vmem>> -> memref<100x128xf32, #tpu.memory_space<vmem>>
        %dma_start3A_496 = arith.constant 0 : i32
        %dma_start3A_497 = arith.constant 0 : i32
        %dma_start3A_498 = arith.constant 0 : i32
        %dma_start3A_499 = tpu.memref_slice %arg6[%rem3A_481, %dma_start3A_496, %dma_start3A_497, %dma_start3A_498] : memref<2x32x2x100xi32, #tpu.memory_space<vmem>> -> memref<1x32x2x100xi32, #tpu.memory_space<vmem>>
        %dma_start3A_500 = tpu.memref_squeeze %dma_start3A_499 : memref<1x32x2x100xi32, #tpu.memory_space<vmem>> -> memref<32x2x100xi32, #tpu.memory_space<vmem>>
        %dma_start3A_501 = arith.constant 0 : i32
        %dma_start3A_502 = arith.constant 0 : i32
        %dma_start3A_503 = tpu.memref_slice %dma_start3A_500[%rem3A_483, %dma_start3A_501, %dma_start3A_502] : memref<32x2x100xi32, #tpu.memory_space<vmem>> -> memref<1x2x100xi32, #tpu.memory_space<vmem>>
        %dma_start3A_504 = tpu.memref_squeeze %dma_start3A_503 : memref<1x2x100xi32, #tpu.memory_space<vmem>> -> memref<2x100xi32, #tpu.memory_space<vmem>>
        %dma_start3A_505 = arith.constant 0 : i32
        %dma_start3A_506 = tpu.memref_slice %dma_start3A_504[%dma_start3A_484, %dma_start3A_505] : memref<2x100xi32, #tpu.memory_space<vmem>> -> memref<1x100xi32, #tpu.memory_space<vmem>>
        %dma_start3A_507 = tpu.memref_squeeze %dma_start3A_506 : memref<1x100xi32, #tpu.memory_space<vmem>> -> memref<100xi32, #tpu.memory_space<vmem>>
        %dma_start3A_508 = arith.constant 0 : i32
        %dma_start3A_509 = arith.constant 0 : i32
        %dma_start3A_510 = tpu.memref_slice %arg3[%dma_start3A_508, %dma_start3A_509] : memref<1000001x128xf32, #tpu.memory_space<hbm>> -> memref<1000001x128xf32, #tpu.memory_space<hbm>>
        tpu.enqueue_indirect_dma source(%dma_start3A_510 : memref<1000001x128xf32, #tpu.memory_space<hbm>>) target(%dma_start3A_495 : memref<100x128xf32, #tpu.memory_space<vmem>>) offsets(%dma_start3A_507 : memref<100xi32, #tpu.memory_space<vmem>>) semaphore(%arg9 : memref<!tpu.dma_semaphore, #tpu.memory_space<semaphore_mem>>)
        %dma_start3A_511 = arith.constant 1 : i32
        %dma_start3A_512 = arith.constant 0 : i32
        %dma_start3A_513 = arith.constant 1 : i32
        %dma_start3A_514 = arith.constant 0 : i32
        %dma_start3A_515 = arith.constant 0 : i32
        %dma_start3A_516 = arith.constant 0 : i32
        %dma_start3A_517 = tpu.memref_slice %arg7[%dma_start3A_512, %dma_start3A_514, %dma_start3A_515, %dma_start3A_516] : memref<2x2x100x128xf32, #tpu.memory_space<vmem>> -> memref<1x2x100x128xf32, #tpu.memory_space<vmem>>
        %dma_start3A_518 = tpu.memref_squeeze %dma_start3A_517 : memref<1x2x100x128xf32, #tpu.memory_space<vmem>> -> memref<2x100x128xf32, #tpu.memory_space<vmem>>
        %dma_start3A_519 = arith.constant 0 : i32
        %dma_start3A_520 = arith.constant 0 : i32
        %dma_start3A_521 = tpu.memref_slice %dma_start3A_518[%dma_start3A_513, %dma_start3A_519, %dma_start3A_520] : memref<2x100x128xf32, #tpu.memory_space<vmem>> -> memref<1x100x128xf32, #tpu.memory_space<vmem>>
        %dma_start3A_522 = tpu.memref_squeeze %dma_start3A_521 : memref<1x100x128xf32, #tpu.memory_space<vmem>> -> memref<100x128xf32, #tpu.memory_space<vmem>>
        %dma_start3A_523 = arith.constant 0 : i32
        %dma_start3A_524 = arith.constant 0 : i32
        %dma_start3A_525 = arith.constant 0 : i32
        %dma_start3A_526 = tpu.memref_slice %arg6[%rem3A_481, %dma_start3A_523, %dma_start3A_524, %dma_start3A_525] : memref<2x32x2x100xi32, #tpu.memory_space<vmem>> -> memref<1x32x2x100xi32, #tpu.memory_space<vmem>>
        %dma_start3A_527 = tpu.memref_squeeze %dma_start3A_526 : memref<1x32x2x100xi32, #tpu.memory_space<vmem>> -> memref<32x2x100xi32, #tpu.memory_space<vmem>>
        %dma_start3A_528 = arith.constant 0 : i32
        %dma_start3A_529 = arith.constant 0 : i32
        %dma_start3A_530 = tpu.memref_slice %dma_start3A_527[%rem3A_483, %dma_start3A_528, %dma_start3A_529] : memref<32x2x100xi32, #tpu.memory_space<vmem>> -> memref<1x2x100xi32, #tpu.memory_space<vmem>>
        %dma_start3A_531 = tpu.memref_squeeze %dma_start3A_530 : memref<1x2x100xi32, #tpu.memory_space<vmem>> -> memref<2x100xi32, #tpu.memory_space<vmem>>
        %dma_start3A_532 = arith.constant 0 : i32
        %dma_start3A_533 = tpu.memref_slice %dma_start3A_531[%dma_start3A_511, %dma_start3A_532] : memref<2x100xi32, #tpu.memory_space<vmem>> -> memref<1x100xi32, #tpu.memory_space<vmem>>
        %dma_start3A_534 = tpu.memref_squeeze %dma_start3A_533 : memref<1x100xi32, #tpu.memory_space<vmem>> -> memref<100xi32, #tpu.memory_space<vmem>>
        %dma_start3A_535 = arith.constant 0 : i32
        %dma_start3A_536 = arith.constant 0 : i32
        %dma_start3A_537 = tpu.memref_slice %arg3[%dma_start3A_535, %dma_start3A_536] : memref<1000001x128xf32, #tpu.memory_space<hbm>> -> memref<1000001x128xf32, #tpu.memory_space<hbm>>
        tpu.enqueue_indirect_dma source(%dma_start3A_537 : memref<1000001x128xf32, #tpu.memory_space<hbm>>) target(%dma_start3A_522 : memref<100x128xf32, #tpu.memory_space<vmem>>) offsets(%dma_start3A_534 : memref<100xi32, #tpu.memory_space<vmem>>) semaphore(%arg9 : memref<!tpu.dma_semaphore, #tpu.memory_space<semaphore_mem>>)
        %eq3A_538 = arith.constant 2 : i32
        %eq3A_539 = arith.cmpi eq, %rem3A_312, %eq3A_538 : i32
        %lt3A_540 = arith.constant 480 : i32
        %lt3A_541 = arith.cmpi slt, %add3A_310, %lt3A_540 : i32
        %and3A_542 = arith.andi %eq3A_539, %lt3A_541 : i1
        %convert_element_type3A_543 = arith.extui %and3A_542 : i1 to i32
        %cond3A_544 = arith.constant 0 : i32
        %cond3A_545 = arith.cmpi ne, %convert_element_type3A_543, %cond3A_544 : i32
        scf.if %cond3A_545 {
          %jit3A_546 = arith.constant 32 : i32
          %div3A_547 = arith.divsi %add3A_310, %jit3A_546 : i32
          %sign3A_548 = arith.constant 0 : i32
          %sign3A_549 = arith.cmpi sgt, %add3A_310, %sign3A_548 : i32
          %sign3A_550 = arith.extui %sign3A_549 : i1 to i32
          %sign3A_551 = arith.constant 0 : i32
          %sign3A_552 = arith.cmpi slt, %add3A_310, %sign3A_551 : i32
          %sign3A_553 = arith.extui %sign3A_552 : i1 to i32
          %sign3A_554 = arith.subi %sign3A_550, %sign3A_553 : i32
          %sign3A_555 = arith.constant 0 : i32
          %sign3A_556 = arith.cmpi sgt, %jit3A_546, %sign3A_555 : i32
          %sign3A_557 = arith.extui %sign3A_556 : i1 to i32
          %sign3A_558 = arith.constant 0 : i32
          %sign3A_559 = arith.cmpi slt, %jit3A_546, %sign3A_558 : i32
          %sign3A_560 = arith.extui %sign3A_559 : i1 to i32
          %sign3A_561 = arith.subi %sign3A_557, %sign3A_560 : i32
          %ne3A_562 = arith.cmpi ne, %sign3A_554, %sign3A_561 : i32
          %rem3A_563 = arith.remsi %add3A_310, %jit3A_546 : i32
          %ne3A_564 = arith.constant 0 : i32
          %ne3A_565 = arith.cmpi ne, %rem3A_563, %ne3A_564 : i32
          %and3A_566 = arith.andi %ne3A_562, %ne3A_565 : i1
          %sub3A_567 = arith.constant 1 : i32
          %sub3A_568 = arith.subi %div3A_547, %sub3A_567 : i32
          %select_n3A_569 = arith.select %and3A_566, %sub3A_568, %div3A_547 : i32
          %add3A_570 = arith.constant 1 : i32
          %add3A_571 = arith.addi %select_n3A_569, %add3A_570 : i32
          %rem3A_572 = arith.constant 2 : i32
          %rem3A_573 = arith.remsi %add3A_571, %rem3A_572 : i32
          %mul3A_574 = arith.constant 32 : i32
          %mul3A_575 = arith.muli %add3A_571, %mul3A_574 : i32
          %add3A_576 = arith.addi %add3A_4, %mul3A_575 : i32
          %dma_start3A_577 = arith.constant 0 : i32
          %dma_start3A_578 = arith.constant 0 : i32
          %dma_start3A_579 = arith.constant 0 : i32
          %dma_start3A_580 = tpu.memref_slice %arg6[%rem3A_573, %dma_start3A_577, %dma_start3A_578, %dma_start3A_579] : memref<2x32x2x100xi32, #tpu.memory_space<vmem>> -> memref<1x32x2x100xi32, #tpu.memory_space<vmem>>
          %dma_start3A_581 = tpu.memref_squeeze %dma_start3A_580 : memref<1x32x2x100xi32, #tpu.memory_space<vmem>> -> memref<32x2x100xi32, #tpu.memory_space<vmem>>
          %dma_start3A_582 = arith.constant 0 : i32
          %dma_start3A_583 = arith.constant 0 : i32
          %dma_start3A_584 = tpu.memref_slice %arg2[%add3A_576, %dma_start3A_582, %dma_start3A_583] : memref<16384x2x100xi32, #tpu.memory_space<hbm>> -> memref<32x2x100xi32, #tpu.memory_space<hbm>>
          %dma_start3A_585 = arith.constant 0 : i32
          %dma_start3A_586 = arith.constant 0 : i32
          %dma_start3A_587 = arith.constant 0 : i32
          %dma_start3A_588 = tpu.memref_slice %arg6[%rem3A_573, %dma_start3A_585, %dma_start3A_586, %dma_start3A_587] : memref<2x32x2x100xi32, #tpu.memory_space<vmem>> -> memref<1x32x2x100xi32, #tpu.memory_space<vmem>>
          %dma_start3A_589 = tpu.memref_squeeze %dma_start3A_588 : memref<1x32x2x100xi32, #tpu.memory_space<vmem>> -> memref<32x2x100xi32, #tpu.memory_space<vmem>>
          %dma_start3A_590 = arith.constant 0 : i32
          %dma_start3A_591 = arith.constant 0 : i32
          %dma_start3A_592 = tpu.memref_slice %arg2[%add3A_576, %dma_start3A_590, %dma_start3A_591] : memref<16384x2x100xi32, #tpu.memory_space<hbm>> -> memref<32x2x100xi32, #tpu.memory_space<hbm>>
          tpu.enqueue_dma source(%dma_start3A_592 : memref<32x2x100xi32, #tpu.memory_space<hbm>>) target(%dma_start3A_589 : memref<32x2x100xi32, #tpu.memory_space<vmem>>) target_semaphore(%arg11 : memref<!tpu.dma_semaphore, #tpu.memory_space<semaphore_mem>>)
        } else {
        }
      } else {
      }
      %add3A_315 = arith.constant 1 : i32
      %add3A_316 = arith.addi %mul3A_186, %add3A_315 : i32
      %dma_wait3A_317 = arith.constant 0 : i32
      %dma_wait3A_318 = arith.constant 0 : i32
      %dma_wait3A_319 = arith.constant 0 : i32
      %dma_wait3A_320 = arith.constant 1 : i32
      %dma_wait3A_321 = arith.constant 0 : i32
      %dma_wait3A_322 = arith.constant 0 : i32
      %dma_wait3A_323 = arith.constant 0 : i32
      %dma_wait3A_324 = arith.constant 0 : i32
      %dma_wait3A_325 = tpu.memref_slice %arg7[%dma_wait3A_320, %dma_wait3A_322, %dma_wait3A_323, %dma_wait3A_324] : memref<2x2x100x128xf32, #tpu.memory_space<vmem>> -> memref<1x2x100x128xf32, #tpu.memory_space<vmem>>
      %dma_wait3A_326 = tpu.memref_squeeze %dma_wait3A_325 : memref<1x2x100x128xf32, #tpu.memory_space<vmem>> -> memref<2x100x128xf32, #tpu.memory_space<vmem>>
      %dma_wait3A_327 = arith.constant 0 : i32
      %dma_wait3A_328 = arith.constant 0 : i32
      %dma_wait3A_329 = tpu.memref_slice %dma_wait3A_326[%dma_wait3A_321, %dma_wait3A_327, %dma_wait3A_328] : memref<2x100x128xf32, #tpu.memory_space<vmem>> -> memref<1x100x128xf32, #tpu.memory_space<vmem>>
      %dma_wait3A_330 = tpu.memref_squeeze %dma_wait3A_329 : memref<1x100x128xf32, #tpu.memory_space<vmem>> -> memref<100x128xf32, #tpu.memory_space<vmem>>
      %dma_wait3A_331 = arith.constant 0 : i32
      %dma_wait3A_332 = arith.constant 0 : i32
      %dma_wait3A_333 = arith.constant 0 : i32
      %dma_wait3A_334 = tpu.memref_slice %arg6[%dma_wait3A_317, %dma_wait3A_331, %dma_wait3A_332, %dma_wait3A_333] : memref<2x32x2x100xi32, #tpu.memory_space<vmem>> -> memref<1x32x2x100xi32, #tpu.memory_space<vmem>>
      %dma_wait3A_335 = tpu.memref_squeeze %dma_wait3A_334 : memref<1x32x2x100xi32, #tpu.memory_space<vmem>> -> memref<32x2x100xi32, #tpu.memory_space<vmem>>
      %dma_wait3A_336 = arith.constant 0 : i32
      %dma_wait3A_337 = arith.constant 0 : i32
      %dma_wait3A_338 = tpu.memref_slice %dma_wait3A_335[%dma_wait3A_318, %dma_wait3A_336, %dma_wait3A_337] : memref<32x2x100xi32, #tpu.memory_space<vmem>> -> memref<1x2x100xi32, #tpu.memory_space<vmem>>
      %dma_wait3A_339 = tpu.memref_squeeze %dma_wait3A_338 : memref<1x2x100xi32, #tpu.memory_space<vmem>> -> memref<2x100xi32, #tpu.memory_space<vmem>>
      %dma_wait3A_340 = arith.constant 0 : i32
      %dma_wait3A_341 = tpu.memref_slice %dma_wait3A_339[%dma_wait3A_319, %dma_wait3A_340] : memref<2x100xi32, #tpu.memory_space<vmem>> -> memref<1x100xi32, #tpu.memory_space<vmem>>
      %dma_wait3A_342 = tpu.memref_squeeze %dma_wait3A_341 : memref<1x100xi32, #tpu.memory_space<vmem>> -> memref<100xi32, #tpu.memory_space<vmem>>
      %dma_wait3A_343 = arith.constant 0 : i32
      %dma_wait3A_344 = arith.constant 0 : i32
      %dma_wait3A_345 = tpu.memref_slice %arg3[%dma_wait3A_343, %dma_wait3A_344] : memref<1000001x128xf32, #tpu.memory_space<hbm>> -> memref<1000001x128xf32, #tpu.memory_space<hbm>>
      tpu.wait_indirect_dma semaphore(%arg10 : memref<!tpu.dma_semaphore, #tpu.memory_space<semaphore_mem>>) src(%dma_wait3A_345 : memref<1000001x128xf32, #tpu.memory_space<hbm>>) dst(%dma_wait3A_330 : memref<100x128xf32, #tpu.memory_space<vmem>>)
      %dma_wait3A_346 = arith.constant 0 : i32
      %dma_wait3A_347 = arith.constant 0 : i32
      %dma_wait3A_348 = arith.constant 1 : i32
      %dma_wait3A_349 = arith.constant 1 : i32
      %dma_wait3A_350 = arith.constant 1 : i32
      %dma_wait3A_351 = arith.constant 0 : i32
      %dma_wait3A_352 = arith.constant 0 : i32
      %dma_wait3A_353 = arith.constant 0 : i32
      %dma_wait3A_354 = tpu.memref_slice %arg7[%dma_wait3A_349, %dma_wait3A_351, %dma_wait3A_352, %dma_wait3A_353] : memref<2x2x100x128xf32, #tpu.memory_space<vmem>> -> memref<1x2x100x128xf32, #tpu.memory_space<vmem>>
      %dma_wait3A_355 = tpu.memref_squeeze %dma_wait3A_354 : memref<1x2x100x128xf32, #tpu.memory_space<vmem>> -> memref<2x100x128xf32, #tpu.memory_space<vmem>>
      %dma_wait3A_356 = arith.constant 0 : i32
      %dma_wait3A_357 = arith.constant 0 : i32
      %dma_wait3A_358 = tpu.memref_slice %dma_wait3A_355[%dma_wait3A_350, %dma_wait3A_356, %dma_wait3A_357] : memref<2x100x128xf32, #tpu.memory_space<vmem>> -> memref<1x100x128xf32, #tpu.memory_space<vmem>>
      %dma_wait3A_359 = tpu.memref_squeeze %dma_wait3A_358 : memref<1x100x128xf32, #tpu.memory_space<vmem>> -> memref<100x128xf32, #tpu.memory_space<vmem>>
      %dma_wait3A_360 = arith.constant 0 : i32
      %dma_wait3A_361 = arith.constant 0 : i32
      %dma_wait3A_362 = arith.constant 0 : i32
      %dma_wait3A_363 = tpu.memref_slice %arg6[%dma_wait3A_346, %dma_wait3A_360, %dma_wait3A_361, %dma_wait3A_362] : memref<2x32x2x100xi32, #tpu.memory_space<vmem>> -> memref<1x32x2x100xi32, #tpu.memory_space<vmem>>
      %dma_wait3A_364 = tpu.memref_squeeze %dma_wait3A_363 : memref<1x32x2x100xi32, #tpu.memory_space<vmem>> -> memref<32x2x100xi32, #tpu.memory_space<vmem>>
      %dma_wait3A_365 = arith.constant 0 : i32
      %dma_wait3A_366 = arith.constant 0 : i32
      %dma_wait3A_367 = tpu.memref_slice %dma_wait3A_364[%dma_wait3A_347, %dma_wait3A_365, %dma_wait3A_366] : memref<32x2x100xi32, #tpu.memory_space<vmem>> -> memref<1x2x100xi32, #tpu.memory_space<vmem>>
      %dma_wait3A_368 = tpu.memref_squeeze %dma_wait3A_367 : memref<1x2x100xi32, #tpu.memory_space<vmem>> -> memref<2x100xi32, #tpu.memory_space<vmem>>
      %dma_wait3A_369 = arith.constant 0 : i32
      %dma_wait3A_370 = tpu.memref_slice %dma_wait3A_368[%dma_wait3A_348, %dma_wait3A_369] : memref<2x100xi32, #tpu.memory_space<vmem>> -> memref<1x100xi32, #tpu.memory_space<vmem>>
      %dma_wait3A_371 = tpu.memref_squeeze %dma_wait3A_370 : memref<1x100xi32, #tpu.memory_space<vmem>> -> memref<100xi32, #tpu.memory_space<vmem>>
      %dma_wait3A_372 = arith.constant 0 : i32
      %dma_wait3A_373 = arith.constant 0 : i32
      %dma_wait3A_374 = tpu.memref_slice %arg3[%dma_wait3A_372, %dma_wait3A_373] : memref<1000001x128xf32, #tpu.memory_space<hbm>> -> memref<1000001x128xf32, #tpu.memory_space<hbm>>
      tpu.wait_indirect_dma semaphore(%arg10 : memref<!tpu.dma_semaphore, #tpu.memory_space<semaphore_mem>>) src(%dma_wait3A_374 : memref<1000001x128xf32, #tpu.memory_space<hbm>>) dst(%dma_wait3A_359 : memref<100x128xf32, #tpu.memory_space<vmem>>)
      %rem3A_375 = arith.constant 32 : i32
      %rem3A_376 = arith.remsi %add3A_316, %rem3A_375 : i32
      %broadcast_in_dim3A_377 = arith.constant 0.000000e+00 : f32
      %broadcast_in_dim3A_378 = vector.broadcast %broadcast_in_dim3A_377 : f32 to vector<16xf32>
      %broadcast_in_dim3A_379 = arith.constant 0.000000e+00 : f32
      %broadcast_in_dim3A_380 = vector.broadcast %broadcast_in_dim3A_379 : f32 to vector<16xf32>
      %broadcast_in_dim3A_381 = arith.constant 0.000000e+00 : f32
      %broadcast_in_dim3A_382 = vector.broadcast %broadcast_in_dim3A_381 : f32 to vector<16xf32>
      %broadcast_in_dim3A_383 = arith.constant 0.000000e+00 : f32
      %broadcast_in_dim3A_384 = vector.broadcast %broadcast_in_dim3A_383 : f32 to vector<16xf32>
      %broadcast_in_dim3A_385 = arith.constant 0.000000e+00 : f32
      %broadcast_in_dim3A_386 = vector.broadcast %broadcast_in_dim3A_385 : f32 to vector<16xf32>
      %broadcast_in_dim3A_387 = arith.constant 0.000000e+00 : f32
      %broadcast_in_dim3A_388 = vector.broadcast %broadcast_in_dim3A_387 : f32 to vector<16xf32>
      %broadcast_in_dim3A_389 = arith.constant 0.000000e+00 : f32
      %broadcast_in_dim3A_390 = vector.broadcast %broadcast_in_dim3A_389 : f32 to vector<16xf32>
      %broadcast_in_dim3A_391 = arith.constant 0.000000e+00 : f32
      %broadcast_in_dim3A_392 = vector.broadcast %broadcast_in_dim3A_391 : f32 to vector<16xf32>
      %scan3A_393 = arith.constant 0 : i32
      %scan3A_394 = arith.constant 100 : i32
      %scan3A_395 = arith.addi %scan3A_393, %scan3A_394 : i32
      %scan3A_396 = arith.constant 4 : i32
      %scan3A_397:8 = scf.for %scan3A_457 = %scan3A_393 to %scan3A_395 step %scan3A_396 iter_args(%scan3A_458 = %broadcast_in_dim3A_378, %scan3A_459 = %broadcast_in_dim3A_380, %scan3A_460 = %broadcast_in_dim3A_382, %scan3A_461 = %broadcast_in_dim3A_384, %scan3A_462 = %broadcast_in_dim3A_386, %scan3A_463 = %broadcast_in_dim3A_388, %scan3A_464 = %broadcast_in_dim3A_390, %scan3A_465 = %broadcast_in_dim3A_392) -> (vector<16xf32>, vector<16xf32>, vector<16xf32>, vector<16xf32>, vector<16xf32>, vector<16xf32>, vector<16xf32>, vector<16xf32>)  : i32 {
        %get3A = arith.constant 1 : i32
        %get3A_466 = arith.constant 0 : i32
        %get3A_467 = arith.index_cast %get3A : i32 to index
        %get3A_468 = arith.index_cast %get3A_466 : i32 to index
        %get3A_469 = arith.index_cast %scan3A_457 : i32 to index
        %get3A_470 = arith.constant 0 : index
        %get3A_471 = tpu.vector_load %arg7[%get3A_467, %get3A_468, %get3A_469, %get3A_470] {strides = array<i32>} : memref<2x2x100x128xf32, #tpu.memory_space<vmem>>, vector<1x1x1x16xf32>,
        %get3A_472 = vector.shape_cast %get3A_471 : vector<1x1x1x16xf32> to vector<16xf32>
        %add3A_473 = arith.addf %scan3A_458, %get3A_472 : vector<16xf32>
        %get3A_474 = arith.constant 1 : i32
        %get3A_475 = arith.constant 1 : i32
        %get3A_476 = arith.index_cast %get3A_474 : i32 to index
        %get3A_477 = arith.index_cast %get3A_475 : i32 to index
        %get3A_478 = arith.index_cast %scan3A_457 : i32 to index
        %get3A_479 = arith.constant 0 : index
        %get3A_480 = tpu.vector_load %arg7[%get3A_476, %get3A_477, %get3A_478, %get3A_479] {strides = array<i32>} : memref<2x2x100x128xf32, #tpu.memory_space<vmem>>, vector<1x1x1x16xf32>,
        %get3A_481 = vector.shape_cast %get3A_480 : vector<1x1x1x16xf32> to vector<16xf32>
        %add3A_482 = arith.addf %add3A_473, %get3A_481 : vector<16xf32>
        %get3A_483 = arith.constant 1 : i32
        %get3A_484 = arith.constant 0 : i32
        %get3A_485 = arith.index_cast %get3A_483 : i32 to index
        %get3A_486 = arith.index_cast %get3A_484 : i32 to index
        %get3A_487 = arith.index_cast %scan3A_457 : i32 to index
        %get3A_488 = arith.constant 16 : index
        %get3A_489 = tpu.vector_load %arg7[%get3A_485, %get3A_486, %get3A_487, %get3A_488] {strides = array<i32>} : memref<2x2x100x128xf32, #tpu.memory_space<vmem>>, vector<1x1x1x16xf32>,
        %get3A_490 = vector.shape_cast %get3A_489 : vector<1x1x1x16xf32> to vector<16xf32>
        %add3A_491 = arith.addf %scan3A_459, %get3A_490 : vector<16xf32>
        %get3A_492 = arith.constant 1 : i32
        %get3A_493 = arith.constant 1 : i32
        %get3A_494 = arith.index_cast %get3A_492 : i32 to index
        %get3A_495 = arith.index_cast %get3A_493 : i32 to index
        %get3A_496 = arith.index_cast %scan3A_457 : i32 to index
        %get3A_497 = arith.constant 16 : index
        %get3A_498 = tpu.vector_load %arg7[%get3A_494, %get3A_495, %get3A_496, %get3A_497] {strides = array<i32>} : memref<2x2x100x128xf32, #tpu.memory_space<vmem>>, vector<1x1x1x16xf32>,
        %get3A_499 = vector.shape_cast %get3A_498 : vector<1x1x1x16xf32> to vector<16xf32>
        %add3A_500 = arith.addf %add3A_491, %get3A_499 : vector<16xf32>
        %get3A_501 = arith.constant 1 : i32
        %get3A_502 = arith.constant 0 : i32
        %get3A_503 = arith.index_cast %get3A_501 : i32 to index
        %get3A_504 = arith.index_cast %get3A_502 : i32 to index
        %get3A_505 = arith.index_cast %scan3A_457 : i32 to index
        %get3A_506 = arith.constant 32 : index
        %get3A_507 = tpu.vector_load %arg7[%get3A_503, %get3A_504, %get3A_505, %get3A_506] {strides = array<i32>} : memref<2x2x100x128xf32, #tpu.memory_space<vmem>>, vector<1x1x1x16xf32>,
        %get3A_508 = vector.shape_cast %get3A_507 : vector<1x1x1x16xf32> to vector<16xf32>
        %add3A_509 = arith.addf %scan3A_460, %get3A_508 : vector<16xf32>
        %get3A_510 = arith.constant 1 : i32
        %get3A_511 = arith.constant 1 : i32
        %get3A_512 = arith.index_cast %get3A_510 : i32 to index
        %get3A_513 = arith.index_cast %get3A_511 : i32 to index
        %get3A_514 = arith.index_cast %scan3A_457 : i32 to index
        %get3A_515 = arith.constant 32 : index
        %get3A_516 = tpu.vector_load %arg7[%get3A_512, %get3A_513, %get3A_514, %get3A_515] {strides = array<i32>} : memref<2x2x100x128xf32, #tpu.memory_space<vmem>>, vector<1x1x1x16xf32>,
        %get3A_517 = vector.shape_cast %get3A_516 : vector<1x1x1x16xf32> to vector<16xf32>
        %add3A_518 = arith.addf %add3A_509, %get3A_517 : vector<16xf32>
        %get3A_519 = arith.constant 1 : i32
        %get3A_520 = arith.constant 0 : i32
        %get3A_521 = arith.index_cast %get3A_519 : i32 to index
        %get3A_522 = arith.index_cast %get3A_520 : i32 to index
        %get3A_523 = arith.index_cast %scan3A_457 : i32 to index
        %get3A_524 = arith.constant 48 : index
        %get3A_525 = tpu.vector_load %arg7[%get3A_521, %get3A_522, %get3A_523, %get3A_524] {strides = array<i32>} : memref<2x2x100x128xf32, #tpu.memory_space<vmem>>, vector<1x1x1x16xf32>,
        %get3A_526 = vector.shape_cast %get3A_525 : vector<1x1x1x16xf32> to vector<16xf32>
        %add3A_527 = arith.addf %scan3A_461, %get3A_526 : vector<16xf32>
        %get3A_528 = arith.constant 1 : i32
        %get3A_529 = arith.constant 1 : i32
        %get3A_530 = arith.index_cast %get3A_528 : i32 to index
        %get3A_531 = arith.index_cast %get3A_529 : i32 to index
        %get3A_532 = arith.index_cast %scan3A_457 : i32 to index
        %get3A_533 = arith.constant 48 : index
        %get3A_534 = tpu.vector_load %arg7[%get3A_530, %get3A_531, %get3A_532, %get3A_533] {strides = array<i32>} : memref<2x2x100x128xf32, #tpu.memory_space<vmem>>, vector<1x1x1x16xf32>,
        %get3A_535 = vector.shape_cast %get3A_534 : vector<1x1x1x16xf32> to vector<16xf32>
        %add3A_536 = arith.addf %add3A_527, %get3A_535 : vector<16xf32>
        %get3A_537 = arith.constant 1 : i32
        %get3A_538 = arith.constant 0 : i32
        %get3A_539 = arith.index_cast %get3A_537 : i32 to index
        %get3A_540 = arith.index_cast %get3A_538 : i32 to index
        %get3A_541 = arith.index_cast %scan3A_457 : i32 to index
        %get3A_542 = arith.constant 64 : index
        %get3A_543 = tpu.vector_load %arg7[%get3A_539, %get3A_540, %get3A_541, %get3A_542] {strides = array<i32>} : memref<2x2x100x128xf32, #tpu.memory_space<vmem>>, vector<1x1x1x16xf32>,
        %get3A_544 = vector.shape_cast %get3A_543 : vector<1x1x1x16xf32> to vector<16xf32>
        %add3A_545 = arith.addf %scan3A_462, %get3A_544 : vector<16xf32>
        %get3A_546 = arith.constant 1 : i32
        %get3A_547 = arith.constant 1 : i32
        %get3A_548 = arith.index_cast %get3A_546 : i32 to index
        %get3A_549 = arith.index_cast %get3A_547 : i32 to index
        %get3A_550 = arith.index_cast %scan3A_457 : i32 to index
        %get3A_551 = arith.constant 64 : index
        %get3A_552 = tpu.vector_load %arg7[%get3A_548, %get3A_549, %get3A_550, %get3A_551] {strides = array<i32>} : memref<2x2x100x128xf32, #tpu.memory_space<vmem>>, vector<1x1x1x16xf32>,
        %get3A_553 = vector.shape_cast %get3A_552 : vector<1x1x1x16xf32> to vector<16xf32>
        %add3A_554 = arith.addf %add3A_545, %get3A_553 : vector<16xf32>
        %get3A_555 = arith.constant 1 : i32
        %get3A_556 = arith.constant 0 : i32
        %get3A_557 = arith.index_cast %get3A_555 : i32 to index
        %get3A_558 = arith.index_cast %get3A_556 : i32 to index
        %get3A_559 = arith.index_cast %scan3A_457 : i32 to index
        %get3A_560 = arith.constant 80 : index
        %get3A_561 = tpu.vector_load %arg7[%get3A_557, %get3A_558, %get3A_559, %get3A_560] {strides = array<i32>} : memref<2x2x100x128xf32, #tpu.memory_space<vmem>>, vector<1x1x1x16xf32>,
        %get3A_562 = vector.shape_cast %get3A_561 : vector<1x1x1x16xf32> to vector<16xf32>
        %add3A_563 = arith.addf %scan3A_463, %get3A_562 : vector<16xf32>
        %get3A_564 = arith.constant 1 : i32
        %get3A_565 = arith.constant 1 : i32
        %get3A_566 = arith.index_cast %get3A_564 : i32 to index
        %get3A_567 = arith.index_cast %get3A_565 : i32 to index
        %get3A_568 = arith.index_cast %scan3A_457 : i32 to index
        %get3A_569 = arith.constant 80 : index
        %get3A_570 = tpu.vector_load %arg7[%get3A_566, %get3A_567, %get3A_568, %get3A_569] {strides = array<i32>} : memref<2x2x100x128xf32, #tpu.memory_space<vmem>>, vector<1x1x1x16xf32>,
        %get3A_571 = vector.shape_cast %get3A_570 : vector<1x1x1x16xf32> to vector<16xf32>
        %add3A_572 = arith.addf %add3A_563, %get3A_571 : vector<16xf32>
        %get3A_573 = arith.constant 1 : i32
        %get3A_574 = arith.constant 0 : i32
        %get3A_575 = arith.index_cast %get3A_573 : i32 to index
        %get3A_576 = arith.index_cast %get3A_574 : i32 to index
        %get3A_577 = arith.index_cast %scan3A_457 : i32 to index
        %get3A_578 = arith.constant 96 : index
        %get3A_579 = tpu.vector_load %arg7[%get3A_575, %get3A_576, %get3A_577, %get3A_578] {strides = array<i32>} : memref<2x2x100x128xf32, #tpu.memory_space<vmem>>, vector<1x1x1x16xf32>,
        %get3A_580 = vector.shape_cast %get3A_579 : vector<1x1x1x16xf32> to vector<16xf32>
        %add3A_581 = arith.addf %scan3A_464, %get3A_580 : vector<16xf32>
        %get3A_582 = arith.constant 1 : i32
        %get3A_583 = arith.constant 1 : i32
        %get3A_584 = arith.index_cast %get3A_582 : i32 to index
        %get3A_585 = arith.index_cast %get3A_583 : i32 to index
        %get3A_586 = arith.index_cast %scan3A_457 : i32 to index
        %get3A_587 = arith.constant 96 : index
        %get3A_588 = tpu.vector_load %arg7[%get3A_584, %get3A_585, %get3A_586, %get3A_587] {strides = array<i32>} : memref<2x2x100x128xf32, #tpu.memory_space<vmem>>, vector<1x1x1x16xf32>,
        %get3A_589 = vector.shape_cast %get3A_588 : vector<1x1x1x16xf32> to vector<16xf32>
        %add3A_590 = arith.addf %add3A_581, %get3A_589 : vector<16xf32>
        %get3A_591 = arith.constant 1 : i32
        %get3A_592 = arith.constant 0 : i32
        %get3A_593 = arith.index_cast %get3A_591 : i32 to index
        %get3A_594 = arith.index_cast %get3A_592 : i32 to index
        %get3A_595 = arith.index_cast %scan3A_457 : i32 to index
        %get3A_596 = arith.constant 112 : index
        %get3A_597 = tpu.vector_load %arg7[%get3A_593, %get3A_594, %get3A_595, %get3A_596] {strides = array<i32>} : memref<2x2x100x128xf32, #tpu.memory_space<vmem>>, vector<1x1x1x16xf32>,
        %get3A_598 = vector.shape_cast %get3A_597 : vector<1x1x1x16xf32> to vector<16xf32>
        %add3A_599 = arith.addf %scan3A_465, %get3A_598 : vector<16xf32>
        %get3A_600 = arith.constant 1 : i32
        %get3A_601 = arith.constant 1 : i32
        %get3A_602 = arith.index_cast %get3A_600 : i32 to index
        %get3A_603 = arith.index_cast %get3A_601 : i32 to index
        %get3A_604 = arith.index_cast %scan3A_457 : i32 to index
        %get3A_605 = arith.constant 112 : index
        %get3A_606 = tpu.vector_load %arg7[%get3A_602, %get3A_603, %get3A_604, %get3A_605] {strides = array<i32>} : memref<2x2x100x128xf32, #tpu.memory_space<vmem>>, vector<1x1x1x16xf32>,
        %get3A_607 = vector.shape_cast %get3A_606 : vector<1x1x1x16xf32> to vector<16xf32>
        %add3A_608 = arith.addf %add3A_599, %get3A_607 : vector<16xf32>
        %scan3A_609 = arith.constant 1 : i32
        %scan3A_610 = arith.addi %scan3A_457, %scan3A_609 : i32
        %get3A_611 = arith.constant 1 : i32
        %get3A_612 = arith.constant 0 : i32
        %get3A_613 = arith.index_cast %get3A_611 : i32 to index
        %get3A_614 = arith.index_cast %get3A_612 : i32 to index
        %get3A_615 = arith.index_cast %scan3A_610 : i32 to index
        %get3A_616 = arith.constant 0 : index
        %get3A_617 = tpu.vector_load %arg7[%get3A_613, %get3A_614, %get3A_615, %get3A_616] {strides = array<i32>} : memref<2x2x100x128xf32, #tpu.memory_space<vmem>>, vector<1x1x1x16xf32>,
        %get3A_618 = vector.shape_cast %get3A_617 : vector<1x1x1x16xf32> to vector<16xf32>
        %add3A_619 = arith.addf %add3A_482, %get3A_618 : vector<16xf32>
        %get3A_620 = arith.constant 1 : i32
        %get3A_621 = arith.constant 1 : i32
        %get3A_622 = arith.index_cast %get3A_620 : i32 to index
        %get3A_623 = arith.index_cast %get3A_621 : i32 to index
        %get3A_624 = arith.index_cast %scan3A_610 : i32 to index
        %get3A_625 = arith.constant 0 : index
        %get3A_626 = tpu.vector_load %arg7[%get3A_622, %get3A_623, %get3A_624, %get3A_625] {strides = array<i32>} : memref<2x2x100x128xf32, #tpu.memory_space<vmem>>, vector<1x1x1x16xf32>,
        %get3A_627 = vector.shape_cast %get3A_626 : vector<1x1x1x16xf32> to vector<16xf32>
        %add3A_628 = arith.addf %add3A_619, %get3A_627 : vector<16xf32>
        %get3A_629 = arith.constant 1 : i32
        %get3A_630 = arith.constant 0 : i32
        %get3A_631 = arith.index_cast %get3A_629 : i32 to index
        %get3A_632 = arith.index_cast %get3A_630 : i32 to index
        %get3A_633 = arith.index_cast %scan3A_610 : i32 to index
        %get3A_634 = arith.constant 16 : index
        %get3A_635 = tpu.vector_load %arg7[%get3A_631, %get3A_632, %get3A_633, %get3A_634] {strides = array<i32>} : memref<2x2x100x128xf32, #tpu.memory_space<vmem>>, vector<1x1x1x16xf32>,
        %get3A_636 = vector.shape_cast %get3A_635 : vector<1x1x1x16xf32> to vector<16xf32>
        %add3A_637 = arith.addf %add3A_500, %get3A_636 : vector<16xf32>
        %get3A_638 = arith.constant 1 : i32
        %get3A_639 = arith.constant 1 : i32
        %get3A_640 = arith.index_cast %get3A_638 : i32 to index
        %get3A_641 = arith.index_cast %get3A_639 : i32 to index
        %get3A_642 = arith.index_cast %scan3A_610 : i32 to index
        %get3A_643 = arith.constant 16 : index
        %get3A_644 = tpu.vector_load %arg7[%get3A_640, %get3A_641, %get3A_642, %get3A_643] {strides = array<i32>} : memref<2x2x100x128xf32, #tpu.memory_space<vmem>>, vector<1x1x1x16xf32>,
        %get3A_645 = vector.shape_cast %get3A_644 : vector<1x1x1x16xf32> to vector<16xf32>
        %add3A_646 = arith.addf %add3A_637, %get3A_645 : vector<16xf32>
        %get3A_647 = arith.constant 1 : i32
        %get3A_648 = arith.constant 0 : i32
        %get3A_649 = arith.index_cast %get3A_647 : i32 to index
        %get3A_650 = arith.index_cast %get3A_648 : i32 to index
        %get3A_651 = arith.index_cast %scan3A_610 : i32 to index
        %get3A_652 = arith.constant 32 : index
        %get3A_653 = tpu.vector_load %arg7[%get3A_649, %get3A_650, %get3A_651, %get3A_652] {strides = array<i32>} : memref<2x2x100x128xf32, #tpu.memory_space<vmem>>, vector<1x1x1x16xf32>,
        %get3A_654 = vector.shape_cast %get3A_653 : vector<1x1x1x16xf32> to vector<16xf32>
        %add3A_655 = arith.addf %add3A_518, %get3A_654 : vector<16xf32>
        %get3A_656 = arith.constant 1 : i32
        %get3A_657 = arith.constant 1 : i32
        %get3A_658 = arith.index_cast %get3A_656 : i32 to index
        %get3A_659 = arith.index_cast %get3A_657 : i32 to index
        %get3A_660 = arith.index_cast %scan3A_610 : i32 to index
        %get3A_661 = arith.constant 32 : index
        %get3A_662 = tpu.vector_load %arg7[%get3A_658, %get3A_659, %get3A_660, %get3A_661] {strides = array<i32>} : memref<2x2x100x128xf32, #tpu.memory_space<vmem>>, vector<1x1x1x16xf32>,
        %get3A_663 = vector.shape_cast %get3A_662 : vector<1x1x1x16xf32> to vector<16xf32>
        %add3A_664 = arith.addf %add3A_655, %get3A_663 : vector<16xf32>
        %get3A_665 = arith.constant 1 : i32
        %get3A_666 = arith.constant 0 : i32
        %get3A_667 = arith.index_cast %get3A_665 : i32 to index
        %get3A_668 = arith.index_cast %get3A_666 : i32 to index
        %get3A_669 = arith.index_cast %scan3A_610 : i32 to index
        %get3A_670 = arith.constant 48 : index
        %get3A_671 = tpu.vector_load %arg7[%get3A_667, %get3A_668, %get3A_669, %get3A_670] {strides = array<i32>} : memref<2x2x100x128xf32, #tpu.memory_space<vmem>>, vector<1x1x1x16xf32>,
        %get3A_672 = vector.shape_cast %get3A_671 : vector<1x1x1x16xf32> to vector<16xf32>
        %add3A_673 = arith.addf %add3A_536, %get3A_672 : vector<16xf32>
        %get3A_674 = arith.constant 1 : i32
        %get3A_675 = arith.constant 1 : i32
        %get3A_676 = arith.index_cast %get3A_674 : i32 to index
        %get3A_677 = arith.index_cast %get3A_675 : i32 to index
        %get3A_678 = arith.index_cast %scan3A_610 : i32 to index
        %get3A_679 = arith.constant 48 : index
        %get3A_680 = tpu.vector_load %arg7[%get3A_676, %get3A_677, %get3A_678, %get3A_679] {strides = array<i32>} : memref<2x2x100x128xf32, #tpu.memory_space<vmem>>, vector<1x1x1x16xf32>,
        %get3A_681 = vector.shape_cast %get3A_680 : vector<1x1x1x16xf32> to vector<16xf32>
        %add3A_682 = arith.addf %add3A_673, %get3A_681 : vector<16xf32>
        %get3A_683 = arith.constant 1 : i32
        %get3A_684 = arith.constant 0 : i32
        %get3A_685 = arith.index_cast %get3A_683 : i32 to index
        %get3A_686 = arith.index_cast %get3A_684 : i32 to index
        %get3A_687 = arith.index_cast %scan3A_610 : i32 to index
        %get3A_688 = arith.constant 64 : index
        %get3A_689 = tpu.vector_load %arg7[%get3A_685, %get3A_686, %get3A_687, %get3A_688] {strides = array<i32>} : memref<2x2x100x128xf32, #tpu.memory_space<vmem>>, vector<1x1x1x16xf32>,
        %get3A_690 = vector.shape_cast %get3A_689 : vector<1x1x1x16xf32> to vector<16xf32>
        %add3A_691 = arith.addf %add3A_554, %get3A_690 : vector<16xf32>
        %get3A_692 = arith.constant 1 : i32
        %get3A_693 = arith.constant 1 : i32
        %get3A_694 = arith.index_cast %get3A_692 : i32 to index
        %get3A_695 = arith.index_cast %get3A_693 : i32 to index
        %get3A_696 = arith.index_cast %scan3A_610 : i32 to index
        %get3A_697 = arith.constant 64 : index
        %get3A_698 = tpu.vector_load %arg7[%get3A_694, %get3A_695, %get3A_696, %get3A_697] {strides = array<i32>} : memref<2x2x100x128xf32, #tpu.memory_space<vmem>>, vector<1x1x1x16xf32>,
        %get3A_699 = vector.shape_cast %get3A_698 : vector<1x1x1x16xf32> to vector<16xf32>
        %add3A_700 = arith.addf %add3A_691, %get3A_699 : vector<16xf32>
        %get3A_701 = arith.constant 1 : i32
        %get3A_702 = arith.constant 0 : i32
        %get3A_703 = arith.index_cast %get3A_701 : i32 to index
        %get3A_704 = arith.index_cast %get3A_702 : i32 to index
        %get3A_705 = arith.index_cast %scan3A_610 : i32 to index
        %get3A_706 = arith.constant 80 : index
        %get3A_707 = tpu.vector_load %arg7[%get3A_703, %get3A_704, %get3A_705, %get3A_706] {strides = array<i32>} : memref<2x2x100x128xf32, #tpu.memory_space<vmem>>, vector<1x1x1x16xf32>,
        %get3A_708 = vector.shape_cast %get3A_707 : vector<1x1x1x16xf32> to vector<16xf32>
        %add3A_709 = arith.addf %add3A_572, %get3A_708 : vector<16xf32>
        %get3A_710 = arith.constant 1 : i32
        %get3A_711 = arith.constant 1 : i32
        %get3A_712 = arith.index_cast %get3A_710 : i32 to index
        %get3A_713 = arith.index_cast %get3A_711 : i32 to index
        %get3A_714 = arith.index_cast %scan3A_610 : i32 to index
        %get3A_715 = arith.constant 80 : index
        %get3A_716 = tpu.vector_load %arg7[%get3A_712, %get3A_713, %get3A_714, %get3A_715] {strides = array<i32>} : memref<2x2x100x128xf32, #tpu.memory_space<vmem>>, vector<1x1x1x16xf32>,
        %get3A_717 = vector.shape_cast %get3A_716 : vector<1x1x1x16xf32> to vector<16xf32>
        %add3A_718 = arith.addf %add3A_709, %get3A_717 : vector<16xf32>
        %get3A_719 = arith.constant 1 : i32
        %get3A_720 = arith.constant 0 : i32
        %get3A_721 = arith.index_cast %get3A_719 : i32 to index
        %get3A_722 = arith.index_cast %get3A_720 : i32 to index
        %get3A_723 = arith.index_cast %scan3A_610 : i32 to index
        %get3A_724 = arith.constant 96 : index
        %get3A_725 = tpu.vector_load %arg7[%get3A_721, %get3A_722, %get3A_723, %get3A_724] {strides = array<i32>} : memref<2x2x100x128xf32, #tpu.memory_space<vmem>>, vector<1x1x1x16xf32>,
        %get3A_726 = vector.shape_cast %get3A_725 : vector<1x1x1x16xf32> to vector<16xf32>
        %add3A_727 = arith.addf %add3A_590, %get3A_726 : vector<16xf32>
        %get3A_728 = arith.constant 1 : i32
        %get3A_729 = arith.constant 1 : i32
        %get3A_730 = arith.index_cast %get3A_728 : i32 to index
        %get3A_731 = arith.index_cast %get3A_729 : i32 to index
        %get3A_732 = arith.index_cast %scan3A_610 : i32 to index
        %get3A_733 = arith.constant 96 : index
        %get3A_734 = tpu.vector_load %arg7[%get3A_730, %get3A_731, %get3A_732, %get3A_733] {strides = array<i32>} : memref<2x2x100x128xf32, #tpu.memory_space<vmem>>, vector<1x1x1x16xf32>,
        %get3A_735 = vector.shape_cast %get3A_734 : vector<1x1x1x16xf32> to vector<16xf32>
        %add3A_736 = arith.addf %add3A_727, %get3A_735 : vector<16xf32>
        %get3A_737 = arith.constant 1 : i32
        %get3A_738 = arith.constant 0 : i32
        %get3A_739 = arith.index_cast %get3A_737 : i32 to index
        %get3A_740 = arith.index_cast %get3A_738 : i32 to index
        %get3A_741 = arith.index_cast %scan3A_610 : i32 to index
        %get3A_742 = arith.constant 112 : index
        %get3A_743 = tpu.vector_load %arg7[%get3A_739, %get3A_740, %get3A_741, %get3A_742] {strides = array<i32>} : memref<2x2x100x128xf32, #tpu.memory_space<vmem>>, vector<1x1x1x16xf32>,
        %get3A_744 = vector.shape_cast %get3A_743 : vector<1x1x1x16xf32> to vector<16xf32>
        %add3A_745 = arith.addf %add3A_608, %get3A_744 : vector<16xf32>
        %get3A_746 = arith.constant 1 : i32
        %get3A_747 = arith.constant 1 : i32
        %get3A_748 = arith.index_cast %get3A_746 : i32 to index
        %get3A_749 = arith.index_cast %get3A_747 : i32 to index
        %get3A_750 = arith.index_cast %scan3A_610 : i32 to index
        %get3A_751 = arith.constant 112 : index
        %get3A_752 = tpu.vector_load %arg7[%get3A_748, %get3A_749, %get3A_750, %get3A_751] {strides = array<i32>} : memref<2x2x100x128xf32, #tpu.memory_space<vmem>>, vector<1x1x1x16xf32>,
        %get3A_753 = vector.shape_cast %get3A_752 : vector<1x1x1x16xf32> to vector<16xf32>
        %add3A_754 = arith.addf %add3A_745, %get3A_753 : vector<16xf32>
        %scan3A_755 = arith.constant 2 : i32
        %scan3A_756 = arith.addi %scan3A_457, %scan3A_755 : i32
        %get3A_757 = arith.constant 1 : i32
        %get3A_758 = arith.constant 0 : i32
        %get3A_759 = arith.index_cast %get3A_757 : i32 to index
        %get3A_760 = arith.index_cast %get3A_758 : i32 to index
        %get3A_761 = arith.index_cast %scan3A_756 : i32 to index
        %get3A_762 = arith.constant 0 : index
        %get3A_763 = tpu.vector_load %arg7[%get3A_759, %get3A_760, %get3A_761, %get3A_762] {strides = array<i32>} : memref<2x2x100x128xf32, #tpu.memory_space<vmem>>, vector<1x1x1x16xf32>,
        %get3A_764 = vector.shape_cast %get3A_763 : vector<1x1x1x16xf32> to vector<16xf32>
        %add3A_765 = arith.addf %add3A_628, %get3A_764 : vector<16xf32>
        %get3A_766 = arith.constant 1 : i32
        %get3A_767 = arith.constant 1 : i32
        %get3A_768 = arith.index_cast %get3A_766 : i32 to index
        %get3A_769 = arith.index_cast %get3A_767 : i32 to index
        %get3A_770 = arith.index_cast %scan3A_756 : i32 to index
        %get3A_771 = arith.constant 0 : index
        %get3A_772 = tpu.vector_load %arg7[%get3A_768, %get3A_769, %get3A_770, %get3A_771] {strides = array<i32>} : memref<2x2x100x128xf32, #tpu.memory_space<vmem>>, vector<1x1x1x16xf32>,
        %get3A_773 = vector.shape_cast %get3A_772 : vector<1x1x1x16xf32> to vector<16xf32>
        %add3A_774 = arith.addf %add3A_765, %get3A_773 : vector<16xf32>
        %get3A_775 = arith.constant 1 : i32
        %get3A_776 = arith.constant 0 : i32
        %get3A_777 = arith.index_cast %get3A_775 : i32 to index
        %get3A_778 = arith.index_cast %get3A_776 : i32 to index
        %get3A_779 = arith.index_cast %scan3A_756 : i32 to index
        %get3A_780 = arith.constant 16 : index
        %get3A_781 = tpu.vector_load %arg7[%get3A_777, %get3A_778, %get3A_779, %get3A_780] {strides = array<i32>} : memref<2x2x100x128xf32, #tpu.memory_space<vmem>>, vector<1x1x1x16xf32>,
        %get3A_782 = vector.shape_cast %get3A_781 : vector<1x1x1x16xf32> to vector<16xf32>
        %add3A_783 = arith.addf %add3A_646, %get3A_782 : vector<16xf32>
        %get3A_784 = arith.constant 1 : i32
        %get3A_785 = arith.constant 1 : i32
        %get3A_786 = arith.index_cast %get3A_784 : i32 to index
        %get3A_787 = arith.index_cast %get3A_785 : i32 to index
        %get3A_788 = arith.index_cast %scan3A_756 : i32 to index
        %get3A_789 = arith.constant 16 : index
        %get3A_790 = tpu.vector_load %arg7[%get3A_786, %get3A_787, %get3A_788, %get3A_789] {strides = array<i32>} : memref<2x2x100x128xf32, #tpu.memory_space<vmem>>, vector<1x1x1x16xf32>,
        %get3A_791 = vector.shape_cast %get3A_790 : vector<1x1x1x16xf32> to vector<16xf32>
        %add3A_792 = arith.addf %add3A_783, %get3A_791 : vector<16xf32>
        %get3A_793 = arith.constant 1 : i32
        %get3A_794 = arith.constant 0 : i32
        %get3A_795 = arith.index_cast %get3A_793 : i32 to index
        %get3A_796 = arith.index_cast %get3A_794 : i32 to index
        %get3A_797 = arith.index_cast %scan3A_756 : i32 to index
        %get3A_798 = arith.constant 32 : index
        %get3A_799 = tpu.vector_load %arg7[%get3A_795, %get3A_796, %get3A_797, %get3A_798] {strides = array<i32>} : memref<2x2x100x128xf32, #tpu.memory_space<vmem>>, vector<1x1x1x16xf32>,
        %get3A_800 = vector.shape_cast %get3A_799 : vector<1x1x1x16xf32> to vector<16xf32>
        %add3A_801 = arith.addf %add3A_664, %get3A_800 : vector<16xf32>
        %get3A_802 = arith.constant 1 : i32
        %get3A_803 = arith.constant 1 : i32
        %get3A_804 = arith.index_cast %get3A_802 : i32 to index
        %get3A_805 = arith.index_cast %get3A_803 : i32 to index
        %get3A_806 = arith.index_cast %scan3A_756 : i32 to index
        %get3A_807 = arith.constant 32 : index
        %get3A_808 = tpu.vector_load %arg7[%get3A_804, %get3A_805, %get3A_806, %get3A_807] {strides = array<i32>} : memref<2x2x100x128xf32, #tpu.memory_space<vmem>>, vector<1x1x1x16xf32>,
        %get3A_809 = vector.shape_cast %get3A_808 : vector<1x1x1x16xf32> to vector<16xf32>
        %add3A_810 = arith.addf %add3A_801, %get3A_809 : vector<16xf32>
        %get3A_811 = arith.constant 1 : i32
        %get3A_812 = arith.constant 0 : i32
        %get3A_813 = arith.index_cast %get3A_811 : i32 to index
        %get3A_814 = arith.index_cast %get3A_812 : i32 to index
        %get3A_815 = arith.index_cast %scan3A_756 : i32 to index
        %get3A_816 = arith.constant 48 : index
        %get3A_817 = tpu.vector_load %arg7[%get3A_813, %get3A_814, %get3A_815, %get3A_816] {strides = array<i32>} : memref<2x2x100x128xf32, #tpu.memory_space<vmem>>, vector<1x1x1x16xf32>,
        %get3A_818 = vector.shape_cast %get3A_817 : vector<1x1x1x16xf32> to vector<16xf32>
        %add3A_819 = arith.addf %add3A_682, %get3A_818 : vector<16xf32>
        %get3A_820 = arith.constant 1 : i32
        %get3A_821 = arith.constant 1 : i32
        %get3A_822 = arith.index_cast %get3A_820 : i32 to index
        %get3A_823 = arith.index_cast %get3A_821 : i32 to index
        %get3A_824 = arith.index_cast %scan3A_756 : i32 to index
        %get3A_825 = arith.constant 48 : index
        %get3A_826 = tpu.vector_load %arg7[%get3A_822, %get3A_823, %get3A_824, %get3A_825] {strides = array<i32>} : memref<2x2x100x128xf32, #tpu.memory_space<vmem>>, vector<1x1x1x16xf32>,
        %get3A_827 = vector.shape_cast %get3A_826 : vector<1x1x1x16xf32> to vector<16xf32>
        %add3A_828 = arith.addf %add3A_819, %get3A_827 : vector<16xf32>
        %get3A_829 = arith.constant 1 : i32
        %get3A_830 = arith.constant 0 : i32
        %get3A_831 = arith.index_cast %get3A_829 : i32 to index
        %get3A_832 = arith.index_cast %get3A_830 : i32 to index
        %get3A_833 = arith.index_cast %scan3A_756 : i32 to index
        %get3A_834 = arith.constant 64 : index
        %get3A_835 = tpu.vector_load %arg7[%get3A_831, %get3A_832, %get3A_833, %get3A_834] {strides = array<i32>} : memref<2x2x100x128xf32, #tpu.memory_space<vmem>>, vector<1x1x1x16xf32>,
        %get3A_836 = vector.shape_cast %get3A_835 : vector<1x1x1x16xf32> to vector<16xf32>
        %add3A_837 = arith.addf %add3A_700, %get3A_836 : vector<16xf32>
        %get3A_838 = arith.constant 1 : i32
        %get3A_839 = arith.constant 1 : i32
        %get3A_840 = arith.index_cast %get3A_838 : i32 to index
        %get3A_841 = arith.index_cast %get3A_839 : i32 to index
        %get3A_842 = arith.index_cast %scan3A_756 : i32 to index
        %get3A_843 = arith.constant 64 : index
        %get3A_844 = tpu.vector_load %arg7[%get3A_840, %get3A_841, %get3A_842, %get3A_843] {strides = array<i32>} : memref<2x2x100x128xf32, #tpu.memory_space<vmem>>, vector<1x1x1x16xf32>,
        %get3A_845 = vector.shape_cast %get3A_844 : vector<1x1x1x16xf32> to vector<16xf32>
        %add3A_846 = arith.addf %add3A_837, %get3A_845 : vector<16xf32>
        %get3A_847 = arith.constant 1 : i32
        %get3A_848 = arith.constant 0 : i32
        %get3A_849 = arith.index_cast %get3A_847 : i32 to index
        %get3A_850 = arith.index_cast %get3A_848 : i32 to index
        %get3A_851 = arith.index_cast %scan3A_756 : i32 to index
        %get3A_852 = arith.constant 80 : index
        %get3A_853 = tpu.vector_load %arg7[%get3A_849, %get3A_850, %get3A_851, %get3A_852] {strides = array<i32>} : memref<2x2x100x128xf32, #tpu.memory_space<vmem>>, vector<1x1x1x16xf32>,
        %get3A_854 = vector.shape_cast %get3A_853 : vector<1x1x1x16xf32> to vector<16xf32>
        %add3A_855 = arith.addf %add3A_718, %get3A_854 : vector<16xf32>
        %get3A_856 = arith.constant 1 : i32
        %get3A_857 = arith.constant 1 : i32
        %get3A_858 = arith.index_cast %get3A_856 : i32 to index
        %get3A_859 = arith.index_cast %get3A_857 : i32 to index
        %get3A_860 = arith.index_cast %scan3A_756 : i32 to index
        %get3A_861 = arith.constant 80 : index
        %get3A_862 = tpu.vector_load %arg7[%get3A_858, %get3A_859, %get3A_860, %get3A_861] {strides = array<i32>} : memref<2x2x100x128xf32, #tpu.memory_space<vmem>>, vector<1x1x1x16xf32>,
        %get3A_863 = vector.shape_cast %get3A_862 : vector<1x1x1x16xf32> to vector<16xf32>
        %add3A_864 = arith.addf %add3A_855, %get3A_863 : vector<16xf32>
        %get3A_865 = arith.constant 1 : i32
        %get3A_866 = arith.constant 0 : i32
        %get3A_867 = arith.index_cast %get3A_865 : i32 to index
        %get3A_868 = arith.index_cast %get3A_866 : i32 to index
        %get3A_869 = arith.index_cast %scan3A_756 : i32 to index
        %get3A_870 = arith.constant 96 : index
        %get3A_871 = tpu.vector_load %arg7[%get3A_867, %get3A_868, %get3A_869, %get3A_870] {strides = array<i32>} : memref<2x2x100x128xf32, #tpu.memory_space<vmem>>, vector<1x1x1x16xf32>,
        %get3A_872 = vector.shape_cast %get3A_871 : vector<1x1x1x16xf32> to vector<16xf32>
        %add3A_873 = arith.addf %add3A_736, %get3A_872 : vector<16xf32>
        %get3A_874 = arith.constant 1 : i32
        %get3A_875 = arith.constant 1 : i32
        %get3A_876 = arith.index_cast %get3A_874 : i32 to index
        %get3A_877 = arith.index_cast %get3A_875 : i32 to index
        %get3A_878 = arith.index_cast %scan3A_756 : i32 to index
        %get3A_879 = arith.constant 96 : index
        %get3A_880 = tpu.vector_load %arg7[%get3A_876, %get3A_877, %get3A_878, %get3A_879] {strides = array<i32>} : memref<2x2x100x128xf32, #tpu.memory_space<vmem>>, vector<1x1x1x16xf32>,
        %get3A_881 = vector.shape_cast %get3A_880 : vector<1x1x1x16xf32> to vector<16xf32>
        %add3A_882 = arith.addf %add3A_873, %get3A_881 : vector<16xf32>
        %get3A_883 = arith.constant 1 : i32
        %get3A_884 = arith.constant 0 : i32
        %get3A_885 = arith.index_cast %get3A_883 : i32 to index
        %get3A_886 = arith.index_cast %get3A_884 : i32 to index
        %get3A_887 = arith.index_cast %scan3A_756 : i32 to index
        %get3A_888 = arith.constant 112 : index
        %get3A_889 = tpu.vector_load %arg7[%get3A_885, %get3A_886, %get3A_887, %get3A_888] {strides = array<i32>} : memref<2x2x100x128xf32, #tpu.memory_space<vmem>>, vector<1x1x1x16xf32>,
        %get3A_890 = vector.shape_cast %get3A_889 : vector<1x1x1x16xf32> to vector<16xf32>
        %add3A_891 = arith.addf %add3A_754, %get3A_890 : vector<16xf32>
        %get3A_892 = arith.constant 1 : i32
        %get3A_893 = arith.constant 1 : i32
        %get3A_894 = arith.index_cast %get3A_892 : i32 to index
        %get3A_895 = arith.index_cast %get3A_893 : i32 to index
        %get3A_896 = arith.index_cast %scan3A_756 : i32 to index
        %get3A_897 = arith.constant 112 : index
        %get3A_898 = tpu.vector_load %arg7[%get3A_894, %get3A_895, %get3A_896, %get3A_897] {strides = array<i32>} : memref<2x2x100x128xf32, #tpu.memory_space<vmem>>, vector<1x1x1x16xf32>,
        %get3A_899 = vector.shape_cast %get3A_898 : vector<1x1x1x16xf32> to vector<16xf32>
        %add3A_900 = arith.addf %add3A_891, %get3A_899 : vector<16xf32>
        %scan3A_901 = arith.constant 3 : i32
        %scan3A_902 = arith.addi %scan3A_457, %scan3A_901 : i32
        %get3A_903 = arith.constant 1 : i32
        %get3A_904 = arith.constant 0 : i32
        %get3A_905 = arith.index_cast %get3A_903 : i32 to index
        %get3A_906 = arith.index_cast %get3A_904 : i32 to index
        %get3A_907 = arith.index_cast %scan3A_902 : i32 to index
        %get3A_908 = arith.constant 0 : index
        %get3A_909 = tpu.vector_load %arg7[%get3A_905, %get3A_906, %get3A_907, %get3A_908] {strides = array<i32>} : memref<2x2x100x128xf32, #tpu.memory_space<vmem>>, vector<1x1x1x16xf32>,
        %get3A_910 = vector.shape_cast %get3A_909 : vector<1x1x1x16xf32> to vector<16xf32>
        %add3A_911 = arith.addf %add3A_774, %get3A_910 : vector<16xf32>
        %get3A_912 = arith.constant 1 : i32
        %get3A_913 = arith.constant 1 : i32
        %get3A_914 = arith.index_cast %get3A_912 : i32 to index
        %get3A_915 = arith.index_cast %get3A_913 : i32 to index
        %get3A_916 = arith.index_cast %scan3A_902 : i32 to index
        %get3A_917 = arith.constant 0 : index
        %get3A_918 = tpu.vector_load %arg7[%get3A_914, %get3A_915, %get3A_916, %get3A_917] {strides = array<i32>} : memref<2x2x100x128xf32, #tpu.memory_space<vmem>>, vector<1x1x1x16xf32>,
        %get3A_919 = vector.shape_cast %get3A_918 : vector<1x1x1x16xf32> to vector<16xf32>
        %add3A_920 = arith.addf %add3A_911, %get3A_919 : vector<16xf32>
        %get3A_921 = arith.constant 1 : i32
        %get3A_922 = arith.constant 0 : i32
        %get3A_923 = arith.index_cast %get3A_921 : i32 to index
        %get3A_924 = arith.index_cast %get3A_922 : i32 to index
        %get3A_925 = arith.index_cast %scan3A_902 : i32 to index
        %get3A_926 = arith.constant 16 : index
        %get3A_927 = tpu.vector_load %arg7[%get3A_923, %get3A_924, %get3A_925, %get3A_926] {strides = array<i32>} : memref<2x2x100x128xf32, #tpu.memory_space<vmem>>, vector<1x1x1x16xf32>,
        %get3A_928 = vector.shape_cast %get3A_927 : vector<1x1x1x16xf32> to vector<16xf32>
        %add3A_929 = arith.addf %add3A_792, %get3A_928 : vector<16xf32>
        %get3A_930 = arith.constant 1 : i32
        %get3A_931 = arith.constant 1 : i32
        %get3A_932 = arith.index_cast %get3A_930 : i32 to index
        %get3A_933 = arith.index_cast %get3A_931 : i32 to index
        %get3A_934 = arith.index_cast %scan3A_902 : i32 to index
        %get3A_935 = arith.constant 16 : index
        %get3A_936 = tpu.vector_load %arg7[%get3A_932, %get3A_933, %get3A_934, %get3A_935] {strides = array<i32>} : memref<2x2x100x128xf32, #tpu.memory_space<vmem>>, vector<1x1x1x16xf32>,
        %get3A_937 = vector.shape_cast %get3A_936 : vector<1x1x1x16xf32> to vector<16xf32>
        %add3A_938 = arith.addf %add3A_929, %get3A_937 : vector<16xf32>
        %get3A_939 = arith.constant 1 : i32
        %get3A_940 = arith.constant 0 : i32
        %get3A_941 = arith.index_cast %get3A_939 : i32 to index
        %get3A_942 = arith.index_cast %get3A_940 : i32 to index
        %get3A_943 = arith.index_cast %scan3A_902 : i32 to index
        %get3A_944 = arith.constant 32 : index
        %get3A_945 = tpu.vector_load %arg7[%get3A_941, %get3A_942, %get3A_943, %get3A_944] {strides = array<i32>} : memref<2x2x100x128xf32, #tpu.memory_space<vmem>>, vector<1x1x1x16xf32>,
        %get3A_946 = vector.shape_cast %get3A_945 : vector<1x1x1x16xf32> to vector<16xf32>
        %add3A_947 = arith.addf %add3A_810, %get3A_946 : vector<16xf32>
        %get3A_948 = arith.constant 1 : i32
        %get3A_949 = arith.constant 1 : i32
        %get3A_950 = arith.index_cast %get3A_948 : i32 to index
        %get3A_951 = arith.index_cast %get3A_949 : i32 to index
        %get3A_952 = arith.index_cast %scan3A_902 : i32 to index
        %get3A_953 = arith.constant 32 : index
        %get3A_954 = tpu.vector_load %arg7[%get3A_950, %get3A_951, %get3A_952, %get3A_953] {strides = array<i32>} : memref<2x2x100x128xf32, #tpu.memory_space<vmem>>, vector<1x1x1x16xf32>,
        %get3A_955 = vector.shape_cast %get3A_954 : vector<1x1x1x16xf32> to vector<16xf32>
        %add3A_956 = arith.addf %add3A_947, %get3A_955 : vector<16xf32>
        %get3A_957 = arith.constant 1 : i32
        %get3A_958 = arith.constant 0 : i32
        %get3A_959 = arith.index_cast %get3A_957 : i32 to index
        %get3A_960 = arith.index_cast %get3A_958 : i32 to index
        %get3A_961 = arith.index_cast %scan3A_902 : i32 to index
        %get3A_962 = arith.constant 48 : index
        %get3A_963 = tpu.vector_load %arg7[%get3A_959, %get3A_960, %get3A_961, %get3A_962] {strides = array<i32>} : memref<2x2x100x128xf32, #tpu.memory_space<vmem>>, vector<1x1x1x16xf32>,
        %get3A_964 = vector.shape_cast %get3A_963 : vector<1x1x1x16xf32> to vector<16xf32>
        %add3A_965 = arith.addf %add3A_828, %get3A_964 : vector<16xf32>
        %get3A_966 = arith.constant 1 : i32
        %get3A_967 = arith.constant 1 : i32
        %get3A_968 = arith.index_cast %get3A_966 : i32 to index
        %get3A_969 = arith.index_cast %get3A_967 : i32 to index
        %get3A_970 = arith.index_cast %scan3A_902 : i32 to index
        %get3A_971 = arith.constant 48 : index
        %get3A_972 = tpu.vector_load %arg7[%get3A_968, %get3A_969, %get3A_970, %get3A_971] {strides = array<i32>} : memref<2x2x100x128xf32, #tpu.memory_space<vmem>>, vector<1x1x1x16xf32>,
        %get3A_973 = vector.shape_cast %get3A_972 : vector<1x1x1x16xf32> to vector<16xf32>
        %add3A_974 = arith.addf %add3A_965, %get3A_973 : vector<16xf32>
        %get3A_975 = arith.constant 1 : i32
        %get3A_976 = arith.constant 0 : i32
        %get3A_977 = arith.index_cast %get3A_975 : i32 to index
        %get3A_978 = arith.index_cast %get3A_976 : i32 to index
        %get3A_979 = arith.index_cast %scan3A_902 : i32 to index
        %get3A_980 = arith.constant 64 : index
        %get3A_981 = tpu.vector_load %arg7[%get3A_977, %get3A_978, %get3A_979, %get3A_980] {strides = array<i32>} : memref<2x2x100x128xf32, #tpu.memory_space<vmem>>, vector<1x1x1x16xf32>,
        %get3A_982 = vector.shape_cast %get3A_981 : vector<1x1x1x16xf32> to vector<16xf32>
        %add3A_983 = arith.addf %add3A_846, %get3A_982 : vector<16xf32>
        %get3A_984 = arith.constant 1 : i32
        %get3A_985 = arith.constant 1 : i32
        %get3A_986 = arith.index_cast %get3A_984 : i32 to index
        %get3A_987 = arith.index_cast %get3A_985 : i32 to index
        %get3A_988 = arith.index_cast %scan3A_902 : i32 to index
        %get3A_989 = arith.constant 64 : index
        %get3A_990 = tpu.vector_load %arg7[%get3A_986, %get3A_987, %get3A_988, %get3A_989] {strides = array<i32>} : memref<2x2x100x128xf32, #tpu.memory_space<vmem>>, vector<1x1x1x16xf32>,
        %get3A_991 = vector.shape_cast %get3A_990 : vector<1x1x1x16xf32> to vector<16xf32>
        %add3A_992 = arith.addf %add3A_983, %get3A_991 : vector<16xf32>
        %get3A_993 = arith.constant 1 : i32
        %get3A_994 = arith.constant 0 : i32
        %get3A_995 = arith.index_cast %get3A_993 : i32 to index
        %get3A_996 = arith.index_cast %get3A_994 : i32 to index
        %get3A_997 = arith.index_cast %scan3A_902 : i32 to index
        %get3A_998 = arith.constant 80 : index
        %get3A_999 = tpu.vector_load %arg7[%get3A_995, %get3A_996, %get3A_997, %get3A_998] {strides = array<i32>} : memref<2x2x100x128xf32, #tpu.memory_space<vmem>>, vector<1x1x1x16xf32>,
        %get3A_1000 = vector.shape_cast %get3A_999 : vector<1x1x1x16xf32> to vector<16xf32>
        %add3A_1001 = arith.addf %add3A_864, %get3A_1000 : vector<16xf32>
        %get3A_1002 = arith.constant 1 : i32
        %get3A_1003 = arith.constant 1 : i32
        %get3A_1004 = arith.index_cast %get3A_1002 : i32 to index
        %get3A_1005 = arith.index_cast %get3A_1003 : i32 to index
        %get3A_1006 = arith.index_cast %scan3A_902 : i32 to index
        %get3A_1007 = arith.constant 80 : index
        %get3A_1008 = tpu.vector_load %arg7[%get3A_1004, %get3A_1005, %get3A_1006, %get3A_1007] {strides = array<i32>} : memref<2x2x100x128xf32, #tpu.memory_space<vmem>>, vector<1x1x1x16xf32>,
        %get3A_1009 = vector.shape_cast %get3A_1008 : vector<1x1x1x16xf32> to vector<16xf32>
        %add3A_1010 = arith.addf %add3A_1001, %get3A_1009 : vector<16xf32>
        %get3A_1011 = arith.constant 1 : i32
        %get3A_1012 = arith.constant 0 : i32
        %get3A_1013 = arith.index_cast %get3A_1011 : i32 to index
        %get3A_1014 = arith.index_cast %get3A_1012 : i32 to index
        %get3A_1015 = arith.index_cast %scan3A_902 : i32 to index
        %get3A_1016 = arith.constant 96 : index
        %get3A_1017 = tpu.vector_load %arg7[%get3A_1013, %get3A_1014, %get3A_1015, %get3A_1016] {strides = array<i32>} : memref<2x2x100x128xf32, #tpu.memory_space<vmem>>, vector<1x1x1x16xf32>,
        %get3A_1018 = vector.shape_cast %get3A_1017 : vector<1x1x1x16xf32> to vector<16xf32>
        %add3A_1019 = arith.addf %add3A_882, %get3A_1018 : vector<16xf32>
        %get3A_1020 = arith.constant 1 : i32
        %get3A_1021 = arith.constant 1 : i32
        %get3A_1022 = arith.index_cast %get3A_1020 : i32 to index
        %get3A_1023 = arith.index_cast %get3A_1021 : i32 to index
        %get3A_1024 = arith.index_cast %scan3A_902 : i32 to index
        %get3A_1025 = arith.constant 96 : index
        %get3A_1026 = tpu.vector_load %arg7[%get3A_1022, %get3A_1023, %get3A_1024, %get3A_1025] {strides = array<i32>} : memref<2x2x100x128xf32, #tpu.memory_space<vmem>>, vector<1x1x1x16xf32>,
        %get3A_1027 = vector.shape_cast %get3A_1026 : vector<1x1x1x16xf32> to vector<16xf32>
        %add3A_1028 = arith.addf %add3A_1019, %get3A_1027 : vector<16xf32>
        %get3A_1029 = arith.constant 1 : i32
        %get3A_1030 = arith.constant 0 : i32
        %get3A_1031 = arith.index_cast %get3A_1029 : i32 to index
        %get3A_1032 = arith.index_cast %get3A_1030 : i32 to index
        %get3A_1033 = arith.index_cast %scan3A_902 : i32 to index
        %get3A_1034 = arith.constant 112 : index
        %get3A_1035 = tpu.vector_load %arg7[%get3A_1031, %get3A_1032, %get3A_1033, %get3A_1034] {strides = array<i32>} : memref<2x2x100x128xf32, #tpu.memory_space<vmem>>, vector<1x1x1x16xf32>,
        %get3A_1036 = vector.shape_cast %get3A_1035 : vector<1x1x1x16xf32> to vector<16xf32>
        %add3A_1037 = arith.addf %add3A_900, %get3A_1036 : vector<16xf32>
        %get3A_1038 = arith.constant 1 : i32
        %get3A_1039 = arith.constant 1 : i32
        %get3A_1040 = arith.index_cast %get3A_1038 : i32 to index
        %get3A_1041 = arith.index_cast %get3A_1039 : i32 to index
        %get3A_1042 = arith.index_cast %scan3A_902 : i32 to index
        %get3A_1043 = arith.constant 112 : index
        %get3A_1044 = tpu.vector_load %arg7[%get3A_1040, %get3A_1041, %get3A_1042, %get3A_1043] {strides = array<i32>} : memref<2x2x100x128xf32, #tpu.memory_space<vmem>>, vector<1x1x1x16xf32>,
        %get3A_1045 = vector.shape_cast %get3A_1044 : vector<1x1x1x16xf32> to vector<16xf32>
        %add3A_1046 = arith.addf %add3A_1037, %get3A_1045 : vector<16xf32>
        scf.yield %add3A_920, %add3A_938, %add3A_956, %add3A_974, %add3A_992, %add3A_1010, %add3A_1028, %add3A_1046 : vector<16xf32>, vector<16xf32>, vector<16xf32>, vector<16xf32>, vector<16xf32>, vector<16xf32>, vector<16xf32>, vector<16xf32>
      }
      %scan3A_398 = arith.constant 100 : i32
      %swap3A_399 = arith.index_cast %rem3A_376 : i32 to index
      %swap3A_400 = arith.constant 0 : index
      %swap3A_401 = tpu.vector_load %arg8[%swap3A_399, %swap3A_400] {strides = array<i32>} : memref<32x128xf32, #tpu.memory_space<vmem>>, vector<1x16xf32>,
      %swap3A_402 = vector.shape_cast %swap3A_401 : vector<1x16xf32> to vector<16xf32>
      %swap3A_403 = vector.shape_cast %scan3A_397#0 : vector<16xf32> to vector<1x16xf32>
      tpu.vector_store %arg8[%swap3A_399, %swap3A_400], %swap3A_403 {strides = array<i32>} : memref<32x128xf32, #tpu.memory_space<vmem>>, vector<1x16xf32>,
      %swap3A_404 = arith.index_cast %rem3A_376 : i32 to index
      %swap3A_405 = arith.constant 16 : index
      %swap3A_406 = tpu.vector_load %arg8[%swap3A_404, %swap3A_405] {strides = array<i32>} : memref<32x128xf32, #tpu.memory_space<vmem>>, vector<1x16xf32>,
      %swap3A_407 = vector.shape_cast %swap3A_406 : vector<1x16xf32> to vector<16xf32>
      %swap3A_408 = vector.shape_cast %scan3A_397#1 : vector<16xf32> to vector<1x16xf32>
      tpu.vector_store %arg8[%swap3A_404, %swap3A_405], %swap3A_408 {strides = array<i32>} : memref<32x128xf32, #tpu.memory_space<vmem>>, vector<1x16xf32>,
      %swap3A_409 = arith.index_cast %rem3A_376 : i32 to index
      %swap3A_410 = arith.constant 32 : index
      %swap3A_411 = tpu.vector_load %arg8[%swap3A_409, %swap3A_410] {strides = array<i32>} : memref<32x128xf32, #tpu.memory_space<vmem>>, vector<1x16xf32>,
      %swap3A_412 = vector.shape_cast %swap3A_411 : vector<1x16xf32> to vector<16xf32>
      %swap3A_413 = vector.shape_cast %scan3A_397#2 : vector<16xf32> to vector<1x16xf32>
      tpu.vector_store %arg8[%swap3A_409, %swap3A_410], %swap3A_413 {strides = array<i32>} : memref<32x128xf32, #tpu.memory_space<vmem>>, vector<1x16xf32>,
      %swap3A_414 = arith.index_cast %rem3A_376 : i32 to index
      %swap3A_415 = arith.constant 48 : index
      %swap3A_416 = tpu.vector_load %arg8[%swap3A_414, %swap3A_415] {strides = array<i32>} : memref<32x128xf32, #tpu.memory_space<vmem>>, vector<1x16xf32>,
      %swap3A_417 = vector.shape_cast %swap3A_416 : vector<1x16xf32> to vector<16xf32>
      %swap3A_418 = vector.shape_cast %scan3A_397#3 : vector<16xf32> to vector<1x16xf32>
      tpu.vector_store %arg8[%swap3A_414, %swap3A_415], %swap3A_418 {strides = array<i32>} : memref<32x128xf32, #tpu.memory_space<vmem>>, vector<1x16xf32>,
      %swap3A_419 = arith.index_cast %rem3A_376 : i32 to index
      %swap3A_420 = arith.constant 64 : index
      %swap3A_421 = tpu.vector_load %arg8[%swap3A_419, %swap3A_420] {strides = array<i32>} : memref<32x128xf32, #tpu.memory_space<vmem>>, vector<1x16xf32>,
      %swap3A_422 = vector.shape_cast %swap3A_421 : vector<1x16xf32> to vector<16xf32>
      %swap3A_423 = vector.shape_cast %scan3A_397#4 : vector<16xf32> to vector<1x16xf32>
      tpu.vector_store %arg8[%swap3A_419, %swap3A_420], %swap3A_423 {strides = array<i32>} : memref<32x128xf32, #tpu.memory_space<vmem>>, vector<1x16xf32>,
      %swap3A_424 = arith.index_cast %rem3A_376 : i32 to index
      %swap3A_425 = arith.constant 80 : index
      %swap3A_426 = tpu.vector_load %arg8[%swap3A_424, %swap3A_425] {strides = array<i32>} : memref<32x128xf32, #tpu.memory_space<vmem>>, vector<1x16xf32>,
      %swap3A_427 = vector.shape_cast %swap3A_426 : vector<1x16xf32> to vector<16xf32>
      %swap3A_428 = vector.shape_cast %scan3A_397#5 : vector<16xf32> to vector<1x16xf32>
      tpu.vector_store %arg8[%swap3A_424, %swap3A_425], %swap3A_428 {strides = array<i32>} : memref<32x128xf32, #tpu.memory_space<vmem>>, vector<1x16xf32>,
      %swap3A_429 = arith.index_cast %rem3A_376 : i32 to index
      %swap3A_430 = arith.constant 96 : index
      %swap3A_431 = tpu.vector_load %arg8[%swap3A_429, %swap3A_430] {strides = array<i32>} : memref<32x128xf32, #tpu.memory_space<vmem>>, vector<1x16xf32>,
      %swap3A_432 = vector.shape_cast %swap3A_431 : vector<1x16xf32> to vector<16xf32>
      %swap3A_433 = vector.shape_cast %scan3A_397#6 : vector<16xf32> to vector<1x16xf32>
      tpu.vector_store %arg8[%swap3A_429, %swap3A_430], %swap3A_433 {strides = array<i32>} : memref<32x128xf32, #tpu.memory_space<vmem>>, vector<1x16xf32>,
      %swap3A_434 = arith.index_cast %rem3A_376 : i32 to index
      %swap3A_435 = arith.constant 112 : index
      %swap3A_436 = tpu.vector_load %arg8[%swap3A_434, %swap3A_435] {strides = array<i32>} : memref<32x128xf32, #tpu.memory_space<vmem>>, vector<1x16xf32>,
      %swap3A_437 = vector.shape_cast %swap3A_436 : vector<1x16xf32> to vector<16xf32>
      %swap3A_438 = vector.shape_cast %scan3A_397#7 : vector<16xf32> to vector<1x16xf32>
      tpu.vector_store %arg8[%swap3A_434, %swap3A_435], %swap3A_438 {strides = array<i32>} : memref<32x128xf32, #tpu.memory_space<vmem>>, vector<1x16xf32>,
      %add3A_439 = arith.constant 2 : i32
      %add3A_440 = arith.addi %add3A_316, %add3A_439 : i32
      %rem3A_441 = arith.constant 32 : i32
      %rem3A_442 = arith.remsi %add3A_440, %rem3A_441 : i32
      %lt3A_443 = arith.constant 512 : i32
      %lt3A_444 = arith.cmpi slt, %add3A_440, %lt3A_443 : i32
      %convert_element_type3A_445 = arith.extui %lt3A_444 : i1 to i32
      %cond3A_446 = arith.constant 0 : i32
      %cond3A_447 = arith.cmpi ne, %convert_element_type3A_445, %cond3A_446 : i32
      scf.if %cond3A_447 {
        %eq3A_457 = arith.constant 0 : i32
        %eq3A_458 = arith.cmpi eq, %rem3A_442, %eq3A_457 : i32
        %convert_element_type3A_459 = arith.extui %eq3A_458 : i1 to i32
        %cond3A_460 = arith.constant 0 : i32
        %cond3A_461 = arith.cmpi ne, %convert_element_type3A_459, %cond3A_460 : i32
        scf.if %cond3A_461 {
          %add3A_546 = arith.constant 0 : i32
          %add3A_547 = arith.addi %add3A_4, %add3A_546 : i32
          %dma_wait3A_548 = arith.constant 0 : i32
          %dma_wait3A_549 = arith.constant 0 : i32
          %dma_wait3A_550 = arith.constant 0 : i32
          %dma_wait3A_551 = arith.constant 0 : i32
          %dma_wait3A_552 = tpu.memref_slice %arg6[%dma_wait3A_548, %dma_wait3A_549, %dma_wait3A_550, %dma_wait3A_551] : memref<2x32x2x100xi32, #tpu.memory_space<vmem>> -> memref<1x32x2x100xi32, #tpu.memory_space<vmem>>
          %dma_wait3A_553 = tpu.memref_squeeze %dma_wait3A_552 : memref<1x32x2x100xi32, #tpu.memory_space<vmem>> -> memref<32x2x100xi32, #tpu.memory_space<vmem>>
          %dma_wait3A_554 = arith.constant 0 : i32
          %dma_wait3A_555 = arith.constant 0 : i32
          %dma_wait3A_556 = tpu.memref_slice %arg2[%add3A_547, %dma_wait3A_554, %dma_wait3A_555] : memref<16384x2x100xi32, #tpu.memory_space<hbm>> -> memref<32x2x100xi32, #tpu.memory_space<hbm>>
          %dma_wait3A_557 = arith.constant 0 : i32
          %dma_wait3A_558 = arith.constant 0 : i32
          %dma_wait3A_559 = arith.constant 0 : i32
          %dma_wait3A_560 = tpu.memref_slice %arg6[%dma_wait3A_548, %dma_wait3A_557, %dma_wait3A_558, %dma_wait3A_559] : memref<2x32x2x100xi32, #tpu.memory_space<vmem>> -> memref<1x32x2x100xi32, #tpu.memory_space<vmem>>
          %dma_wait3A_561 = tpu.memref_squeeze %dma_wait3A_560 : memref<1x32x2x100xi32, #tpu.memory_space<vmem>> -> memref<32x2x100xi32, #tpu.memory_space<vmem>>
          %dma_wait3A_562 = arith.constant 0 : i32
          %dma_wait3A_563 = arith.constant 0 : i32
          %dma_wait3A_564 = tpu.memref_slice %arg2[%add3A_547, %dma_wait3A_562, %dma_wait3A_563] : memref<16384x2x100xi32, #tpu.memory_space<hbm>> -> memref<32x2x100xi32, #tpu.memory_space<hbm>>
          tpu.wait_dma2 semaphore(%arg11 : memref<!tpu.dma_semaphore, #tpu.memory_space<semaphore_mem>>) src(%dma_wait3A_564 : memref<32x2x100xi32, #tpu.memory_space<hbm>>) dst(%dma_wait3A_561 : memref<32x2x100xi32, #tpu.memory_space<vmem>>)
        } else {
        }
        %jit3A = arith.constant 32 : i32
        %div3A = arith.divsi %add3A_440, %jit3A : i32
        %sign3A = arith.constant 0 : i32
        %sign3A_462 = arith.cmpi sgt, %add3A_440, %sign3A : i32
        %sign3A_463 = arith.extui %sign3A_462 : i1 to i32
        %sign3A_464 = arith.constant 0 : i32
        %sign3A_465 = arith.cmpi slt, %add3A_440, %sign3A_464 : i32
        %sign3A_466 = arith.extui %sign3A_465 : i1 to i32
        %sign3A_467 = arith.subi %sign3A_463, %sign3A_466 : i32
        %sign3A_468 = arith.constant 0 : i32
        %sign3A_469 = arith.cmpi sgt, %jit3A, %sign3A_468 : i32
        %sign3A_470 = arith.extui %sign3A_469 : i1 to i32
        %sign3A_471 = arith.constant 0 : i32
        %sign3A_472 = arith.cmpi slt, %jit3A, %sign3A_471 : i32
        %sign3A_473 = arith.extui %sign3A_472 : i1 to i32
        %sign3A_474 = arith.subi %sign3A_470, %sign3A_473 : i32
        %ne3A = arith.cmpi ne, %sign3A_467, %sign3A_474 : i32
        %rem3A_475 = arith.remsi %add3A_440, %jit3A : i32
        %ne3A_476 = arith.constant 0 : i32
        %ne3A_477 = arith.cmpi ne, %rem3A_475, %ne3A_476 : i32
        %and3A = arith.andi %ne3A, %ne3A_477 : i1
        %sub3A_478 = arith.constant 1 : i32
        %sub3A_479 = arith.subi %div3A, %sub3A_478 : i32
        %select_n3A = arith.select %and3A, %sub3A_479, %div3A : i32
        %rem3A_480 = arith.constant 2 : i32
        %rem3A_481 = arith.remsi %select_n3A, %rem3A_480 : i32
        %rem3A_482 = arith.constant 32 : i32
        %rem3A_483 = arith.remsi %add3A_440, %rem3A_482 : i32
        %dma_start3A_484 = arith.constant 0 : i32
        %dma_start3A_485 = arith.constant 1 : i32
        %dma_start3A_486 = arith.constant 0 : i32
        %dma_start3A_487 = arith.constant 0 : i32
        %dma_start3A_488 = arith.constant 0 : i32
        %dma_start3A_489 = arith.constant 0 : i32
        %dma_start3A_490 = tpu.memref_slice %arg7[%dma_start3A_485, %dma_start3A_487, %dma_start3A_488, %dma_start3A_489] : memref<2x2x100x128xf32, #tpu.memory_space<vmem>> -> memref<1x2x100x128xf32, #tpu.memory_space<vmem>>
        %dma_start3A_491 = tpu.memref_squeeze %dma_start3A_490 : memref<1x2x100x128xf32, #tpu.memory_space<vmem>> -> memref<2x100x128xf32, #tpu.memory_space<vmem>>
        %dma_start3A_492 = arith.constant 0 : i32
        %dma_start3A_493 = arith.constant 0 : i32
        %dma_start3A_494 = tpu.memref_slice %dma_start3A_491[%dma_start3A_486, %dma_start3A_492, %dma_start3A_493] : memref<2x100x128xf32, #tpu.memory_space<vmem>> -> memref<1x100x128xf32, #tpu.memory_space<vmem>>
        %dma_start3A_495 = tpu.memref_squeeze %dma_start3A_494 : memref<1x100x128xf32, #tpu.memory_space<vmem>> -> memref<100x128xf32, #tpu.memory_space<vmem>>
        %dma_start3A_496 = arith.constant 0 : i32
        %dma_start3A_497 = arith.constant 0 : i32
        %dma_start3A_498 = arith.constant 0 : i32
        %dma_start3A_499 = tpu.memref_slice %arg6[%rem3A_481, %dma_start3A_496, %dma_start3A_497, %dma_start3A_498] : memref<2x32x2x100xi32, #tpu.memory_space<vmem>> -> memref<1x32x2x100xi32, #tpu.memory_space<vmem>>
        %dma_start3A_500 = tpu.memref_squeeze %dma_start3A_499 : memref<1x32x2x100xi32, #tpu.memory_space<vmem>> -> memref<32x2x100xi32, #tpu.memory_space<vmem>>
        %dma_start3A_501 = arith.constant 0 : i32
        %dma_start3A_502 = arith.constant 0 : i32
        %dma_start3A_503 = tpu.memref_slice %dma_start3A_500[%rem3A_483, %dma_start3A_501, %dma_start3A_502] : memref<32x2x100xi32, #tpu.memory_space<vmem>> -> memref<1x2x100xi32, #tpu.memory_space<vmem>>
        %dma_start3A_504 = tpu.memref_squeeze %dma_start3A_503 : memref<1x2x100xi32, #tpu.memory_space<vmem>> -> memref<2x100xi32, #tpu.memory_space<vmem>>
        %dma_start3A_505 = arith.constant 0 : i32
        %dma_start3A_506 = tpu.memref_slice %dma_start3A_504[%dma_start3A_484, %dma_start3A_505] : memref<2x100xi32, #tpu.memory_space<vmem>> -> memref<1x100xi32, #tpu.memory_space<vmem>>
        %dma_start3A_507 = tpu.memref_squeeze %dma_start3A_506 : memref<1x100xi32, #tpu.memory_space<vmem>> -> memref<100xi32, #tpu.memory_space<vmem>>
        %dma_start3A_508 = arith.constant 0 : i32
        %dma_start3A_509 = arith.constant 0 : i32
        %dma_start3A_510 = tpu.memref_slice %arg3[%dma_start3A_508, %dma_start3A_509] : memref<1000001x128xf32, #tpu.memory_space<hbm>> -> memref<1000001x128xf32, #tpu.memory_space<hbm>>
        tpu.enqueue_indirect_dma source(%dma_start3A_510 : memref<1000001x128xf32, #tpu.memory_space<hbm>>) target(%dma_start3A_495 : memref<100x128xf32, #tpu.memory_space<vmem>>) offsets(%dma_start3A_507 : memref<100xi32, #tpu.memory_space<vmem>>) semaphore(%arg10 : memref<!tpu.dma_semaphore, #tpu.memory_space<semaphore_mem>>)
        %dma_start3A_511 = arith.constant 1 : i32
        %dma_start3A_512 = arith.constant 1 : i32
        %dma_start3A_513 = arith.constant 1 : i32
        %dma_start3A_514 = arith.constant 0 : i32
        %dma_start3A_515 = arith.constant 0 : i32
        %dma_start3A_516 = arith.constant 0 : i32
        %dma_start3A_517 = tpu.memref_slice %arg7[%dma_start3A_512, %dma_start3A_514, %dma_start3A_515, %dma_start3A_516] : memref<2x2x100x128xf32, #tpu.memory_space<vmem>> -> memref<1x2x100x128xf32, #tpu.memory_space<vmem>>
        %dma_start3A_518 = tpu.memref_squeeze %dma_start3A_517 : memref<1x2x100x128xf32, #tpu.memory_space<vmem>> -> memref<2x100x128xf32, #tpu.memory_space<vmem>>
        %dma_start3A_519 = arith.constant 0 : i32
        %dma_start3A_520 = arith.constant 0 : i32
        %dma_start3A_521 = tpu.memref_slice %dma_start3A_518[%dma_start3A_513, %dma_start3A_519, %dma_start3A_520] : memref<2x100x128xf32, #tpu.memory_space<vmem>> -> memref<1x100x128xf32, #tpu.memory_space<vmem>>
        %dma_start3A_522 = tpu.memref_squeeze %dma_start3A_521 : memref<1x100x128xf32, #tpu.memory_space<vmem>> -> memref<100x128xf32, #tpu.memory_space<vmem>>
        %dma_start3A_523 = arith.constant 0 : i32
        %dma_start3A_524 = arith.constant 0 : i32
        %dma_start3A_525 = arith.constant 0 : i32
        %dma_start3A_526 = tpu.memref_slice %arg6[%rem3A_481, %dma_start3A_523, %dma_start3A_524, %dma_start3A_525] : memref<2x32x2x100xi32, #tpu.memory_space<vmem>> -> memref<1x32x2x100xi32, #tpu.memory_space<vmem>>
        %dma_start3A_527 = tpu.memref_squeeze %dma_start3A_526 : memref<1x32x2x100xi32, #tpu.memory_space<vmem>> -> memref<32x2x100xi32, #tpu.memory_space<vmem>>
        %dma_start3A_528 = arith.constant 0 : i32
        %dma_start3A_529 = arith.constant 0 : i32
        %dma_start3A_530 = tpu.memref_slice %dma_start3A_527[%rem3A_483, %dma_start3A_528, %dma_start3A_529] : memref<32x2x100xi32, #tpu.memory_space<vmem>> -> memref<1x2x100xi32, #tpu.memory_space<vmem>>
        %dma_start3A_531 = tpu.memref_squeeze %dma_start3A_530 : memref<1x2x100xi32, #tpu.memory_space<vmem>> -> memref<2x100xi32, #tpu.memory_space<vmem>>
        %dma_start3A_532 = arith.constant 0 : i32
        %dma_start3A_533 = tpu.memref_slice %dma_start3A_531[%dma_start3A_511, %dma_start3A_532] : memref<2x100xi32, #tpu.memory_space<vmem>> -> memref<1x100xi32, #tpu.memory_space<vmem>>
        %dma_start3A_534 = tpu.memref_squeeze %dma_start3A_533 : memref<1x100xi32, #tpu.memory_space<vmem>> -> memref<100xi32, #tpu.memory_space<vmem>>
        %dma_start3A_535 = arith.constant 0 : i32
        %dma_start3A_536 = arith.constant 0 : i32
        %dma_start3A_537 = tpu.memref_slice %arg3[%dma_start3A_535, %dma_start3A_536] : memref<1000001x128xf32, #tpu.memory_space<hbm>> -> memref<1000001x128xf32, #tpu.memory_space<hbm>>
        tpu.enqueue_indirect_dma source(%dma_start3A_537 : memref<1000001x128xf32, #tpu.memory_space<hbm>>) target(%dma_start3A_522 : memref<100x128xf32, #tpu.memory_space<vmem>>) offsets(%dma_start3A_534 : memref<100xi32, #tpu.memory_space<vmem>>) semaphore(%arg10 : memref<!tpu.dma_semaphore, #tpu.memory_space<semaphore_mem>>)
        %eq3A_538 = arith.constant 2 : i32
        %eq3A_539 = arith.cmpi eq, %rem3A_442, %eq3A_538 : i32
        %lt3A_540 = arith.constant 480 : i32
        %lt3A_541 = arith.cmpi slt, %add3A_440, %lt3A_540 : i32
        %and3A_542 = arith.andi %eq3A_539, %lt3A_541 : i1
        %convert_element_type3A_543 = arith.extui %and3A_542 : i1 to i32
        %cond3A_544 = arith.constant 0 : i32
        %cond3A_545 = arith.cmpi ne, %convert_element_type3A_543, %cond3A_544 : i32
        scf.if %cond3A_545 {
          %jit3A_546 = arith.constant 32 : i32
          %div3A_547 = arith.divsi %add3A_440, %jit3A_546 : i32
          %sign3A_548 = arith.constant 0 : i32
          %sign3A_549 = arith.cmpi sgt, %add3A_440, %sign3A_548 : i32
          %sign3A_550 = arith.extui %sign3A_549 : i1 to i32
          %sign3A_551 = arith.constant 0 : i32
          %sign3A_552 = arith.cmpi slt, %add3A_440, %sign3A_551 : i32
          %sign3A_553 = arith.extui %sign3A_552 : i1 to i32
          %sign3A_554 = arith.subi %sign3A_550, %sign3A_553 : i32
          %sign3A_555 = arith.constant 0 : i32
          %sign3A_556 = arith.cmpi sgt, %jit3A_546, %sign3A_555 : i32
          %sign3A_557 = arith.extui %sign3A_556 : i1 to i32
          %sign3A_558 = arith.constant 0 : i32
          %sign3A_559 = arith.cmpi slt, %jit3A_546, %sign3A_558 : i32
          %sign3A_560 = arith.extui %sign3A_559 : i1 to i32
          %sign3A_561 = arith.subi %sign3A_557, %sign3A_560 : i32
          %ne3A_562 = arith.cmpi ne, %sign3A_554, %sign3A_561 : i32
          %rem3A_563 = arith.remsi %add3A_440, %jit3A_546 : i32
          %ne3A_564 = arith.constant 0 : i32
          %ne3A_565 = arith.cmpi ne, %rem3A_563, %ne3A_564 : i32
          %and3A_566 = arith.andi %ne3A_562, %ne3A_565 : i1
          %sub3A_567 = arith.constant 1 : i32
          %sub3A_568 = arith.subi %div3A_547, %sub3A_567 : i32
          %select_n3A_569 = arith.select %and3A_566, %sub3A_568, %div3A_547 : i32
          %add3A_570 = arith.constant 1 : i32
          %add3A_571 = arith.addi %select_n3A_569, %add3A_570 : i32
          %rem3A_572 = arith.constant 2 : i32
          %rem3A_573 = arith.remsi %add3A_571, %rem3A_572 : i32
          %mul3A_574 = arith.constant 32 : i32
          %mul3A_575 = arith.muli %add3A_571, %mul3A_574 : i32
          %add3A_576 = arith.addi %add3A_4, %mul3A_575 : i32
          %dma_start3A_577 = arith.constant 0 : i32
          %dma_start3A_578 = arith.constant 0 : i32
          %dma_start3A_579 = arith.constant 0 : i32
          %dma_start3A_580 = tpu.memref_slice %arg6[%rem3A_573, %dma_start3A_577, %dma_start3A_578, %dma_start3A_579] : memref<2x32x2x100xi32, #tpu.memory_space<vmem>> -> memref<1x32x2x100xi32, #tpu.memory_space<vmem>>
          %dma_start3A_581 = tpu.memref_squeeze %dma_start3A_580 : memref<1x32x2x100xi32, #tpu.memory_space<vmem>> -> memref<32x2x100xi32, #tpu.memory_space<vmem>>
          %dma_start3A_582 = arith.constant 0 : i32
          %dma_start3A_583 = arith.constant 0 : i32
          %dma_start3A_584 = tpu.memref_slice %arg2[%add3A_576, %dma_start3A_582, %dma_start3A_583] : memref<16384x2x100xi32, #tpu.memory_space<hbm>> -> memref<32x2x100xi32, #tpu.memory_space<hbm>>
          %dma_start3A_585 = arith.constant 0 : i32
          %dma_start3A_586 = arith.constant 0 : i32
          %dma_start3A_587 = arith.constant 0 : i32
          %dma_start3A_588 = tpu.memref_slice %arg6[%rem3A_573, %dma_start3A_585, %dma_start3A_586, %dma_start3A_587] : memref<2x32x2x100xi32, #tpu.memory_space<vmem>> -> memref<1x32x2x100xi32, #tpu.memory_space<vmem>>
          %dma_start3A_589 = tpu.memref_squeeze %dma_start3A_588 : memref<1x32x2x100xi32, #tpu.memory_space<vmem>> -> memref<32x2x100xi32, #tpu.memory_space<vmem>>
          %dma_start3A_590 = arith.constant 0 : i32
          %dma_start3A_591 = arith.constant 0 : i32
          %dma_start3A_592 = tpu.memref_slice %arg2[%add3A_576, %dma_start3A_590, %dma_start3A_591] : memref<16384x2x100xi32, #tpu.memory_space<hbm>> -> memref<32x2x100xi32, #tpu.memory_space<hbm>>
          tpu.enqueue_dma source(%dma_start3A_592 : memref<32x2x100xi32, #tpu.memory_space<hbm>>) target(%dma_start3A_589 : memref<32x2x100xi32, #tpu.memory_space<vmem>>) target_semaphore(%arg11 : memref<!tpu.dma_semaphore, #tpu.memory_space<semaphore_mem>>)
        } else {
        }
      } else {
      }
      %add3A_448 = arith.constant 2 : i32
      %add3A_449 = arith.addi %mul3A_186, %add3A_448 : i32
      %sub3A = arith.constant 1 : i32
      %sub3A_450 = arith.subi %add3A_449, %sub3A : i32
      %rem3A_451 = arith.constant 32 : i32
      %rem3A_452 = arith.remsi %sub3A_450, %rem3A_451 : i32
      %eq3A = arith.constant 31 : i32
      %eq3A_453 = arith.cmpi eq, %rem3A_452, %eq3A : i32
      %convert_element_type3A_454 = arith.extui %eq3A_453 : i1 to i32
      %cond3A_455 = arith.constant 0 : i32
      %cond3A_456 = arith.cmpi ne, %convert_element_type3A_454, %cond3A_455 : i32
      scf.if %cond3A_456 {
        %add3A_457 = arith.addi %mul3A_2, %mul3A_186 : i32
        %add3A_458 = arith.constant 2 : i32
        %add3A_459 = arith.addi %add3A_457, %add3A_458 : i32
        %sub3A_460 = arith.constant 32 : i32
        %sub3A_461 = arith.subi %add3A_459, %sub3A_460 : i32
        %multiple_of3A = tpu.assume_multiple %sub3A_461, 32 : i32
        "tpu.region"() ({
          %run_scoped3A = tpu.sem_alloc : memref<!tpu.dma_semaphore, #tpu.memory_space<semaphore_mem>>
          %dma_start3A_462 = arith.constant 0 : i32
          %dma_start3A_463 = tpu.memref_slice %arg5[%multiple_of3A, %dma_start3A_462] : memref<16384x128xf32, #tpu.memory_space<hbm>> -> memref<32x128xf32, #tpu.memory_space<hbm>>
          %dma_start3A_464 = arith.constant 0 : i32
          %dma_start3A_465 = tpu.memref_slice %arg5[%multiple_of3A, %dma_start3A_464] : memref<16384x128xf32, #tpu.memory_space<hbm>> -> memref<32x128xf32, #tpu.memory_space<hbm>>
          tpu.enqueue_dma source(%arg8 : memref<32x128xf32, #tpu.memory_space<vmem>>) target(%dma_start3A_465 : memref<32x128xf32, #tpu.memory_space<hbm>>) target_semaphore(%run_scoped3A : memref<!tpu.dma_semaphore, #tpu.memory_space<semaphore_mem>>)
          %dma_wait3A_466 = arith.constant 0 : i32
          %dma_wait3A_467 = tpu.memref_slice %arg5[%multiple_of3A, %dma_wait3A_466] : memref<16384x128xf32, #tpu.memory_space<hbm>> -> memref<32x128xf32, #tpu.memory_space<hbm>>
          %dma_wait3A_468 = arith.constant 0 : i32
          %dma_wait3A_469 = tpu.memref_slice %arg5[%multiple_of3A, %dma_wait3A_468] : memref<16384x128xf32, #tpu.memory_space<hbm>> -> memref<32x128xf32, #tpu.memory_space<hbm>>
          tpu.wait_dma2 semaphore(%run_scoped3A : memref<!tpu.dma_semaphore, #tpu.memory_space<semaphore_mem>>) src(%arg8 : memref<32x128xf32, #tpu.memory_space<vmem>>) dst(%dma_wait3A_469 : memref<32x128xf32, #tpu.memory_space<hbm>>)
          tpu.yield
        }) : () -> ()
      } else {
      }
    }
    %scan3A_183 = arith.constant 256 : i32
    return
  }
}

module attributes {stable_mosaic.version = 14 : i64} {
  func.func @_head_first(%arg0: i32, %arg1: memref<1024x128xf32, #tpu.memory_space<vmem>>, %arg2: memref<1x128xf32, #tpu.memory_space<vmem>>, %arg3: memref<1000x128xf32, #tpu.memory_space<vmem>>, %arg4: memref<1x1000xf32, #tpu.memory_space<vmem>>, %arg5: memref<1024x1000xf32, #tpu.memory_space<vmem>>) attributes {dimension_semantics = [#tpu.dimension_semantics<arbitrary>], iteration_bounds = array<i64: 16>, scalar_prefetch = 0 : i64, scratch_operands = 0 : i64, tpu.core_type = #tpu.core_type<tc>, window_params = [{transform_indices = @transform_0, window_bounds = array<i64: 1024, 128>}, {pipeline_mode = #tpu.pipeline_mode<synchronous>, transform_indices = @transform_1, window_bounds = array<i64: 1, 128>}, {pipeline_mode = #tpu.pipeline_mode<synchronous>, transform_indices = @transform_2, window_bounds = array<i64: 1000, 128>}, {pipeline_mode = #tpu.pipeline_mode<synchronous>, transform_indices = @transform_3, window_bounds = array<i64: 1, 1000>}, {transform_indices = @transform_4, window_bounds = array<i64: 1024, 1000>}]} {
    %get3A = arith.constant 0 : index
    %get3A_0 = arith.constant 0 : index
    %get3A_1 = vector.load %arg1[%get3A, %get3A_0] : memref<1024x128xf32, #tpu.memory_space<vmem>>, vector<1024x128xf32>
    %mul3A = arith.mulf %get3A_1, %get3A_1 : vector<1024x128xf32>
    %reduce_sum3A = arith.constant dense<0.000000e+00> : vector<1024xf32>
    %reduce_sum3A_2 = vector.multi_reduction <add>, %mul3A, %reduce_sum3A [1] : vector<1024x128xf32> to vector<1024xf32>
    %broadcast_in_dim3A = vector.shape_cast %reduce_sum3A_2 : vector<1024xf32> to vector<1024x1xf32>
    %rsqrt3A = math.rsqrt %broadcast_in_dim3A : vector<1024x1xf32>
    %mul3A_3 = vector.broadcast %rsqrt3A : vector<1024x1xf32> to vector<1024x128xf32>
    %mul3A_4 = arith.mulf %get3A_1, %mul3A_3 : vector<1024x128xf32>
    %get3A_5 = arith.constant 0 : index
    %get3A_6 = arith.constant 0 : index
    %get3A_7 = vector.load %arg2[%get3A_5, %get3A_6] : memref<1x128xf32, #tpu.memory_space<vmem>>, vector<1x128xf32>
    %add3A = vector.broadcast %get3A_7 : vector<1x128xf32> to vector<1024x128xf32>
    %add3A_8 = arith.addf %mul3A_4, %add3A : vector<1024x128xf32>
    %max3A = arith.constant 0.000000e+00 : f32
    %max3A_9 = vector.broadcast %max3A : f32 to vector<1024x128xf32>
    %max3A_10 = arith.maximumf %add3A_8, %max3A_9 : vector<1024x128xf32>
    %get3A_11 = arith.constant 0 : index
    %get3A_12 = arith.constant 0 : index
    %get3A_13 = vector.load %arg3[%get3A_11, %get3A_12] : memref<1000x128xf32, #tpu.memory_space<vmem>>, vector<1000x128xf32>
    %dot_general3A = arith.constant dense<0.000000e+00> : vector<1024x1000xf32>
    %dot_general3A_14 = tpu.matmul %max3A_10, %get3A_13, %dot_general3A {dimension_numbers = #tpu.dot_dimension_numbers<[1], [1], [0], [0], [0, 0, 1, 0], [], []>, transpose_lhs_hint = false} : vector<1024x128xf32>, vector<1000x128xf32>, vector<1024x1000xf32> -> vector<1024x1000xf32>
    %get3A_15 = arith.constant 0 : index
    %get3A_16 = arith.constant 0 : index
    %get3A_17 = vector.load %arg4[%get3A_15, %get3A_16] : memref<1x1000xf32, #tpu.memory_space<vmem>>, vector<1x1000xf32>
    %add3A_18 = vector.broadcast %get3A_17 : vector<1x1000xf32> to vector<1024x1000xf32>
    %add3A_19 = arith.addf %dot_general3A_14, %add3A_18 : vector<1024x1000xf32>
    %swap3A = arith.constant 0 : index
    %swap3A_20 = arith.constant 0 : index
    %swap3A_21 = vector.load %arg5[%swap3A, %swap3A_20] : memref<1024x1000xf32, #tpu.memory_space<vmem>>, vector<1024x1000xf32>
    tpu.vector_store %arg5[%swap3A, %swap3A_20], %add3A_19 {strides = array<i32>} : memref<1024x1000xf32, #tpu.memory_space<vmem>>, vector<1024x1000xf32>,
    return
  }
  func.func @transform_0(%arg0: i32) -> (i32, i32) {
    %c0_i32 = arith.constant 0 : i32
    %c0_i32_0 = arith.constant 0 : i32
    return %arg0, %c0_i32 : i32, i32
  }
  func.func @transform_1(%arg0: i32) -> (i32, i32) {
    %c0_i32 = arith.constant 0 : i32
    %c0_i32_0 = arith.constant 0 : i32
    %c0_i32_1 = arith.constant 0 : i32
    return %c0_i32, %c0_i32_0 : i32, i32
  }
  func.func @transform_2(%arg0: i32) -> (i32, i32) {
    %c0_i32 = arith.constant 0 : i32
    %c0_i32_0 = arith.constant 0 : i32
    %c0_i32_1 = arith.constant 0 : i32
    return %c0_i32, %c0_i32_0 : i32, i32
  }
  func.func @transform_3(%arg0: i32) -> (i32, i32) {
    %c0_i32 = arith.constant 0 : i32
    %c0_i32_0 = arith.constant 0 : i32
    %c0_i32_1 = arith.constant 0 : i32
    return %c0_i32, %c0_i32_0 : i32, i32
  }
  func.func @transform_4(%arg0: i32) -> (i32, i32) {
    %c0_i32 = arith.constant 0 : i32
    %c0_i32_0 = arith.constant 0 : i32
    return %arg0, %c0_i32 : i32, i32
  }
}

</mosaic_0001>

<sc_bundles>
// kernel: kernel.4.cloned.1.call-start
scs
__scs_entry_jumppad:
0x0: {  	(pc) =	sbr.rel $0x88, $3  }
0x1: {  	(tag) =	ssettag $0x0;
	lr =	simm.s32 $0x1  }
0x2: {  	[smem:$0x3F9C] =	sst lr;
	_ =	strace $0xD0000000  }
0x3: {  	_ = 	snop  }
0x4: {  	_ = 	snop  }
0x5: {  	_ = 	snop  }
0x6: {  	_ = 	snop  }
0x7: {  	_ = 	snop  }
__scs_overlays_trampoline_lowered:
0x8: {  	[smem:$0x3FAB] =	sst s0  }
0x9: {  	[smem:$0x3FAC] =	sst s1  }
0xa: {  	[smem:$0x3FAD] =	sst s2  }
0xb: {  	[smem:$0x3FAE] =	sst s3  }
0xc: {  	[smem:$0x3FAF] =	sst s4  }
0xd: {  	[smem:$0x3FB0] =	sst s5  }
0xe: {  	[smem:$0x3FB1] =	sst s6  }
0xf: {  	[smem:$0x3FB2] =	sst s7  }
0x10: {  	[smem:$0x3FB3] =	sst s8  }
0x11: {  	[smem:$0x3FB4] =	sst s9;
	s0 =	simm.s32 @!p0 $0x0  }
0x12: {  	s1 =	sld [smem:$0x3F9A];
	s0 =	simm.s32 @p0 $0x1  }
0x13: {  	[smem:$0x3FB5] =	sst s0;
	s0 =	simm.s32 @!p1 $0x0  }
0x14: {  	s2 =	sld [smem:$0x3F99];
	s0 =	simm.s32 @p1 $0x1  }
0x15: {  	[smem:$0x3FB6] =	sst s0;
	s0 =	simm.s32 @!p2 $0x0  }
0x16: {  	s3 =	sld [smem:$0x3FDB];
	s0 =	simm.s32 @p2 $0x1  }
0x17: {  	s4 =	simm.s32 $0x1BF5;
	[smem:$0x3FB8] =	sst s0  }
0x18: {  	s0 =	sld [smem:$0x3F9B];
	_ =	swait.ge [sflag:s4], $0x0  }
0x19: {  	s7 =	sld [smem:$0x3F9C]  }
0x1a: {  	s8 =	sadd.s32 $0xFFFFE003, lr  }
0x1b: {  	s9 =	sadd.s32 $0xFFFFFEF7, lr;
	s5 =	simm.s32 $0xFFFFFFFF;
	p2 =	slt.u32 s8, $0xFFFFF086  }
0x1c: {  	p1 =	slt.u32 s9, $0xF7A;
	s5 =	simm.s32 @!p2 $0x0  }
0x1d: {  	s5 =	simm.s32 @p1 $0x1;
	p0 =	seq.s32 s7, s2  }
0x1e: {  	s7 =	smul.u32 @!p0 $0xF7A, s2;
	p2 =	seq.s32 @!p0 s5, $0x0  }
0x1f: {  	s9 =	smul.u32 $0xF7A, s1;
	s8 =	simm.s32 @!p0 $0x1BF5;
	p2 =	por !p2, p0  }
0x20: {  	[sflag:s8] =	ssyncset.s32 @!p0 $0xFFFFF086;
	s6 =	sadd.s32 @!p0 s3, s7;
	s7 =	simm.s32 @!p0 $0x108  }
0x21: {  	s3 =	sadd.s32 s3, s9;
	s6 =	sadd.s32 @!p0 $0x88, s6;
	s7 =	simm.s32 @p2 $0x1082  }
0x22: {  	[simem:s7], [sflag:s8] =	dma.local @!p0 [hbm:s6], $0xF7A  }
0x23: {  	s9 =	sor.u32 $0xD0000000, s2;
	s6 =	simm.s32 $0x108;
	_ =	swait.ge @!p0 [sflag:s8], $0x0  }
0x24: {  	s3 =	sadd.s32 $0x88, s3;
	s6 =	simm.s32 @!p1 $0x1082;
	[sflag:s4] =	ssyncset.s32 $0xFFFFF086  }
0x25: {  	[simem:s6], [sflag:s4] =	dma.local [hbm:s3], $0xF7A  }
0x26: {  	[smem:$0x3F9C] =	sst s1;
	(tag) =	ssettag s2;
	_ =	strace s9  }
0x27: {  	s1 =	sld [smem:$0x3FAC]  }
0x28: {  	s2 =	sld [smem:$0x3FAD]  }
0x29: {  	s4 =	sld [smem:$0x3FAF]  }
0x2a: {  	p0 =	seq.s32 s5, $0x0;
	s5 =	sld [smem:$0x3FB0]  }
0x2b: {  	s6 =	sld [smem:$0x3FB1]  }
0x2c: {  	s7 =	sld [smem:$0x3FB2]  }
0x2d: {  	s3 =	simm.s32 $0x108;
	s8 =	sld [smem:$0x3FB3]  }
0x2e: {  	s3 =	simm.s32 @!p0 $0x1082;
	s9 =	sld [smem:$0x3FB4]  }
0x2f: {  	lr =	sadd.s32 s0, s3;
	s0 =	sld [smem:$0x3FAB]  }
0x30: {  	s3 =	sld [smem:$0x3FAE]  }
0x31: {  	[smem:$0x3FB7] =	sst s10  }
0x32: {  	s10 =	sld [smem:$0x3FB5];
	_ =	sdelay $0x3  }
0x33: {  	p0 =	seq.s32 s10, $0x1;
	s10 =	sld [smem:$0x3FB7];
	_ =	sdelay $0x3  }
0x34: {  	[smem:$0x3FB7] =	sst s10  }
0x35: {  	s10 =	sld [smem:$0x3FB6];
	_ =	sdelay $0x3  }
0x36: {  	p1 =	seq.s32 s10, $0x1;
	s10 =	sld [smem:$0x3FB7];
	_ =	sdelay $0x3  }
0x37: {  	[smem:$0x3FB7] =	sst s10  }
0x38: {  	s10 =	sld [smem:$0x3FB8]  }
0x39: {  	_ = 	snop;
	(pc) =	sbr.ind lr, $3  }
0x3a: {  	_ = 	snop  }
0x3b: {  	_ = 	snop  }
0x3c: {  	p2 =	seq.s32 s10, $0x1;
	s10 =	sld [smem:$0x3FB7]  }
0x3d: {  	_ =	shalt  }
0x3e: {  	_ =	shalt  }
0x3f: {  	_ =	shalt  }
0x40: {  	_ =	shalt  }
0x41: {  	_ =	shalt  }
0x42: {  	_ =	shalt  }
0x43: {  	_ =	shalt  }
0x44: {  	_ =	shalt  }
0x45: {  	_ =	shalt  }
0x46: {  	_ =	shalt  }
0x47: {  	_ =	shalt  }
0x48: {  	_ =	shalt  }
0x49: {  	_ =	shalt  }
0x4a: {  	_ =	shalt  }
0x4b: {  	_ =	shalt  }
0x4c: {  	_ =	shalt  }
0x4d: {  	_ =	shalt  }
0x4e: {  	_ =	shalt  }
0x4f: {  	_ =	shalt  }
0x50: {  	_ =	shalt  }
0x51: {  	_ =	shalt  }
0x52: {  	_ =	shalt  }
0x53: {  	_ =	shalt  }
0x54: {  	_ =	shalt  }
0x55: {  	_ =	shalt  }
0x56: {  	_ =	shalt  }
0x57: {  	_ =	shalt  }
0x58: {  	_ =	shalt  }
0x59: {  	_ =	shalt  }
0x5a: {  	_ =	shalt  }
0x5b: {  	_ =	shalt  }
0x5c: {  	_ =	shalt  }
0x5d: {  	_ =	shalt  }
0x5e: {  	_ =	shalt  }
0x5f: {  	_ =	shalt  }
0x60: {  	_ =	shalt  }
0x61: {  	_ =	shalt  }
0x62: {  	_ =	shalt  }
0x63: {  	_ =	shalt  }
0x64: {  	_ =	shalt  }
0x65: {  	_ =	shalt  }
0x66: {  	_ =	shalt  }
0x67: {  	_ =	shalt  }
0x68: {  	_ =	shalt  }
0x69: {  	_ =	shalt  }
0x6a: {  	_ =	shalt  }
0x6b: {  	_ =	shalt  }
0x6c: {  	_ =	shalt  }
0x6d: {  	_ =	shalt  }
0x6e: {  	_ =	shalt  }
0x6f: {  	_ =	shalt  }
0x70: {  	_ =	shalt  }
0x71: {  	_ =	shalt  }
0x72: {  	_ =	shalt  }
0x73: {  	_ =	shalt  }
0x74: {  	_ =	shalt  }
0x75: {  	_ =	shalt  }
0x76: {  	_ =	shalt  }
0x77: {  	_ =	shalt  }
0x78: {  	_ =	shalt  }
0x79: {  	_ =	shalt  }
0x7a: {  	_ =	shalt  }
0x7b: {  	_ =	shalt  }
0x7c: {  	_ =	shalt  }
0x7d: {  	_ =	shalt  }
0x7e: {  	_ =	shalt  }
0x7f: {  	_ =	shalt  }
0x80: {  	_ =	shalt  }
0x81: {  	_ =	shalt  }
0x82: {  	_ =	shalt  }
0x83: {  	_ =	shalt  }
0x84: {  	_ =	shalt  }
0x85: {  	_ =	shalt  }
0x86: {  	_ =	shalt  }
0x87: {  	_ =	shalt  }
.Lfunc_end0:
.L_simem_size_0:
called_computation_lowered:
.L_overlay_start_0:
0x88: {  	s2 =	sld [smem:$0x3FD9]  }
0x89: {  	s3 =	sld [smem:$0x3FFE];
	_ =	sdelay $0x1  }
0x8a: {  	s1 =	srdreg.scid  }
0x8b: {  	s0 =	sand.u32 $0x1, s1  }
0x8c: {  	s17 =	sshll.u32 s0, $0xA;
	s2 =	sadd.s32 s3, s2  }
0x8d: {  	s2 =	sadd.s32 s2, s17  }
0x8e: {  	[smem:$0x3FC3] =	sst s2  }
0x8f: {  	_ = 	snop  }
0x90: {  	s2 =	sld [smem:$0x3FC8]  }
0x91: {  	s18 =	sld [smem:$0x3FD0];
	(tm) =	ssettm $0x1  }
0x92: {  	s4 =	sld [smem:$0x3FFB];
	_ =	sdelay $0x3  }
0x93: {  	_ =	strace s4  }
0x94: {  	s4 =	sld [smem:$0x3FFC];
	_ =	sdelay $0x3  }
0x95: {  	_ =	strace s4  }
0x96: {  	s4 =	sld [smem:$0x3FFD];
	_ =	sdelay $0x3  }
0x97: {  	_ =	strace s4  }
0x98: {  	_ =	strace $0x8FFFFFFF  }
0x99: {  	s19 =	sld [smem:$0x3FDB];
	_ =	sdelay $0x1  }
0x9a: {  	s5 =	simm.s32 $_scs_section_size  }
0x9b: {  	s6 =	simm.s32 $_size__tile_overlayer_lowered;
	s7 =	simm.s32 $_tile_overlayer_lowered  }
0x9c: {  	s22 =	simm.s32 $0x1BFF;
	s21 =	sshll.u32 s7, $0x1;
	s4 =	sadd.s32 s5, s19  }
0x9d: {  	s8 =	simm.s32 $0x0;
	s20 =	sshll.u32 s6, $0x1;
	s6 =	sadd.s32 s21, s4  }
0x9e: {  	[timem:s8], [sflag:s22] =	dma.local [hbm:s6], s20  }
0x9f: {  	_ =	swait.ge [sflag:s22], s20  }
0xa0: {  	s5 =	ssub.s32 $0x0, s20;
	[sflag:s22] =	ssyncset.done $0x0  }
0xa1: {  	[sflag:s22] =	ssyncadd.s32 s5;
	_ =	sdelay $0x1  }
0xa2: {  	s23 =	simm.s32 $0x1B8B  }
0xa3: {  	_ =	swait.ge [sflag:s23], $0x1  }
0xa4: {  	[sflag:s23] =	ssyncset.done $0x0  }
0xa5: {  	s25 =	simm.s32 $0x1B8E;
	s24 =	sld [smem:$0x3FFE];
	[sflag:s23] =	ssyncadd.s32 $0xFFFFFFFF  }
0xa6: {  	s26 =	simm.s32 $execute0_lowered;
	[smem:$0x3FD2] =	sst s25  }
0xa7: {  	s6 =	sshll.u32 s26, $0x1;
	_ =	strace $0x80000046;
	[dreg:$0x1] =	wrdreg $0xFFFFFFFF  }
0xa8: {  	s28 =	simm.s32 $_size_execute0_lowered;
	s4 =	sadd.s32 s4, s6;
	[dreg:$0x0] =	wrdreg $0x0  }
0xa9: {  	s6 =	sshll.u32 s28, $0x1;
	[dreg:$0x2] =	wrdreg s4  }
0xaa: {  	[dreg:$0x3] =	wrdreg s6  }
0xab: {  	[dreg:$0x4] =	wrdreg $0xC0  }
0xac: {  	_ =	task [dreg:s8], $0x5FFFF  }
0xad: {  	[dreg:$0x1] =	wrdreg $0xFFFFFFFF  }
0xae: {  	[dreg:$0x0] =	wrdreg $0x60  }
0xaf: {  	[dreg:$0x2] =	wrdreg s18  }
0xb0: {  	[dreg:$0x3] =	wrdreg s2  }
0xb1: {  	[dreg:$0x4] =	wrdreg s24  }
0xb2: {  	[dreg:$0x5] =	wrdreg $0x9  }
0xb3: {  	_ =	task.clear_ibuf [dreg:s8], $0x6FFFF;
	_ =	strace $0x90000046  }
0xb4: {  	s29 =	simm.s32 $0x9;
	_ =	strace $0x80000048  }
0xb5: {  	_ =	swait.ge [sflag:s29], $0x1  }
0xb6: {  	[sflag:s29] =	ssyncadd.s32 $0xFFFFFFFF  }
0xb7: {  	_ =	strace $0x90000048  }
0xb8: {  	_ =	sfence  }
0xb9: {  	s30 =	sld [smem:$0x0];
	_ =	sdelay $0x2  }
0xba: {  	s31 =	sshll.u32 s1, $0xD;
	s1 =	sshrl.u32 s1, $0x2  }
0xbb: {  	s3 =	sand.u32 $0x4000, s31;
	s1 =	sadd.s32 s1, s30  }
0xbc: {  	s0 =	sor.u32 s3, s0;
	s1 =	sshll.u32 s1, $0x11  }
0xbd: {  	s0 =	sor.u32 s1, s0  }
0xbe: {  	s0 =	sadd.s32 $0x8F2B, s0  }
0xbf: {  	[sflag:s0] =	ssyncadd.remote.s32 $0x1  }
0xc0: {  	_ =	sfence.sel $0xFFFF  }
0xc1: {  	[dreg:$0x0] =	wrdreg $0xFFFFFFFF;
	(pc) =	sbr.abs _section_cstart, $3  }
0xc2: {  	[dreg:$0x1] =	wrdreg $0xFFFFFFFF  }
0xc3: {  	_ =	task.clear_ibuf [dreg:s8], $0x2FFFF;
	_ =	strace $0x9FFFFFFF  }
0xc4: {  	(tm) =	ssettm $0x7FFFFFFF  }
0xc5: {  	_ =	shalt  }
tec
execute0_lowered:
.L_overlay_start_1:
0x0: {  	(tag) =	ssettag $0x1  }
0x1: {  	s5 =	rddreg [dreg:$0x0];
	s1 =	srdreg.scid  }
0x2: {  	s2 =	rddreg [dreg:$0x1];
	s0 =	stileid.u32  }
0x3: {  	s7 =	rddreg [dreg:$0x2];
	s10 =	simm.s32 $0x2000;
	s11 =	simm.s32 $0x64  }
0x4: {  	s12 =	simm.s32 $0x4000;
	s13 =	simm.s32 $0x80;
	s14 =	simm.s32 $0x7400  }
0x5: {  	s15 =	simm.s32 $0x100;
	s16 =	simm.s32 $0xA800;
	s17 =	simm.s32 $0x180  }
0x6: {  	s18 =	simm.s32 $0xDC00;
	s19 =	simm.s32 $0x1;
	s20 =	simm.s32 $0x2  }
0x7: {  	s21 =	simm.s32 $0x0;
	s6 =	sand.u32 $0x1, s1;
	s3 =	sshll.u32 s0, $0xA  }
0x8: {  	s1 =	rddreg [dreg:$0x3];
	s7 =	sadd.s32 $0xA20, s7;
	s4 =	sshll.u32 s6, $0x9  }
0x9: {  	s6 =	ssub.s32 $0x2, s6;
	s3 =	sor.u32 s4, s3;
	s4 =	simm.s32 $0x0  }
0xa: {  	s9 =	sshrl.u32 s6, $0x1;
	s8 =	sshll.u32 s3, $0x5;
	[smem:$0x7FF] =	sst s4  }
0xb: {  	s31 =	ssub.s32 s6, s9;
	s9 =	simm.s32 $0x3;
	s5 =	sadd.s32 s5, s8  }
0xc: {  	_ =	strace $0x80000047;
	s8 =	smax.u32 s31, $0x1;
	s6 =	sadd.s32 $0x400, s5  }
.LBB2_1:
0xd: {  	[tilespmem:s4], [sflag:$0x3] =	stream.linear.gather [hbm4b:s5+s4], $0x2000, $0x38;
	[tilespmem:$0x12000] =	vst v63  }
0xe: {  	_ =	swait.ge [sflag:s9], $0x2000  }
0xf: {  	[sflag:s9] =	ssyncset.done $0x0  }
0x10: {  	[sflag:s9] =	ssyncadd.s32 $0xFFFFE000  }
0x11: {  	[tilespmem:s10], [sflag:$0x3] =	stream.linear.gather [hbm4b:s6+s4], $0x2000, $0x38;
	[tilespmem:$0x12000] =	vst v63  }
0x12: {  	_ = 	snop  }
0x13: {  	[tilespmem:s12], [sflag:$0x1] =	stream.indirect.gather [hbm4b:s2+s11], $0x80, s4, s11, $0xb8;
	[tilespmem:$0x12000] =	vst v63  }
0x14: {  	_ = 	snop  }
0x15: {  	[tilespmem:s14], [sflag:$0x1] =	stream.indirect.gather [hbm4b:s2+s11], $0x80, s13, s11, $0xb8;
	[tilespmem:$0x12000] =	vst v63  }
0x16: {  	_ = 	snop  }
0x17: {  	[tilespmem:s16], [sflag:$0x2] =	stream.indirect.gather [hbm4b:s2+s11], $0x80, s15, s11, $0xb8;
	[tilespmem:$0x12000] =	vst v63  }
0x18: {  	s22 =	simm.s32 $0x0  }
0x19: {  	[tilespmem:s18], [sflag:$0x2] =	stream.indirect.gather [hbm4b:s2+s11], $0x80, s17, s11, $0xb8;
	[tilespmem:$0x12000] =	vst v63  }
.LBB2_2:
0x1a: {  	_ =	swait.ge [sflag:s19], $0x3200  }
0x1b: {  	[sflag:s19] =	ssyncset.done $0x0  }
0x1c: {  	[sflag:s19] =	ssyncadd.s32 $0xFFFFCE00  }
0x1d: {  	_ =	swait.ge [sflag:s19], $0x3200  }
0x1e: {  	[sflag:s19] =	ssyncset.done $0x0  }
0x1f: {  	s24 =	simm.s32 $0x75F0;
	[sflag:s19] =	ssyncadd.s32 $0xFFFFCE00  }
0x20: {  	v4 =	vld [tilespmem:s24+$0xFFFFFF90]  }
0x21: {  	v5 =	vld [tilespmem:s24+$0xFFFFFFA0]  }
0x22: {  	v8 =	vld [tilespmem:s24+$0xFFFFFFB0]  }
0x23: {  	v9 =	vld [tilespmem:s24+$0xFFFFFFC0]  }
0x24: {  	v0 =	vld [tilespmem:s24+$0xFFFFFFD0]  }
0x25: {  	v1 =	vld [tilespmem:s24+$0xFFFFFFE0]  }
0x26: {  	v6 =	vld [tilespmem:s24+$0xFFFFCB90]  }
0x27: {  	v7 =	vld [tilespmem:s24+$0xFFFFCBA0]  }
0x28: {  	v10 =	vld [tilespmem:s24+$0xFFFFCBB0]  }
0x29: {  	v11 =	vld [tilespmem:s24+$0xFFFFCBC0]  }
0x2a: {  	v3 =	vld [tilespmem:s24+$0xFFFFCBD0]  }
0x2b: {  	v2 =	vld [tilespmem:s24+$0xFFFFCBE0]  }
0x2c: {  	v12 =	vld [tilespmem:s24+$0xFFFFFF10]  }
0x2d: {  	v13 =	vld [tilespmem:s24+$0xFFFFFF20]  }
0x2e: {  	v14 =	vld [tilespmem:s24+$0xFFFFFF30]  }
0x2f: {  	v15 =	vld [tilespmem:s24+$0xFFFFFF40]  }
0x30: {  	v18 =	vld [tilespmem:s24+$0xFFFFFF50]  }
0x31: {  	v19 =	vld [tilespmem:s24+$0xFFFFFF60]  }
0x32: {  	v16 =	vld [tilespmem:s24+$0xFFFFCB10]  }
0x33: {  	v17 =	vld [tilespmem:s24+$0xFFFFCB20]  }
0x34: {  	v20 =	vld [tilespmem:s24+$0xFFFFCB30]  }
0x35: {  	v21 =	vld [tilespmem:s24+$0xFFFFCB40]  }
0x36: {  	v22 =	vld [tilespmem:s24+$0xFFFFCB50]  }
0x37: {  	v23 =	vld [tilespmem:s24+$0xFFFFCB60]  }
0x38: {  	v24 =	vld [tilespmem:s24+$0xFFFFFE90]  }
0x39: {  	v25 =	vld [tilespmem:s24+$0xFFFFFEA0]  }
0x3a: {  	v26 =	vld [tilespmem:s24+$0xFFFFCA90]  }
0x3b: {  	v27 =	vld [tilespmem:s24+$0xFFFFCAA0]  }
0x3c: {  	v28 =	vld [tilespmem:s24+$0xFFFFFE10]  }
0x3d: {  	v29 =	vld [tilespmem:s24+$0xFFFFFE20]  }
0x3e: {  	v30 =	vld [tilespmem:s24+$0xFFFFCA10]  }
0x3f: {  	v31 =	vld [tilespmem:s24+$0xFFFFCA20]  }
0x40: {  	v32 =	vld [tilespmem:s24+$0xFFFFCA30]  }
0x41: {  	v33 =	vld [tilespmem:s24+$0xFFFFCA40]  }
0x42: {  	v34 =	vld [tilespmem:s24+$0xFFFFFE30]  }
0x43: {  	v35 =	vld [tilespmem:s24+$0xFFFFFE40]  }
0x44: {  	v36 =	vimm.f32 $0.0e+00;
	v37 =	vld [tilespmem:s24+$0xFFFFCAB0]  }
0x45: {  	v38 =	vld [tilespmem:s24+$0xFFFFCAC0];
	v30 =	vadd.f32 v30, v36;
	v31 =	vadd.f32 v31, v36  }
0x46: {  	v39 =	vld [tilespmem:s24+$0xFFFFFEB0];
	v32 =	vadd.f32 v32, v36;
	v33 =	vadd.f32 v33, v36  }
0x47: {  	v51 =	vld [tilespmem:s24+$0xFFFFFEC0];
	v28 =	vadd.f32 v28, v30;
	v29 =	vadd.f32 v29, v31  }
0x48: {  	v54 =	vld [tilespmem:s24+$0xFFFFFED0];
	v52 =	vadd.f32 v34, v32;
	v53 =	vadd.f32 v35, v33  }
0x49: {  	v55 =	vld [tilespmem:s24+$0xFFFFFEE0];
	v26 =	vadd.f32 v26, v28;
	v27 =	vadd.f32 v27, v29  }
0x4a: {  	v58 =	vld [tilespmem:s24+$0xFFFFCAD0];
	v56 =	vadd.f32 v37, v52;
	v57 =	vadd.f32 v38, v53  }
0x4b: {  	v59 =	vld [tilespmem:s24+$0xFFFFCAE0];
	v24 =	vadd.f32 v24, v26;
	v25 =	vadd.f32 v25, v27  }
0x4c: {  	v60 =	vld [tilespmem:s24+$0xFFFFFE50];
	v29 =	vadd.f32 v39, v56;
	v30 =	vadd.f32 v51, v57  }
0x4d: {  	v61 =	vld [tilespmem:s24+$0xFFFFFE60];
	v16 =	vadd.f32 v16, v24;
	v17 =	vadd.f32 v17, v25  }
0x4e: {  	v62 =	vld [tilespmem:s24+$0xFFFFCA50];
	v20 =	vadd.f32 v20, v29;
	v21 =	vadd.f32 v21, v30  }
0x4f: {  	v63 =	vld [tilespmem:s24+$0xFFFFCA60];
	v12 =	vadd.f32 v12, v16;
	v13 =	vadd.f32 v13, v17  }
0x50: {  	v16 =	vld [tilespmem:s24+$0xFFFFCA70];
	v14 =	vadd.f32 v14, v20;
	v15 =	vadd.f32 v15, v21  }
0x51: {  	v17 =	vld [tilespmem:s24+$0xFFFFCA80];
	v6 =	vadd.f32 v6, v12;
	v12 =	vadd.f32 v7, v13  }
0x52: {  	v13 =	vld [tilespmem:s24+$0xFFFFFE70];
	v10 =	vadd.f32 v10, v14;
	v11 =	vadd.f32 v11, v15  }
0x53: {  	v14 =	vld [tilespmem:s24+$0xFFFFFE80];
	v7 =	vadd.f32 v4, v6;
	v6 =	vadd.f32 v5, v12  }
0x54: {  	v12 =	vld [tilespmem:s24+$0xFFFFCAF0];
	v5 =	vadd.f32 v8, v10;
	v4 =	vadd.f32 v9, v11  }
0x55: {  	v8 =	vadd.f32 v62, v36;
	v9 =	vadd.f32 v63, v36;
	v10 =	vld [tilespmem:s24+$0xFFFFCB00]  }
0x56: {  	v11 =	vadd.f32 v16, v36;
	v15 =	vadd.f32 v17, v36;
	v16 =	vld [tilespmem:s24+$0xFFFFFEF0]  }
0x57: {  	v17 =	vld [tilespmem:s24+$0xFFFFFF00];
	v8 =	vadd.f32 v60, v8;
	v9 =	vadd.f32 v61, v9  }
0x58: {  	v20 =	vld [tilespmem:s24+$0xFFFFCB80];
	v11 =	vadd.f32 v13, v11;
	v13 =	vadd.f32 v14, v15  }
0x59: {  	v15 =	vld [tilespmem:s24+$0xFFFFCB70];
	v8 =	vadd.f32 v58, v8;
	v9 =	vadd.f32 v59, v9  }
0x5a: {  	v14 =	vadd.f32 v12, v11;
	v10 =	vadd.f32 v10, v13;
	v11 =	vld [tilespmem:s24+$0xFFFFFF70]  }
0x5b: {  	v12 =	vld [tilespmem:s24+$0xFFFFFF80];
	v8 =	vadd.f32 v54, v8;
	v9 =	vadd.f32 v55, v9  }
0x5c: {  	v13 =	vld [tilespmem:s24+$0xFFFFCBF0];
	v16 =	vadd.f32 v16, v14;
	v10 =	vadd.f32 v17, v10  }
0x5d: {  	v14 =	vld [tilespmem:s24+$0xFFFFCC00];
	v8 =	vadd.f32 v22, v8;
	v9 =	vadd.f32 v23, v9  }
0x5e: {  	v17 =	vadd.f32 v15, v16;
	v16 =	vadd.f32 v20, v10;
	v15 =	vld [tilespmem:s24+$0xFFFFFFF0]  }
0x5f: {  	s23 =	simm.s32 $0x0;
	v18 =	vadd.f32 v18, v8;
	v9 =	vadd.f32 v19, v9;
	v8 =	vld [tilespmem:s24+$0x0];
	s24 =	simm.s32 $0x77F0  }
.LBB2_3:
0x60: {  	v10 =	vld [tilespmem:s24+$0xFFFFFF90];
	v17 =	vadd.f32 v11, v17;
	v16 =	vadd.f32 v12, v16  }
0x61: {  	v11 =	vld [tilespmem:s24+$0xFFFFFFA0];
	v3 =	vadd.f32 v3, v18;
	v2 =	vadd.f32 v2, v9  }
0x62: {  	v12 =	vld [tilespmem:s24+$0xFFFFFFB0];
	v9 =	vadd.f32 v13, v17;
	v16 =	vadd.f32 v14, v16  }
0x63: {  	v17 =	vld [tilespmem:s24+$0xFFFFFFC0];
	v13 =	vadd.f32 v0, v3;
	v14 =	vadd.f32 v1, v2  }
0x64: {  	v0 =	vld [tilespmem:s24+$0xFFFFFFD0];
	v15 =	vadd.f32 v15, v9;
	v16 =	vadd.f32 v8, v16  }
0x65: {  	v1 =	vld [tilespmem:s24+$0xFFFFFFE0]  }
0x66: {  	v18 =	vld [tilespmem:s24+$0xFFFFCB90]  }
0x67: {  	v19 =	vld [tilespmem:s24+$0xFFFFCBA0]  }
0x68: {  	v20 =	vld [tilespmem:s24+$0xFFFFCBB0]  }
0x69: {  	v21 =	vld [tilespmem:s24+$0xFFFFCBC0]  }
0x6a: {  	v3 =	vld [tilespmem:s24+$0xFFFFCBD0]  }
0x6b: {  	v2 =	vld [tilespmem:s24+$0xFFFFCBE0]  }
0x6c: {  	v22 =	vld [tilespmem:s24+$0xFFFFFF10]  }
0x6d: {  	v23 =	vld [tilespmem:s24+$0xFFFFFF20]  }
0x6e: {  	v24 =	vld [tilespmem:s24+$0xFFFFFF30]  }
0x6f: {  	v25 =	vld [tilespmem:s24+$0xFFFFFF40]  }
0x70: {  	v8 =	vld [tilespmem:s24+$0xFFFFFF50]  }
0x71: {  	v9 =	vld [tilespmem:s24+$0xFFFFFF60]  }
0x72: {  	v26 =	vld [tilespmem:s24+$0xFFFFCB10]  }
0x73: {  	v27 =	vld [tilespmem:s24+$0xFFFFCB20]  }
0x74: {  	v28 =	vld [tilespmem:s24+$0xFFFFCB30]  }
0x75: {  	v29 =	vld [tilespmem:s24+$0xFFFFCB40]  }
0x76: {  	v30 =	vld [tilespmem:s24+$0xFFFFCB50]  }
0x77: {  	v31 =	vld [tilespmem:s24+$0xFFFFCB60]  }
0x78: {  	v32 =	vld [tilespmem:s24+$0xFFFFFE90]  }
0x79: {  	v33 =	vld [tilespmem:s24+$0xFFFFFEA0]  }
0x7a: {  	v34 =	vld [tilespmem:s24+$0xFFFFCA90]  }
0x7b: {  	v35 =	vld [tilespmem:s24+$0xFFFFCAA0]  }
0x7c: {  	v36 =	vld [tilespmem:s24+$0xFFFFFE10]  }
0x7d: {  	v37 =	vld [tilespmem:s24+$0xFFFFFE20]  }
0x7e: {  	v38 =	vld [tilespmem:s24+$0xFFFFCA10]  }
0x7f: {  	v39 =	vld [tilespmem:s24+$0xFFFFCA20]  }
0x80: {  	v40 =	vld [tilespmem:s24+$0xFFFFCA30]  }
0x81: {  	v41 =	vld [tilespmem:s24+$0xFFFFCA40]  }
0x82: {  	v42 =	vld [tilespmem:s24+$0xFFFFFE30]  }
0x83: {  	v43 =	vld [tilespmem:s24+$0xFFFFFE40]  }
0x84: {  	v44 =	vld [tilespmem:s24+$0xFFFFCAB0]  }
0x85: {  	v7 =	vadd.f32 v38, v7;
	v6 =	vadd.f32 v39, v6;
	v38 =	vld [tilespmem:s24+$0xFFFFCAC0]  }
0x86: {  	v5 =	vadd.f32 v40, v5;
	v4 =	vadd.f32 v41, v4;
	v39 =	vld [tilespmem:s24+$0xFFFFFEB0]  }
0x87: {  	v7 =	vadd.f32 v36, v7;
	v6 =	vadd.f32 v37, v6;
	v36 =	vld [tilespmem:s24+$0xFFFFFEC0]  }
0x88: {  	v5 =	vadd.f32 v42, v5;
	v4 =	vadd.f32 v43, v4;
	v37 =	vld [tilespmem:s24+$0xFFFFFED0]  }
0x89: {  	v7 =	vadd.f32 v34, v7;
	v6 =	vadd.f32 v35, v6;
	v34 =	vld [tilespmem:s24+$0xFFFFFEE0]  }
0x8a: {  	v5 =	vadd.f32 v44, v5;
	v4 =	vadd.f32 v38, v4;
	v35 =	vld [tilespmem:s24+$0xFFFFCAD0]  }
0x8b: {  	v7 =	vadd.f32 v32, v7;
	v6 =	vadd.f32 v33, v6;
	v32 =	vld [tilespmem:s24+$0xFFFFCAE0]  }
0x8c: {  	v5 =	vadd.f32 v39, v5;
	v33 =	vld [tilespmem:s24+$0xFFFFFE50];
	v4 =	vadd.f32 v36, v4  }
0x8d: {  	v7 =	vadd.f32 v26, v7;
	v6 =	vadd.f32 v27, v6;
	v36 =	vld [tilespmem:s24+$0xFFFFFE60]  }
0x8e: {  	v5 =	vadd.f32 v28, v5;
	v26 =	vld [tilespmem:s24+$0xFFFFCA50];
	v4 =	vadd.f32 v29, v4  }
0x8f: {  	v7 =	vadd.f32 v22, v7;
	v6 =	vadd.f32 v23, v6;
	v27 =	vld [tilespmem:s24+$0xFFFFCA60]  }
0x90: {  	v5 =	vadd.f32 v24, v5;
	v22 =	vld [tilespmem:s24+$0xFFFFCA70];
	v4 =	vadd.f32 v25, v4  }
0x91: {  	s23 =	sadd.s32 $0x4, s23;
	v7 =	vadd.f32 v18, v7;
	v6 =	vadd.f32 v19, v6;
	v23 =	vld [tilespmem:s24+$0xFFFFCA80]  }
0x92: {  	p0 =	slt.u32 s23, $0x60;
	v5 =	vadd.f32 v20, v5;
	v18 =	vld [tilespmem:s24+$0xFFFFFE70];
	v4 =	vadd.f32 v21, v4  }
0x93: {  	v7 =	vadd.f32 v10, v7;
	v6 =	vadd.f32 v11, v6;
	v19 =	vld [tilespmem:s24+$0xFFFFFE80]  }
0x94: {  	v5 =	vadd.f32 v12, v5;
	v10 =	vld [tilespmem:s24+$0xFFFFCAF0];
	v4 =	vadd.f32 v17, v4  }
0x95: {  	v11 =	vadd.f32 v26, v13;
	v12 =	vadd.f32 v27, v14;
	v13 =	vld [tilespmem:s24+$0xFFFFCB00]  }
0x96: {  	v14 =	vadd.f32 v22, v15;
	v15 =	vadd.f32 v23, v16;
	v16 =	vld [tilespmem:s24+$0xFFFFFEF0]  }
0x97: {  	v11 =	vadd.f32 v33, v11;
	v12 =	vadd.f32 v36, v12;
	v17 =	vld [tilespmem:s24+$0xFFFFFF00]  }
0x98: {  	v14 =	vadd.f32 v18, v14;
	v15 =	vadd.f32 v19, v15;
	v18 =	vld [tilespmem:s24+$0xFFFFCB70]  }
0x99: {  	v19 =	vadd.f32 v35, v11;
	v12 =	vadd.f32 v32, v12;
	v20 =	vld [tilespmem:s24+$0xFFFFCB80]  }
0x9a: {  	v10 =	vadd.f32 v10, v14;
	v13 =	vadd.f32 v13, v15;
	v11 =	vld [tilespmem:s24+$0xFFFFFF70]  }
.Ltmp0:
0x9b: {  	v14 =	vadd.f32 v37, v19;
	v15 =	vadd.f32 v34, v12;
	v12 =	vld [tilespmem:s24+$0xFFFFFF80];
	(pc) =	sbr.rel @p0 .LBB2_3-.Ltmp0, $4  }
0x9c: {  	v10 =	vadd.f32 v16, v10;
	v16 =	vadd.f32 v17, v13;
	v13 =	vld [tilespmem:s24+$0xFFFFCBF0]  }
0x9d: {  	v19 =	vadd.f32 v30, v14;
	v21 =	vadd.f32 v31, v15;
	v14 =	vld [tilespmem:s24+$0xFFFFCC00]  }
0x9e: {  	v17 =	vadd.f32 v18, v10;
	v16 =	vadd.f32 v20, v16;
	v15 =	vld [tilespmem:s24+$0xFFFFFFF0]  }
0x9f: {  	v18 =	vadd.f32 v8, v19;
	v9 =	vadd.f32 v9, v21;
	v8 =	vld [tilespmem:s24+$0x0];
	s24 =	sadd.s32 $0x200, s24  }
0xa0: {  	s23 =	sshll.u32 s22, $0x8  }
0xa1: {  	s24 =	sand.u32 $0xF00, s23  }
0xa2: {  	v10 =	vadd.f32 v11, v17;
	v3 =	vadd.f32 v3, v18;
	[tilespmem:s24+$0x11000] =	vst v7  }
0xa3: {  	v2 =	vadd.f32 v2, v9;
	v7 =	vadd.f32 v12, v16;
	[tilespmem:s24+$0x11010] =	vst v6  }
0xa4: {  	s23 =	sshll.u32 s22, $0x1;
	v6 =	vadd.f32 v13, v10;
	[tilespmem:s24+$0x11020] =	vst v5;
	v0 =	vadd.f32 v0, v3  }
0xa5: {  	[tilespmem:s24+$0x11030] =	vst v4;
	s25 =	sadd.s32 $0x2, s23;
	v1 =	vadd.f32 v1, v2;
	v3 =	vadd.f32 v14, v7  }
0xa6: {  	p0 =	seq.s32 s22, $0xFF;
	s26 =	sand.u32 $0x1E, s25;
	v2 =	vadd.f32 v15, v6;
	[tilespmem:s24+$0x11040] =	vst v0  }
0xa7: {  	p1 =	sne.s32 @!p0 s26, $0x0;
	[tilespmem:s24+$0x11050] =	vst v1;
	v0 =	vadd.f32 v8, v3  }
0xa8: {  	p1 =	por p1, p0;
	[tilespmem:s24+$0x11060] =	vst v2  }
0xa9: {  	[tilespmem:s24+$0x11070] =	vst v0;
	s24 =	simm.s32 @!p1 $0x3  }
0xaa: {  	_ =	swait.ge @!p1 [sflag:s24], $0x2000  }
0xab: {  	[sflag:s24] =	ssyncset.done @!p1 $0x0  }
0xac: {  	s29 =	simm.s32 @!p0 $0x4000;
	s28 =	sshll.u32 @!p0 s25, $0x8;
	[sflag:s24] =	ssyncadd.s32 @!p1 $0xFFFFE000  }
0xad: {  	s24 =	sand.u32 @!p0 $0x2000, s28;
	s28 =	sshll.u32 @!p0 s26, $0x8;
	p1 =	sgt.u32 @!p0 s22, $0xEE  }
0xae: {  	s24 =	sor.u32 @!p0 s28, s24;
	s28 =	simm.s32 @!p0 $0x64;
	p2 =	por p1, p0  }
0xaf: {  	[tilespmem:s29], [sflag:$0x1] =	stream.indirect.gather @!p0 [hbm4b:s2+s28], $0x80, s24, s28, $0xb8;
	[tilespmem:$0x12000] =	vst v63  }
0xb0: {  	p2 =	sne.s32 @!p2 s26, $0x2  }
0xb1: {  	s24 =	sor.u32 @!p0 $0x80, s24;
	s29 =	simm.s32 @!p0 $0x7400;
	p1 =	por @!p0 p2, p1  }
0xb2: {  	[tilespmem:s29], [sflag:$0x1] =	stream.indirect.gather @!p0 [hbm4b:s2+s28], $0x80, s24, s28, $0xb8;
	[tilespmem:$0x12000] =	vst v63  }
0xb3: {  	s24 =	sshrl.u32 @!p0 s25, $0x5;
	p1 =	por p1, p0  }
0xb4: {  	s24 =	sadd.s32 @!p1 $0x1, s24  }
0xb5: {  	s25 =	sshll.u32 @!p1 s24, $0xA;
	s24 =	sshll.u32 @!p1 s24, $0xD  }
0xb6: {  	s26 =	simm.s32 @!p1 $0x0;
	s24 =	sand.u32 @!p1 $0x2000, s24;
	s25 =	sadd.s32 @!p1 s25, s5  }
0xb7: {  	[tilespmem:s24], [sflag:$0x3] =	stream.linear.gather @!p1 [hbm4b:s25+s26], $0x2000, $0x38;
	[tilespmem:$0x12000] =	vst v63  }
0xb8: {  	_ =	swait.ge [sflag:s20], $0x3200  }
0xb9: {  	[sflag:s20] =	ssyncset.done $0x0  }
0xba: {  	[sflag:s20] =	ssyncadd.s32 $0xFFFFCE00  }
0xbb: {  	_ =	swait.ge [sflag:s20], $0x3200  }
0xbc: {  	[sflag:s20] =	ssyncset.done $0x0  }
0xbd: {  	s31 =	simm.s32 $0xA800;
	[sflag:s20] =	ssyncadd.s32 $0xFFFFCE00  }
0xbe: {  	v4 =	vld [tilespmem:s31+$0x3580]  }
0xbf: {  	v5 =	vld [tilespmem:s31+$0x3590]  }
0xc0: {  	v8 =	vld [tilespmem:s31+$0x35A0]  }
0xc1: {  	v9 =	vld [tilespmem:s31+$0x35B0]  }
0xc2: {  	v0 =	vld [tilespmem:s31+$0x35C0]  }
0xc3: {  	v1 =	vld [tilespmem:s31+$0x35D0]  }
0xc4: {  	v6 =	vld [tilespmem:s31+$0x180]  }
0xc5: {  	v7 =	vld [tilespmem:s31+$0x190]  }
0xc6: {  	v10 =	vld [tilespmem:s31+$0x1A0]  }
0xc7: {  	v11 =	vld [tilespmem:s31+$0x1B0]  }
0xc8: {  	v3 =	vld [tilespmem:s31+$0x1C0]  }
0xc9: {  	v2 =	vld [tilespmem:s31+$0x1D0]  }
0xca: {  	v12 =	vld [tilespmem:s31+$0x3500]  }
0xcb: {  	v13 =	vld [tilespmem:s31+$0x3510]  }
0xcc: {  	v14 =	vld [tilespmem:s31+$0x3520]  }
0xcd: {  	v15 =	vld [tilespmem:s31+$0x3530]  }
0xce: {  	v18 =	vld [tilespmem:s31+$0x3540]  }
0xcf: {  	v19 =	vld [tilespmem:s31+$0x3550]  }
0xd0: {  	v16 =	vld [tilespmem:s31+$0x100]  }
0xd1: {  	v17 =	vld [tilespmem:s31+$0x110]  }
0xd2: {  	v20 =	vld [tilespmem:s31+$0x120]  }
0xd3: {  	v21 =	vld [tilespmem:s31+$0x130]  }
0xd4: {  	v22 =	vld [tilespmem:s31+$0x140]  }
0xd5: {  	v23 =	vld [tilespmem:s31+$0x150]  }
0xd6: {  	v24 =	vld [tilespmem:s31+$0x3480]  }
0xd7: {  	v25 =	vld [tilespmem:s31+$0x3490]  }
0xd8: {  	v26 =	vld [tilespmem:s31+$0x80]  }
0xd9: {  	v27 =	vld [tilespmem:s31+$0x90]  }
0xda: {  	v28 =	vld [tilespmem:s31+$0x3400]  }
0xdb: {  	v29 =	vld [tilespmem:s31+$0x3410]  }
0xdc: {  	v30 =	vld [tilespmem:s31+$0x0]  }
0xdd: {  	v31 =	vld [tilespmem:s31+$0x10]  }
0xde: {  	v32 =	vld [tilespmem:s31+$0x20]  }
0xdf: {  	v33 =	vld [tilespmem:s31+$0x30]  }
0xe0: {  	v34 =	vld [tilespmem:s31+$0x3420]  }
0xe1: {  	v35 =	vld [tilespmem:s31+$0x3430]  }
0xe2: {  	v36 =	vimm.f32 $0.0e+00;
	v37 =	vld [tilespmem:s31+$0xA0]  }
0xe3: {  	v38 =	vld [tilespmem:s31+$0xB0];
	v30 =	vadd.f32 v30, v36;
	v31 =	vadd.f32 v31, v36  }
0xe4: {  	v39 =	vld [tilespmem:s31+$0x34A0];
	v32 =	vadd.f32 v32, v36;
	v33 =	vadd.f32 v33, v36  }
0xe5: {  	v51 =	vld [tilespmem:s31+$0x34B0];
	v28 =	vadd.f32 v28, v30;
	v29 =	vadd.f32 v29, v31  }
0xe6: {  	v54 =	vld [tilespmem:s31+$0x34C0];
	v52 =	vadd.f32 v34, v32;
	v53 =	vadd.f32 v35, v33  }
0xe7: {  	v55 =	vld [tilespmem:s31+$0x34D0];
	v26 =	vadd.f32 v26, v28;
	v27 =	vadd.f32 v27, v29  }
0xe8: {  	v58 =	vld [tilespmem:s31+$0xC0];
	v56 =	vadd.f32 v37, v52;
	v57 =	vadd.f32 v38, v53  }
0xe9: {  	v59 =	vld [tilespmem:s31+$0xD0];
	v24 =	vadd.f32 v24, v26;
	v25 =	vadd.f32 v25, v27  }
0xea: {  	v60 =	vld [tilespmem:s31+$0x3440];
	v29 =	vadd.f32 v39, v56;
	v30 =	vadd.f32 v51, v57  }
0xeb: {  	v61 =	vld [tilespmem:s31+$0x3450];
	v16 =	vadd.f32 v16, v24;
	v17 =	vadd.f32 v17, v25  }
0xec: {  	v62 =	vld [tilespmem:s31+$0x40];
	v20 =	vadd.f32 v20, v29;
	v21 =	vadd.f32 v21, v30  }
0xed: {  	v63 =	vld [tilespmem:s31+$0x50];
	v12 =	vadd.f32 v12, v16;
	v13 =	vadd.f32 v13, v17  }
0xee: {  	v16 =	vld [tilespmem:s31+$0x60];
	v14 =	vadd.f32 v14, v20;
	v15 =	vadd.f32 v15, v21  }
0xef: {  	v17 =	vld [tilespmem:s31+$0x70];
	v6 =	vadd.f32 v6, v12;
	v12 =	vadd.f32 v7, v13  }
0xf0: {  	v13 =	vld [tilespmem:s31+$0x3460];
	v10 =	vadd.f32 v10, v14;
	v11 =	vadd.f32 v11, v15  }
0xf1: {  	v14 =	vld [tilespmem:s31+$0x3470];
	v7 =	vadd.f32 v4, v6;
	v6 =	vadd.f32 v5, v12  }
0xf2: {  	v12 =	vld [tilespmem:s31+$0xE0];
	v5 =	vadd.f32 v8, v10;
	v4 =	vadd.f32 v9, v11  }
0xf3: {  	v8 =	vadd.f32 v62, v36;
	v9 =	vadd.f32 v63, v36;
	v10 =	vld [tilespmem:s31+$0xF0]  }
0xf4: {  	v11 =	vadd.f32 v16, v36;
	v15 =	vadd.f32 v17, v36;
	v16 =	vld [tilespmem:s31+$0x34E0]  }
0xf5: {  	v17 =	vld [tilespmem:s31+$0x34F0];
	v8 =	vadd.f32 v60, v8;
	v9 =	vadd.f32 v61, v9  }
0xf6: {  	v20 =	vld [tilespmem:s31+$0x170];
	v11 =	vadd.f32 v13, v11;
	v13 =	vadd.f32 v14, v15  }
0xf7: {  	v15 =	vld [tilespmem:s31+$0x160];
	v8 =	vadd.f32 v58, v8;
	v9 =	vadd.f32 v59, v9  }
0xf8: {  	v14 =	vadd.f32 v12, v11;
	v10 =	vadd.f32 v10, v13;
	v11 =	vld [tilespmem:s31+$0x3560]  }
0xf9: {  	v12 =	vld [tilespmem:s31+$0x3570];
	v8 =	vadd.f32 v54, v8;
	v9 =	vadd.f32 v55, v9  }
0xfa: {  	v13 =	vld [tilespmem:s31+$0x1E0];
	v16 =	vadd.f32 v16, v14;
	v10 =	vadd.f32 v17, v10  }
0xfb: {  	v14 =	vld [tilespmem:s31+$0x1F0];
	v8 =	vadd.f32 v22, v8;
	v9 =	vadd.f32 v23, v9  }
0xfc: {  	v17 =	vadd.f32 v15, v16;
	v16 =	vadd.f32 v20, v10;
	v15 =	vld [tilespmem:s31+$0x35E0]  }
0xfd: {  	s24 =	simm.s32 $0x0;
	s25 =	simm.s32 $0xAA00;
	v18 =	vadd.f32 v18, v8;
	v9 =	vadd.f32 v19, v9;
	v8 =	vld [tilespmem:s31+$0x35F0]  }
.LBB2_5:
0xfe: {  	v10 =	vld [tilespmem:s25+$0x3580];
	v17 =	vadd.f32 v11, v17;
	v16 =	vadd.f32 v12, v16  }
0xff: {  	v11 =	vld [tilespmem:s25+$0x3590];
	v3 =	vadd.f32 v3, v18;
	v2 =	vadd.f32 v2, v9  }
0x100: {  	v12 =	vld [tilespmem:s25+$0x35A0];
	v9 =	vadd.f32 v13, v17;
	v16 =	vadd.f32 v14, v16  }
0x101: {  	v17 =	vld [tilespmem:s25+$0x35B0];
	v13 =	vadd.f32 v0, v3;
	v14 =	vadd.f32 v1, v2  }
0x102: {  	v0 =	vld [tilespmem:s25+$0x35C0];
	v15 =	vadd.f32 v15, v9;
	v16 =	vadd.f32 v8, v16  }
0x103: {  	v1 =	vld [tilespmem:s25+$0x35D0]  }
0x104: {  	v18 =	vld [tilespmem:s25+$0x180]  }
0x105: {  	v19 =	vld [tilespmem:s25+$0x190]  }
0x106: {  	v20 =	vld [tilespmem:s25+$0x1A0]  }
0x107: {  	v21 =	vld [tilespmem:s25+$0x1B0]  }
0x108: {  	v3 =	vld [tilespmem:s25+$0x1C0]  }
0x109: {  	v2 =	vld [tilespmem:s25+$0x1D0]  }
0x10a: {  	v22 =	vld [tilespmem:s25+$0x3500]  }
0x10b: {  	v23 =	vld [tilespmem:s25+$0x3510]  }
0x10c: {  	v24 =	vld [tilespmem:s25+$0x3520]  }
0x10d: {  	v25 =	vld [tilespmem:s25+$0x3530]  }
0x10e: {  	v8 =	vld [tilespmem:s25+$0x3540]  }
0x10f: {  	v9 =	vld [tilespmem:s25+$0x3550]  }
0x110: {  	v26 =	vld [tilespmem:s25+$0x100]  }
0x111: {  	v27 =	vld [tilespmem:s25+$0x110]  }
0x112: {  	v28 =	vld [tilespmem:s25+$0x120]  }
0x113: {  	v29 =	vld [tilespmem:s25+$0x130]  }
0x114: {  	v30 =	vld [tilespmem:s25+$0x140]  }
0x115: {  	v31 =	vld [tilespmem:s25+$0x150]  }
0x116: {  	v32 =	vld [tilespmem:s25+$0x3480]  }
0x117: {  	v33 =	vld [tilespmem:s25+$0x3490]  }
0x118: {  	v34 =	vld [tilespmem:s25+$0x80]  }
0x119: {  	v35 =	vld [tilespmem:s25+$0x90]  }
0x11a: {  	v36 =	vld [tilespmem:s25+$0x3400]  }
0x11b: {  	v37 =	vld [tilespmem:s25+$0x3410]  }
0x11c: {  	v38 =	vld [tilespmem:s25+$0x0]  }
0x11d: {  	v39 =	vld [tilespmem:s25+$0x10]  }
0x11e: {  	v40 =	vld [tilespmem:s25+$0x20]  }
0x11f: {  	v41 =	vld [tilespmem:s25+$0x30]  }
0x120: {  	v42 =	vld [tilespmem:s25+$0x3420]  }
0x121: {  	v43 =	vld [tilespmem:s25+$0x3430]  }
0x122: {  	v44 =	vld [tilespmem:s25+$0xA0]  }
0x123: {  	v7 =	vadd.f32 v38, v7;
	v6 =	vadd.f32 v39, v6;
	v38 =	vld [tilespmem:s25+$0xB0]  }
0x124: {  	v5 =	vadd.f32 v40, v5;
	v4 =	vadd.f32 v41, v4;
	v39 =	vld [tilespmem:s25+$0x34A0]  }
0x125: {  	v7 =	vadd.f32 v36, v7;
	v6 =	vadd.f32 v37, v6;
	v36 =	vld [tilespmem:s25+$0x34B0]  }
0x126: {  	v5 =	vadd.f32 v42, v5;
	v4 =	vadd.f32 v43, v4;
	v37 =	vld [tilespmem:s25+$0x34C0]  }
0x127: {  	v7 =	vadd.f32 v34, v7;
	v6 =	vadd.f32 v35, v6;
	v34 =	vld [tilespmem:s25+$0x34D0]  }
0x128: {  	v5 =	vadd.f32 v44, v5;
	v4 =	vadd.f32 v38, v4;
	v35 =	vld [tilespmem:s25+$0xC0]  }
0x129: {  	v7 =	vadd.f32 v32, v7;
	v6 =	vadd.f32 v33, v6;
	v32 =	vld [tilespmem:s25+$0xD0]  }
0x12a: {  	v5 =	vadd.f32 v39, v5;
	v33 =	vld [tilespmem:s25+$0x3440];
	v4 =	vadd.f32 v36, v4  }
0x12b: {  	v7 =	vadd.f32 v26, v7;
	v6 =	vadd.f32 v27, v6;
	v36 =	vld [tilespmem:s25+$0x3450]  }
0x12c: {  	v5 =	vadd.f32 v28, v5;
	v26 =	vld [tilespmem:s25+$0x40];
	v4 =	vadd.f32 v29, v4  }
0x12d: {  	v7 =	vadd.f32 v22, v7;
	v6 =	vadd.f32 v23, v6;
	v27 =	vld [tilespmem:s25+$0x50]  }
0x12e: {  	v5 =	vadd.f32 v24, v5;
	v22 =	vld [tilespmem:s25+$0x60];
	v4 =	vadd.f32 v25, v4  }
0x12f: {  	s24 =	sadd.s32 $0x4, s24;
	v7 =	vadd.f32 v18, v7;
	v6 =	vadd.f32 v19, v6;
	v23 =	vld [tilespmem:s25+$0x70]  }
0x130: {  	p1 =	slt.u32 s24, $0x60;
	v5 =	vadd.f32 v20, v5;
	v18 =	vld [tilespmem:s25+$0x3460];
	v4 =	vadd.f32 v21, v4  }
0x131: {  	v7 =	vadd.f32 v10, v7;
	v6 =	vadd.f32 v11, v6;
	v19 =	vld [tilespmem:s25+$0x3470]  }
0x132: {  	v5 =	vadd.f32 v12, v5;
	v10 =	vld [tilespmem:s25+$0xE0];
	v4 =	vadd.f32 v17, v4  }
0x133: {  	v11 =	vadd.f32 v26, v13;
	v12 =	vadd.f32 v27, v14;
	v13 =	vld [tilespmem:s25+$0xF0]  }
0x134: {  	v14 =	vadd.f32 v22, v15;
	v15 =	vadd.f32 v23, v16;
	v16 =	vld [tilespmem:s25+$0x34E0]  }
0x135: {  	v11 =	vadd.f32 v33, v11;
	v12 =	vadd.f32 v36, v12;
	v17 =	vld [tilespmem:s25+$0x34F0]  }
0x136: {  	v14 =	vadd.f32 v18, v14;
	v15 =	vadd.f32 v19, v15;
	v18 =	vld [tilespmem:s25+$0x160]  }
0x137: {  	v19 =	vadd.f32 v35, v11;
	v12 =	vadd.f32 v32, v12;
	v20 =	vld [tilespmem:s25+$0x170]  }
0x138: {  	v10 =	vadd.f32 v10, v14;
	v13 =	vadd.f32 v13, v15;
	v11 =	vld [tilespmem:s25+$0x3560]  }
.Ltmp1:
0x139: {  	v14 =	vadd.f32 v37, v19;
	v15 =	vadd.f32 v34, v12;
	v12 =	vld [tilespmem:s25+$0x3570];
	(pc) =	sbr.rel @p1 .LBB2_5-.Ltmp1, $4  }
0x13a: {  	v10 =	vadd.f32 v16, v10;
	v16 =	vadd.f32 v17, v13;
	v13 =	vld [tilespmem:s25+$0x1E0]  }
0x13b: {  	v19 =	vadd.f32 v30, v14;
	v21 =	vadd.f32 v31, v15;
	v14 =	vld [tilespmem:s25+$0x1F0]  }
0x13c: {  	v17 =	vadd.f32 v18, v10;
	v16 =	vadd.f32 v20, v16;
	v15 =	vld [tilespmem:s25+$0x35E0]  }
0x13d: {  	v18 =	vadd.f32 v8, v19;
	v9 =	vadd.f32 v9, v21;
	v8 =	vld [tilespmem:s25+$0x35F0];
	s25 =	sadd.s32 $0x200, s25  }
0x13e: {  	s24 =	sand.u32 $0x1E, s23  }
0x13f: {  	s25 =	sshll.u32 s24, $0x7  }
0x140: {  	v10 =	vadd.f32 v11, v17;
	v3 =	vadd.f32 v3, v18;
	[tilespmem:s25+$0x11080] =	vst v7  }
0x141: {  	v59 =	vadd.f32 v12, v16;
	v2 =	vadd.f32 v2, v9;
	[tilespmem:s25+$0x11090] =	vst v6  }
0x142: {  	v60 =	vadd.f32 v13, v10;
	[tilespmem:s25+$0x110A0] =	vst v5;
	v0 =	vadd.f32 v0, v3  }
0x143: {  	v61 =	vadd.f32 v14, v59;
	[tilespmem:s25+$0x110B0] =	vst v4;
	v1 =	vadd.f32 v1, v2  }
0x144: {  	s26 =	sshll.u32 @!p0 s22, $0xB;
	v62 =	vadd.f32 v15, v60;
	[tilespmem:s25+$0x110C0] =	vst v0  }
0x145: {  	s26 =	sadd.s32 @!p0 $0xC00, s26;
	v63 =	vadd.f32 v8, v61;
	[tilespmem:s25+$0x110D0] =	vst v1  }
0x146: {  	s26 =	sand.u32 @!p0 $0xFC00, s26;
	[tilespmem:s25+$0x110E0] =	vst v62  }
0x147: {  	s28 =	simm.s32 @!p0 $0xA800;
	[tilespmem:s25+$0x110F0] =	vst v63;
	s25 =	sshrl.u32 @!p0 s26, $0x2;
	s26 =	simm.s32 @!p0 $0x64  }
0x148: {  	[tilespmem:s28], [sflag:$0x2] =	stream.indirect.gather @!p0 [hbm4b:s2+s26], $0x80, s25, s26, $0xb8;
	[tilespmem:$0x12000] =	vst v63  }
0x149: {  	s25 =	sor.u32 @!p0 $0x80, s25;
	s28 =	simm.s32 @!p0 $0xDC00  }
0x14a: {  	[tilespmem:s28], [sflag:$0x2] =	stream.indirect.gather @!p0 [hbm4b:s2+s26], $0x80, s25, s26, $0xb8;
	[tilespmem:$0x12000] =	vst v63  }
0x14b: {  	p0 =	sne.s32 s24, $0x1E  }
0x14c: {  	s22 =	sadd.s32 $0x1, s22;
	s23 =	sadd.s32 @!p0 s3, s23  }
0x14d: {  	p1 =	sne.s32 s22, $0x100;
	s23 =	sshll.u32 @!p0 s23, $0x4  }
0x14e: {  	s24 =	simm.s32 @!p0 $0x0;
	s25 =	simm.s32 @!p0 $0x11000;
	s23 =	sadd.s32 @!p0 s23, s7  }
0x14f: {  	[hbm4b:s23+s24] =	stream.linear.scatter @!p0 [tilespmem:s25], [sflag:$0x4], $0x1000, $0x38;
	[tilespmem:$0x12000] =	vst v63  }
.Ltmp2:
0x150: {  	_ = 	snop;
	(pc) =	sbr.rel @p1 .LBB2_2-.Ltmp2, $4  }
0x151: {  	s23 =	simm.s32 @!p0 $0x4  }
0x152: {  	_ =	swait.ge @!p0 [sflag:s23], $0x1000  }
0x153: {  	[sflag:s23] =	ssyncset.done @!p0 $0x0  }
0x154: {  	[sflag:s23] =	ssyncadd.s32 @!p0 $0xFFFFF000  }
0x155: {  	s21 =	sadd.s32 $0x1, s21  }
0x156: {  	p0 =	sne.s32 s21, s8  }
.Ltmp3:
0x157: {  	_ = 	snop;
	(pc) =	sbr.rel @p0 .LBB2_1-.Ltmp3, $1  }
0x158: {  	_ =	sdelay $0x3  }
0x159: {  	_ =	sfence.sel $0x180000  }
0x15a: {  	[bflag:$0x0] =	sbarrier.arrive $0xFFFF  }
0x15b: {  	p0 =	sne.s32 s0, $0x0;
	_ =	strace $0x90000047  }
0x15c: {  	s0 =	sadd.s32 @!p0 $0x100000, s1;
	[bflag:$0x2] =	sbarrier.arrive $0xFFFF  }
0x15d: {  	[sflag:s0] =	ssyncadd.tile.s32 @!p0 $0x1;
	_ =	shalt  }
.Lfunc_end2:
_tile_overlayer_lowered:
.L_overlay_start_2:
0x15e: {  	(tag) =	ssettag $0x2  }
0x15f: {  	s0 =	rddreg [dreg:$0x0];
	s2 =	stileid.u32  }
0x160: {  	s1 =	rddreg [dreg:$0x1];
	p0 =	sne.s32 s2, $0x0  }
0x161: {  	s3 =	rddreg [dreg:$0x2];
	[bflag:$0x3] =	sbarrier.arrive $0xFFFF;
	s2 =	simm.s32 @!p0 $0x1C04  }
0x162: {  	[timem:s3], [sflag:s2] =	dma.local @!p0 [hbm:s0], s1  }
0x163: {  	s0 =	simm.s32 @!p0 $0x4  }
0x164: {  	_ =	swait.ge @!p0 [sflag:s0], s1  }
0x165: {  	s1 =	ssub.s32 @!p0 $0x0, s1;
	[sflag:s0] =	ssyncset.done @!p0 $0x0  }
0x166: {  	[sflag:s0] =	ssyncadd.s32 @!p0 s1  }
0x167: {  	[bflag:$0x3] =	sbarrier.arrive $0xFFFF  }
0x168: {  	_ =	shalt  }

</sc_bundles>
